<compile_context>
chip_gen: v7x
topology: tpu7x:2x2x1
jax: 0.10.2.dev20260603
libtpu: 0.0.44.dev20260713+nightly
codegen_flags: <defaults>
</compile_context>

<pallas_src>
import jax
import jax.numpy as jnp
from jax import lax
from jax.experimental import pallas as pl
from jax.experimental.pallas import tpu as pltpu
from jax.experimental.pallas import tpu_sc as plsc

N = 10000
E = 320000
NC = 2
NS = 16
NW = NC * NS
EPT = E // NW
CH = 80
NCHUNK = EPT // CH
NP_ = 10112
NPS = NP_ // NS
LASTROWS = N - (NS - 1) * NPS
DW = 8
NB = 4
NI = 8

_mesh = plsc.VectorSubcoreMesh(core_axis_name="c", subcore_axis_name="s")


def _deg_body(dst3_hbm, ones_hbm, zeros_hbm, deg_hbm, dstbuf, ones_v, acc, sem4):
    c = lax.axis_index("c")
    s = lax.axis_index("s")
    w = c * NS + s

    pltpu.sync_copy(dst3_hbm.at[w], dstbuf)
    pltpu.sync_copy(ones_hbm, ones_v)
    pltpu.sync_copy(zeros_hbm, acc.at[pl.ds(s * NPS, NPS)])
    plsc.subcore_barrier()

    def step(j, carry):
        @pl.when(j >= 4)
        def _():
            pltpu.make_async_copy(ones_v, acc.at[dstbuf.at[j - 4]],
                                  sem4.at[j & 3]).wait()

        pltpu.async_copy(ones_v, acc.at[dstbuf.at[j]], sem4.at[j & 3],
                         add=True)
        return carry

    lax.fori_loop(0, NCHUNK, step, 0)

    for jt in range(NCHUNK - 4, NCHUNK):
        pltpu.make_async_copy(ones_v, acc.at[dstbuf.at[jt]],
                              sem4.at[jt & 3]).wait()

    plsc.subcore_barrier()

    @pl.when(s < NS - 1)
    def _():
        pltpu.sync_copy(acc.at[pl.ds(s * NPS, NPS)],
                        deg_hbm.at[c, pl.ds(s * NPS, NPS)])

    @pl.when(s == NS - 1)
    def _():
        pltpu.sync_copy(acc.at[pl.ds((NS - 1) * NPS, LASTROWS)],
                        deg_hbm.at[c, pl.ds((NS - 1) * NPS, LASTROWS)])


def _sc_degree(dst3, ones, zeros):
    return pl.kernel(
        _deg_body,
        out_type=jax.ShapeDtypeStruct((NC, N, DW), jnp.float32),
        mesh=_mesh,
        compiler_params=pltpu.CompilerParams(use_tc_tiling_on_sc=False),
        scratch_types=[
            pltpu.VMEM((NCHUNK, CH), jnp.int32),
            pltpu.VMEM((CH, DW), jnp.float32),
            pltpu.VMEM_SHARED((NP_, DW), jnp.float32),
            pltpu.SemaphoreType.DMA((4,)),
        ],
    )(dst3, ones, zeros)


def _push_body(zs_hbm, src3_hbm, dst3_hbm, zeros_hbm, part_hbm,
               sring, dring, rows, acc, ssm, dsm, gsem, ssem):
    c = lax.axis_index("c")
    s = lax.axis_index("s")
    w = c * NS + s

    pltpu.sync_copy(zeros_hbm, acc.at[pl.ds(s * NPS, NPS)])

    for jp in range(3):
        pltpu.async_copy(src3_hbm.at[w, jp], sring.at[jp], ssm.at[jp])
        pltpu.async_copy(dst3_hbm.at[w, jp], dring.at[jp], dsm.at[jp])

    plsc.subcore_barrier()

    def step(j, carry):
        b = j & (NB - 1)

        @pl.when(j >= 2)
        def _():
            bd = (j - 2) & (NB - 1)
            pltpu.make_async_copy(rows.at[bd],
                                  acc.at[dring.at[(j - 2) & (NI - 1)]],
                                  ssem.at[bd]).wait()

        @pl.when(j + 3 < NCHUNK)
        def _():
            i8 = (j + 3) & (NI - 1)
            pltpu.async_copy(src3_hbm.at[w, j + 3], sring.at[i8],
                             ssm.at[i8])
            pltpu.async_copy(dst3_hbm.at[w, j + 3], dring.at[i8],
                             dsm.at[i8])

        @pl.when(j + 2 < NCHUNK)
        def _():
            i8 = (j + 2) & (NI - 1)
            bg = (j + 2) & (NB - 1)
            pltpu.make_async_copy(src3_hbm.at[w, j + 2], sring.at[i8],
                                  ssm.at[i8]).wait()
            pltpu.async_copy(zs_hbm.at[sring.at[i8]], rows.at[bg],
                             gsem.at[bg])

        pltpu.make_async_copy(zs_hbm.at[sring.at[j & (NI - 1)]],
                              rows.at[b], gsem.at[b]).wait()
        pltpu.make_async_copy(dst3_hbm.at[w, j], dring.at[j & (NI - 1)],
                              dsm.at[j & (NI - 1)]).wait()
        pltpu.async_copy(rows.at[b], acc.at[dring.at[j & (NI - 1)]],
                         ssem.at[b], add=True)
        return carry

    for jp in range(2):
        pltpu.make_async_copy(src3_hbm.at[w, jp], sring.at[jp],
                              ssm.at[jp]).wait()
        pltpu.async_copy(zs_hbm.at[sring.at[jp]], rows.at[jp],
                         gsem.at[jp])

    lax.fori_loop(0, NCHUNK, step, 0)

    for jt in range(NCHUNK - 2, NCHUNK):
        bt = jt & (NB - 1)
        pltpu.make_async_copy(rows.at[bt],
                              acc.at[dring.at[jt & (NI - 1)]],
                              ssem.at[bt]).wait()
    plsc.subcore_barrier()

    @pl.when(s < NS - 1)
    def _():
        pltpu.sync_copy(acc.at[pl.ds(s * NPS, NPS)],
                        part_hbm.at[c, pl.ds(s * NPS, NPS)])

    @pl.when(s == NS - 1)
    def _():
        pltpu.sync_copy(acc.at[pl.ds((NS - 1) * NPS, LASTROWS)],
                        part_hbm.at[c, pl.ds((NS - 1) * NPS, LASTROWS)])


def _sc_push(zs, src3, dst3, zeros):
    d = zs.shape[1]
    return pl.kernel(
        _push_body,
        out_type=jax.ShapeDtypeStruct((NC, N, d), jnp.float32),
        mesh=_mesh,
        compiler_params=pltpu.CompilerParams(use_tc_tiling_on_sc=False),
        scratch_types=[
            pltpu.VMEM((NI, CH), jnp.int32),
            pltpu.VMEM((NI, CH), jnp.int32),
            pltpu.VMEM((NB, CH, d), jnp.float32),
            pltpu.VMEM_SHARED((NP_, d), jnp.float32),
            pltpu.SemaphoreType.DMA((NI,)),
            pltpu.SemaphoreType.DMA((NI,)),
            pltpu.SemaphoreType.DMA((NB,)),
            pltpu.SemaphoreType.DMA((NB,)),
        ],
    )(zs, src3, dst3, zeros)


BN = 1000


def _tc_mm_body(x_ref, w_ref, o_ref):
    o_ref[...] = jnp.dot(x_ref[...], w_ref[...],
                         preferred_element_type=jnp.float32)


def _tc_mm(x, W1):
    di = x.shape[1]
    do = W1.shape[1]
    return pl.pallas_call(
        _tc_mm_body,
        grid=(N // BN,),
        in_specs=[
            pl.BlockSpec((BN, di), lambda i: (i, 0)),
            pl.BlockSpec((di, do), lambda i: (0, 0)),
        ],
        out_specs=pl.BlockSpec((BN, do), lambda i: (i, 0)),
        out_shape=jax.ShapeDtypeStruct((N, do), jnp.float32),
    )(x, W1)


def _tc_pre_body(y_ref, d0_ref, d1_ref, o_ref):
    dinv = lax.rsqrt(d0_ref[:, 0:1] + d1_ref[:, 0:1] + 1.0)
    o_ref[...] = dinv * y_ref[...]


def _tc_pre(y1, degf):
    do = y1.shape[1]
    return pl.pallas_call(
        _tc_pre_body,
        grid=(N // BN,),
        in_specs=[
            pl.BlockSpec((BN, do), lambda i: (i, 0)),
            pl.BlockSpec((BN, DW), lambda i: (i, 0)),
            pl.BlockSpec((BN, DW), lambda i: (N // BN + i, 0)),
        ],
        out_specs=pl.BlockSpec((BN, do), lambda i: (i, 0)),
        out_shape=jax.ShapeDtypeStruct((N, do), jnp.float32),
    )(y1, degf, degf)


def _tc_mid_body(p0_ref, p1_ref, zs_ref, d0_ref, d1_ref, b_ref, w_ref, o_ref):
    dinv = lax.rsqrt(d0_ref[:, 0:1] + d1_ref[:, 0:1] + 1.0)
    h = dinv * (p0_ref[...] + p1_ref[...] + zs_ref[...]) + b_ref[...]
    h = jnp.maximum(h, 0.0)
    o_ref[...] = dinv * jnp.dot(h, w_ref[...],
                                preferred_element_type=jnp.float32)


def _tc_mid(p0, p1, zs, degf, b1, W2):
    di = zs.shape[1]
    do = W2.shape[1]
    return pl.pallas_call(
        _tc_mid_body,
        grid=(N // BN,),
        in_specs=[
            pl.BlockSpec((BN, di), lambda i: (i, 0)),
            pl.BlockSpec((BN, di), lambda i: (i, 0)),
            pl.BlockSpec((BN, di), lambda i: (i, 0)),
            pl.BlockSpec((BN, DW), lambda i: (i, 0)),
            pl.BlockSpec((BN, DW), lambda i: (N // BN + i, 0)),
            pl.BlockSpec((1, di), lambda i: (0, 0)),
            pl.BlockSpec((di, do), lambda i: (0, 0)),
        ],
        out_specs=pl.BlockSpec((BN, do), lambda i: (i, 0)),
        out_shape=jax.ShapeDtypeStruct((N, do), jnp.float32),
    )(p0, p1, zs, degf, degf, b1, W2)


def _tc_fin_body(q0_ref, q1_ref, zs_ref, d0_ref, d1_ref, b_ref, wf_ref,
                 bf_ref, pool_ref, out_ref):
    i = pl.program_id(0)
    dinv = lax.rsqrt(d0_ref[:, 0:1] + d1_ref[:, 0:1] + 1.0)
    h = dinv * (q0_ref[...] + q1_ref[...] + zs_ref[...]) + b_ref[...]
    h = jnp.maximum(h, 0.0)

    @pl.when(i == 0)
    def _():
        pool_ref[...] = jnp.zeros_like(pool_ref)

    pool_ref[...] += jnp.sum(h, axis=0, keepdims=True)

    @pl.when(i == pl.num_programs(0) - 1)
    def _():
        out_ref[...] = (jnp.sum(pool_ref[...] * wf_ref[...], axis=1,
                                keepdims=True) / N + bf_ref[...])


def _tc_fin(q0, q1, zs, degf, b2, wfT, bf2):
    di = zs.shape[1]
    _, out = pl.pallas_call(
        _tc_fin_body,
        grid=(N // BN,),
        in_specs=[
            pl.BlockSpec((BN, di), lambda i: (i, 0)),
            pl.BlockSpec((BN, di), lambda i: (i, 0)),
            pl.BlockSpec((BN, di), lambda i: (i, 0)),
            pl.BlockSpec((BN, DW), lambda i: (i, 0)),
            pl.BlockSpec((BN, DW), lambda i: (N // BN + i, 0)),
            pl.BlockSpec((1, di), lambda i: (0, 0)),
            pl.BlockSpec((1, di), lambda i: (0, 0)),
            pl.BlockSpec((1, 1), lambda i: (0, 0)),
        ],
        out_specs=[
            pl.BlockSpec((1, di), lambda i: (0, 0)),
            pl.BlockSpec((1, 1), lambda i: (0, 0)),
        ],
        out_shape=[
            jax.ShapeDtypeStruct((1, di), jnp.float32),
            jax.ShapeDtypeStruct((1, 1), jnp.float32),
        ],
    )(q0, q1, zs, degf, degf, b2, wfT, bf2)
    return out


def kernel(x, edge_index, W1, b1, W2, b2, Wf, bf):
    src3 = edge_index[0].reshape(NW, NCHUNK, CH)
    dst3 = edge_index[1].reshape(NW, NCHUNK, CH)

    ones_deg = jnp.ones((CH, DW), jnp.float32)
    zeros_deg = jnp.zeros((NPS, DW), jnp.float32)
    zeros128 = jnp.zeros((NPS, 128), jnp.float32)
    zeros64 = jnp.zeros((NPS, 64), jnp.float32)

    degp = _sc_degree(dst3, ones_deg, zeros_deg)
    y1 = _tc_mm(x, W1)
    degf = degp.reshape(NC * N, DW)

    zs1 = _tc_pre(y1, degf)
    p = _sc_push(zs1, src3, dst3, zeros128)
    zs2 = _tc_mid(p[0], p[1], zs1, degf, b1.reshape(1, -1), W2)
    q = _sc_push(zs2, src3, dst3, zeros64)
    out = _tc_fin(q[0], q[1], zs2, degf, b2.reshape(1, -1),
                  Wf.reshape(1, -1), bf.reshape(1, 1))
    return out.reshape(1)

# --- scband reference (transcript-rebuilt; emitter-appended) ---
"""Pipeline reference for scband-gcn-71098888618024 (READ-ONLY COPY).

The authoritative reference and input builder live on the scoring server;
editing this copy changes nothing except your own understanding.
"""

import jax, jax.numpy as jnp
import numpy as np

N = 10000
E = 320000
D_IN = 128
D_HID = 128
D_OUT = 64


def setup_inputs(seed: int = 0) -> dict:
    key = jax.random.key(seed)
    ks = jax.random.split(key, 9)
    x = jax.random.normal(ks[0], (N, D_IN), dtype=jnp.float32)
    edge_index = jax.random.randint(ks[1], (2, E), 0, N, dtype=jnp.int32)
    W1 = jax.random.normal(ks[2], (D_IN, D_HID), dtype=jnp.float32) * 0.05
    b1 = jnp.zeros((D_HID,), dtype=jnp.float32)
    W2 = jax.random.normal(ks[3], (D_HID, D_OUT), dtype=jnp.float32) * 0.05
    b2 = jnp.zeros((D_OUT,), dtype=jnp.float32)
    Wf = jax.random.normal(ks[4], (D_OUT, 1), dtype=jnp.float32) * 0.05
    bf = jnp.zeros((1,), dtype=jnp.float32)
    return {"x": x, "edge_index": edge_index, "W1": W1, "b1": b1, "W2": W2, "b2": b2, "Wf": Wf, "bf": bf}


def reference(x, edge_index, W1, b1, W2, b2, Wf, bf):
    n = x.shape[0]
    loop = jnp.arange(n, dtype=edge_index.dtype)
    src = jnp.concatenate([edge_index[0], loop])
    dst = jnp.concatenate([edge_index[1], loop])
    # symmetric GCN normalization with self-loops (as in PyG GCNConv)
    deg = jax.ops.segment_sum(jnp.ones_like(src, dtype=jnp.float32), dst, num_segments=n)
    dinv = jnp.where(deg > 0, 1.0 / jnp.sqrt(deg), 0.0)
    norm = dinv[src] * dinv[dst]

    def gcn_conv(h, W, b):
        h = h @ W
        msg = h[src] * norm[:, None]
        return jax.ops.segment_sum(msg, dst, num_segments=n) + b

    h = jax.nn.relu(gcn_conv(x, W1, b1))
    h = jax.nn.relu(gcn_conv(h, W2, b2))
    pooled = jnp.mean(h, axis=0)
    out = pooled @ Wf + bf
    return out

if __name__ == "__main__":
    import jax
    _d = setup_inputs()
    print(jax.jit(kernel)(*tuple(_d.values())))

</pallas_src>

<mosaic_0001>
#map = affine_map<(d0, d1) -> (0, 0, 0)>
#map1 = affine_map<(d0, d1) -> (0, 0)>
module attributes {stable_mosaic.version = 14 : i64} {
  func.func @_deg_body(%arg0: i32, %arg1: i32, %arg2: memref<32x125x80xi32, #tpu.memory_space<hbm>>, %arg3: memref<80x8xf32, #tpu.memory_space<hbm>>, %arg4: memref<632x8xf32, #tpu.memory_space<hbm>>, %arg5: memref<2x10000x8xf32, #tpu.memory_space<hbm>>, %arg6: memref<125x80xi32, #tpu.memory_space<vmem>>, %arg7: memref<80x8xf32, #tpu.memory_space<vmem>>, %arg8: memref<10112x8xf32, #tpu.memory_space<vmem_shared>>, %arg9: memref<4x!tpu.dma_semaphore, #tpu.memory_space<semaphore_mem>>) attributes {dimension_semantics = [#tpu.dimension_semantics<core_parallel>, #tpu.dimension_semantics<subcore_parallel>], iteration_bounds = array<i64: 2, 16>, scalar_prefetch = 0 : i64, scratch_operands = 4 : i64, tpu.core_type = #tpu.core_type<sc_vector_subcore>, window_params = [{transform_indices = #map}, {transform_indices = #map1}, {transform_indices = #map1}, {transform_indices = #map}]} {
    %mul3A = arith.constant 16 : i32
    %mul3A_0 = arith.muli %arg0, %mul3A : i32
    %add3A = arith.addi %mul3A_0, %arg1 : i32
    "tpu.region"() ({
      %run_scoped3A = tpu.sem_alloc : memref<!tpu.dma_semaphore, #tpu.memory_space<semaphore_mem>>
      %dma_start3A = arith.constant 0 : i32
      %dma_start3A_54 = arith.constant 0 : i32
      %dma_start3A_55 = tpu.memref_slice %arg2[%add3A, %dma_start3A, %dma_start3A_54] : memref<32x125x80xi32, #tpu.memory_space<hbm>> -> memref<1x125x80xi32, #tpu.memory_space<hbm>>
      %dma_start3A_56 = tpu.memref_squeeze %dma_start3A_55 : memref<1x125x80xi32, #tpu.memory_space<hbm>> -> memref<125x80xi32, #tpu.memory_space<hbm>>
      %dma_start3A_57 = arith.constant 0 : i32
      %dma_start3A_58 = arith.constant 0 : i32
      %dma_start3A_59 = tpu.memref_slice %arg2[%add3A, %dma_start3A_57, %dma_start3A_58] : memref<32x125x80xi32, #tpu.memory_space<hbm>> -> memref<1x125x80xi32, #tpu.memory_space<hbm>>
      %dma_start3A_60 = tpu.memref_squeeze %dma_start3A_59 : memref<1x125x80xi32, #tpu.memory_space<hbm>> -> memref<125x80xi32, #tpu.memory_space<hbm>>
      tpu.enqueue_dma source(%dma_start3A_60 : memref<125x80xi32, #tpu.memory_space<hbm>>) target(%arg6 : memref<125x80xi32, #tpu.memory_space<vmem>>) target_semaphore(%run_scoped3A : memref<!tpu.dma_semaphore, #tpu.memory_space<semaphore_mem>>)
      %dma_wait3A_61 = arith.constant 0 : i32
      %dma_wait3A_62 = arith.constant 0 : i32
      %dma_wait3A_63 = tpu.memref_slice %arg2[%add3A, %dma_wait3A_61, %dma_wait3A_62] : memref<32x125x80xi32, #tpu.memory_space<hbm>> -> memref<1x125x80xi32, #tpu.memory_space<hbm>>
      %dma_wait3A_64 = tpu.memref_squeeze %dma_wait3A_63 : memref<1x125x80xi32, #tpu.memory_space<hbm>> -> memref<125x80xi32, #tpu.memory_space<hbm>>
      %dma_wait3A_65 = arith.constant 0 : i32
      %dma_wait3A_66 = arith.constant 0 : i32
      %dma_wait3A_67 = tpu.memref_slice %arg2[%add3A, %dma_wait3A_65, %dma_wait3A_66] : memref<32x125x80xi32, #tpu.memory_space<hbm>> -> memref<1x125x80xi32, #tpu.memory_space<hbm>>
      %dma_wait3A_68 = tpu.memref_squeeze %dma_wait3A_67 : memref<1x125x80xi32, #tpu.memory_space<hbm>> -> memref<125x80xi32, #tpu.memory_space<hbm>>
      tpu.wait_dma2 semaphore(%run_scoped3A : memref<!tpu.dma_semaphore, #tpu.memory_space<semaphore_mem>>) src(%dma_wait3A_68 : memref<125x80xi32, #tpu.memory_space<hbm>>) dst(%arg6 : memref<125x80xi32, #tpu.memory_space<vmem>>)
      tpu.yield
    }) : () -> ()
    "tpu.region"() ({
      %run_scoped3A = tpu.sem_alloc : memref<!tpu.dma_semaphore, #tpu.memory_space<semaphore_mem>>
      tpu.enqueue_dma source(%arg3 : memref<80x8xf32, #tpu.memory_space<hbm>>) target(%arg7 : memref<80x8xf32, #tpu.memory_space<vmem>>) target_semaphore(%run_scoped3A : memref<!tpu.dma_semaphore, #tpu.memory_space<semaphore_mem>>)
      tpu.wait_dma2 semaphore(%run_scoped3A : memref<!tpu.dma_semaphore, #tpu.memory_space<semaphore_mem>>) src(%arg3 : memref<80x8xf32, #tpu.memory_space<hbm>>) dst(%arg7 : memref<80x8xf32, #tpu.memory_space<vmem>>)
      tpu.yield
    }) : () -> ()
    %mul3A_1 = arith.constant 632 : i32
    %mul3A_2 = arith.muli %arg1, %mul3A_1 : i32
    "tpu.region"() ({
      %run_scoped3A = tpu.sem_alloc : memref<!tpu.dma_semaphore, #tpu.memory_space<semaphore_mem>>
      %dma_start3A = arith.constant 0 : i32
      %dma_start3A_54 = tpu.memref_slice %arg8[%mul3A_2, %dma_start3A] : memref<10112x8xf32, #tpu.memory_space<vmem_shared>> -> memref<632x8xf32, #tpu.memory_space<vmem_shared>>
      tpu.enqueue_dma source(%arg4 : memref<632x8xf32, #tpu.memory_space<hbm>>) target(%dma_start3A_54 : memref<632x8xf32, #tpu.memory_space<vmem_shared>>) target_semaphore(%run_scoped3A : memref<!tpu.dma_semaphore, #tpu.memory_space<semaphore_mem>>)
      %dma_wait3A_55 = arith.constant 0 : i32
      %dma_wait3A_56 = tpu.memref_slice %arg8[%mul3A_2, %dma_wait3A_55] : memref<10112x8xf32, #tpu.memory_space<vmem_shared>> -> memref<632x8xf32, #tpu.memory_space<vmem_shared>>
      tpu.wait_dma2 semaphore(%run_scoped3A : memref<!tpu.dma_semaphore, #tpu.memory_space<semaphore_mem>>) src(%arg4 : memref<632x8xf32, #tpu.memory_space<hbm>>) dst(%dma_wait3A_56 : memref<632x8xf32, #tpu.memory_space<vmem_shared>>)
      tpu.yield
    }) : () -> ()
    %barrier3A = arith.constant 0 : index
    tpu.barrier barrier_id(%barrier3A)
    %scan3A = arith.constant 0 : i32
    %scan3A_3 = arith.constant 0 : i32
    %scan3A_4 = arith.constant 125 : i32
    %scan3A_5 = arith.addi %scan3A_3, %scan3A_4 : i32
    %scan3A_6 = arith.constant 1 : i32
    scf.for %scan3A_54 = %scan3A_3 to %scan3A_5 step %scan3A_6  : i32 {
      %ge3A = arith.constant 4 : i32
      %ge3A_55 = arith.cmpi sge, %scan3A_54, %ge3A : i32
      %convert_element_type3A_56 = arith.extui %ge3A_55 : i1 to i32
      %cond3A_57 = arith.constant 0 : i32
      %cond3A_58 = arith.cmpi ne, %convert_element_type3A_56, %cond3A_57 : i32
      scf.if %cond3A_58 {
        %sub3A = arith.constant 4 : i32
        %sub3A_67 = arith.subi %scan3A_54, %sub3A : i32
        %and3A_68 = arith.constant 3 : i32
        %and3A_69 = arith.andi %scan3A_54, %and3A_68 : i32
        %dma_wait3A_70 = arith.constant 0 : i32
        %dma_wait3A_71 = tpu.memref_slice %arg6[%sub3A_67, %dma_wait3A_70] : memref<125x80xi32, #tpu.memory_space<vmem>> -> memref<1x80xi32, #tpu.memory_space<vmem>>
        %dma_wait3A_72 = tpu.memref_squeeze %dma_wait3A_71 : memref<1x80xi32, #tpu.memory_space<vmem>> -> memref<80xi32, #tpu.memory_space<vmem>>
        %dma_wait3A_73 = arith.constant 0 : i32
        %dma_wait3A_74 = arith.constant 0 : i32
        %dma_wait3A_75 = tpu.memref_slice %arg8[%dma_wait3A_73, %dma_wait3A_74] : memref<10112x8xf32, #tpu.memory_space<vmem_shared>> -> memref<10112x8xf32, #tpu.memory_space<vmem_shared>>
        %dma_wait3A_76 = tpu.memref_slice %arg9[%and3A_69] : memref<4x!tpu.dma_semaphore, #tpu.memory_space<semaphore_mem>> -> memref<1x!tpu.dma_semaphore, #tpu.memory_space<semaphore_mem>>
        %dma_wait3A_77 = tpu.memref_squeeze %dma_wait3A_76 : memref<1x!tpu.dma_semaphore, #tpu.memory_space<semaphore_mem>> -> memref<!tpu.dma_semaphore, #tpu.memory_space<semaphore_mem>>
        tpu.wait_indirect_dma semaphore(%dma_wait3A_77 : memref<!tpu.dma_semaphore, #tpu.memory_space<semaphore_mem>>) src(%arg7 : memref<80x8xf32, #tpu.memory_space<vmem>>) dst(%dma_wait3A_75 : memref<10112x8xf32, #tpu.memory_space<vmem_shared>>)
      } else {
      }
      %and3A = arith.constant 3 : i32
      %and3A_59 = arith.andi %scan3A_54, %and3A : i32
      %dma_start3A = arith.constant 0 : i32
      %dma_start3A_60 = tpu.memref_slice %arg6[%scan3A_54, %dma_start3A] : memref<125x80xi32, #tpu.memory_space<vmem>> -> memref<1x80xi32, #tpu.memory_space<vmem>>
      %dma_start3A_61 = tpu.memref_squeeze %dma_start3A_60 : memref<1x80xi32, #tpu.memory_space<vmem>> -> memref<80xi32, #tpu.memory_space<vmem>>
      %dma_start3A_62 = arith.constant 0 : i32
      %dma_start3A_63 = arith.constant 0 : i32
      %dma_start3A_64 = tpu.memref_slice %arg8[%dma_start3A_62, %dma_start3A_63] : memref<10112x8xf32, #tpu.memory_space<vmem_shared>> -> memref<10112x8xf32, #tpu.memory_space<vmem_shared>>
      %dma_start3A_65 = tpu.memref_slice %arg9[%and3A_59] : memref<4x!tpu.dma_semaphore, #tpu.memory_space<semaphore_mem>> -> memref<1x!tpu.dma_semaphore, #tpu.memory_space<semaphore_mem>>
      %dma_start3A_66 = tpu.memref_squeeze %dma_start3A_65 : memref<1x!tpu.dma_semaphore, #tpu.memory_space<semaphore_mem>> -> memref<!tpu.dma_semaphore, #tpu.memory_space<semaphore_mem>>
      tpu.enqueue_indirect_dma source(%arg7 : memref<80x8xf32, #tpu.memory_space<vmem>>) target(%dma_start3A_64 : memref<10112x8xf32, #tpu.memory_space<vmem_shared>>) offsets(%dma_start3A_61 : memref<80xi32, #tpu.memory_space<vmem>>) semaphore(%dma_start3A_66 : memref<!tpu.dma_semaphore, #tpu.memory_space<semaphore_mem>>) {add = true}
    }
    %scan3A_7 = arith.constant 125 : i32
    %dma_wait3A = arith.constant 121 : i32
    %dma_wait3A_8 = arith.constant 1 : i32
    %dma_wait3A_9 = arith.constant 0 : i32
    %dma_wait3A_10 = tpu.memref_slice %arg6[%dma_wait3A, %dma_wait3A_9] : memref<125x80xi32, #tpu.memory_space<vmem>> -> memref<1x80xi32, #tpu.memory_space<vmem>>
    %dma_wait3A_11 = tpu.memref_squeeze %dma_wait3A_10 : memref<1x80xi32, #tpu.memory_space<vmem>> -> memref<80xi32, #tpu.memory_space<vmem>>
    %dma_wait3A_12 = arith.constant 0 : i32
    %dma_wait3A_13 = arith.constant 0 : i32
    %dma_wait3A_14 = tpu.memref_slice %arg8[%dma_wait3A_12, %dma_wait3A_13] : memref<10112x8xf32, #tpu.memory_space<vmem_shared>> -> memref<10112x8xf32, #tpu.memory_space<vmem_shared>>
    %dma_wait3A_15 = tpu.memref_slice %arg9[%dma_wait3A_8] : memref<4x!tpu.dma_semaphore, #tpu.memory_space<semaphore_mem>> -> memref<1x!tpu.dma_semaphore, #tpu.memory_space<semaphore_mem>>
    %dma_wait3A_16 = tpu.memref_squeeze %dma_wait3A_15 : memref<1x!tpu.dma_semaphore, #tpu.memory_space<semaphore_mem>> -> memref<!tpu.dma_semaphore, #tpu.memory_space<semaphore_mem>>
    tpu.wait_indirect_dma semaphore(%dma_wait3A_16 : memref<!tpu.dma_semaphore, #tpu.memory_space<semaphore_mem>>) src(%arg7 : memref<80x8xf32, #tpu.memory_space<vmem>>) dst(%dma_wait3A_14 : memref<10112x8xf32, #tpu.memory_space<vmem_shared>>)
    %dma_wait3A_17 = arith.constant 122 : i32
    %dma_wait3A_18 = arith.constant 2 : i32
    %dma_wait3A_19 = arith.constant 0 : i32
    %dma_wait3A_20 = tpu.memref_slice %arg6[%dma_wait3A_17, %dma_wait3A_19] : memref<125x80xi32, #tpu.memory_space<vmem>> -> memref<1x80xi32, #tpu.memory_space<vmem>>
    %dma_wait3A_21 = tpu.memref_squeeze %dma_wait3A_20 : memref<1x80xi32, #tpu.memory_space<vmem>> -> memref<80xi32, #tpu.memory_space<vmem>>
    %dma_wait3A_22 = arith.constant 0 : i32
    %dma_wait3A_23 = arith.constant 0 : i32
    %dma_wait3A_24 = tpu.memref_slice %arg8[%dma_wait3A_22, %dma_wait3A_23] : memref<10112x8xf32, #tpu.memory_space<vmem_shared>> -> memref<10112x8xf32, #tpu.memory_space<vmem_shared>>
    %dma_wait3A_25 = tpu.memref_slice %arg9[%dma_wait3A_18] : memref<4x!tpu.dma_semaphore, #tpu.memory_space<semaphore_mem>> -> memref<1x!tpu.dma_semaphore, #tpu.memory_space<semaphore_mem>>
    %dma_wait3A_26 = tpu.memref_squeeze %dma_wait3A_25 : memref<1x!tpu.dma_semaphore, #tpu.memory_space<semaphore_mem>> -> memref<!tpu.dma_semaphore, #tpu.memory_space<semaphore_mem>>
    tpu.wait_indirect_dma semaphore(%dma_wait3A_26 : memref<!tpu.dma_semaphore, #tpu.memory_space<semaphore_mem>>) src(%arg7 : memref<80x8xf32, #tpu.memory_space<vmem>>) dst(%dma_wait3A_24 : memref<10112x8xf32, #tpu.memory_space<vmem_shared>>)
    %dma_wait3A_27 = arith.constant 123 : i32
    %dma_wait3A_28 = arith.constant 3 : i32
    %dma_wait3A_29 = arith.constant 0 : i32
    %dma_wait3A_30 = tpu.memref_slice %arg6[%dma_wait3A_27, %dma_wait3A_29] : memref<125x80xi32, #tpu.memory_space<vmem>> -> memref<1x80xi32, #tpu.memory_space<vmem>>
    %dma_wait3A_31 = tpu.memref_squeeze %dma_wait3A_30 : memref<1x80xi32, #tpu.memory_space<vmem>> -> memref<80xi32, #tpu.memory_space<vmem>>
    %dma_wait3A_32 = arith.constant 0 : i32
    %dma_wait3A_33 = arith.constant 0 : i32
    %dma_wait3A_34 = tpu.memref_slice %arg8[%dma_wait3A_32, %dma_wait3A_33] : memref<10112x8xf32, #tpu.memory_space<vmem_shared>> -> memref<10112x8xf32, #tpu.memory_space<vmem_shared>>
    %dma_wait3A_35 = tpu.memref_slice %arg9[%dma_wait3A_28] : memref<4x!tpu.dma_semaphore, #tpu.memory_space<semaphore_mem>> -> memref<1x!tpu.dma_semaphore, #tpu.memory_space<semaphore_mem>>
    %dma_wait3A_36 = tpu.memref_squeeze %dma_wait3A_35 : memref<1x!tpu.dma_semaphore, #tpu.memory_space<semaphore_mem>> -> memref<!tpu.dma_semaphore, #tpu.memory_space<semaphore_mem>>
    tpu.wait_indirect_dma semaphore(%dma_wait3A_36 : memref<!tpu.dma_semaphore, #tpu.memory_space<semaphore_mem>>) src(%arg7 : memref<80x8xf32, #tpu.memory_space<vmem>>) dst(%dma_wait3A_34 : memref<10112x8xf32, #tpu.memory_space<vmem_shared>>)
    %dma_wait3A_37 = arith.constant 124 : i32
    %dma_wait3A_38 = arith.constant 0 : i32
    %dma_wait3A_39 = arith.constant 0 : i32
    %dma_wait3A_40 = tpu.memref_slice %arg6[%dma_wait3A_37, %dma_wait3A_39] : memref<125x80xi32, #tpu.memory_space<vmem>> -> memref<1x80xi32, #tpu.memory_space<vmem>>
    %dma_wait3A_41 = tpu.memref_squeeze %dma_wait3A_40 : memref<1x80xi32, #tpu.memory_space<vmem>> -> memref<80xi32, #tpu.memory_space<vmem>>
    %dma_wait3A_42 = arith.constant 0 : i32
    %dma_wait3A_43 = arith.constant 0 : i32
    %dma_wait3A_44 = tpu.memref_slice %arg8[%dma_wait3A_42, %dma_wait3A_43] : memref<10112x8xf32, #tpu.memory_space<vmem_shared>> -> memref<10112x8xf32, #tpu.memory_space<vmem_shared>>
    %dma_wait3A_45 = tpu.memref_slice %arg9[%dma_wait3A_38] : memref<4x!tpu.dma_semaphore, #tpu.memory_space<semaphore_mem>> -> memref<1x!tpu.dma_semaphore, #tpu.memory_space<semaphore_mem>>
    %dma_wait3A_46 = tpu.memref_squeeze %dma_wait3A_45 : memref<1x!tpu.dma_semaphore, #tpu.memory_space<semaphore_mem>> -> memref<!tpu.dma_semaphore, #tpu.memory_space<semaphore_mem>>
    tpu.wait_indirect_dma semaphore(%dma_wait3A_46 : memref<!tpu.dma_semaphore, #tpu.memory_space<semaphore_mem>>) src(%arg7 : memref<80x8xf32, #tpu.memory_space<vmem>>) dst(%dma_wait3A_44 : memref<10112x8xf32, #tpu.memory_space<vmem_shared>>)
    %barrier3A_47 = arith.constant 0 : index
    tpu.barrier barrier_id(%barrier3A_47)
    %lt3A = arith.constant 15 : i32
    %lt3A_48 = arith.cmpi slt, %arg1, %lt3A : i32
    %convert_element_type3A = arith.extui %lt3A_48 : i1 to i32
    %cond3A = arith.constant 0 : i32
    %cond3A_49 = arith.cmpi ne, %convert_element_type3A, %cond3A : i32
    scf.if %cond3A_49 {
      %mul3A_54 = arith.constant 632 : i32
      %mul3A_55 = arith.muli %arg1, %mul3A_54 : i32
      %mul3A_56 = arith.constant 632 : i32
      %mul3A_57 = arith.muli %arg1, %mul3A_56 : i32
      "tpu.region"() ({
        %run_scoped3A = tpu.sem_alloc : memref<!tpu.dma_semaphore, #tpu.memory_space<semaphore_mem>>
        %dma_start3A = arith.constant 0 : i32
        %dma_start3A_58 = tpu.memref_slice %arg5[%arg0, %mul3A_57, %dma_start3A] : memref<2x10000x8xf32, #tpu.memory_space<hbm>> -> memref<1x632x8xf32, #tpu.memory_space<hbm>>
        %dma_start3A_59 = tpu.memref_squeeze %dma_start3A_58 : memref<1x632x8xf32, #tpu.memory_space<hbm>> -> memref<632x8xf32, #tpu.memory_space<hbm>>
        %dma_start3A_60 = arith.constant 0 : i32
        %dma_start3A_61 = tpu.memref_slice %arg8[%mul3A_55, %dma_start3A_60] : memref<10112x8xf32, #tpu.memory_space<vmem_shared>> -> memref<632x8xf32, #tpu.memory_space<vmem_shared>>
        tpu.enqueue_dma source(%dma_start3A_61 : memref<632x8xf32, #tpu.memory_space<vmem_shared>>) target(%dma_start3A_59 : memref<632x8xf32, #tpu.memory_space<hbm>>) target_semaphore(%run_scoped3A : memref<!tpu.dma_semaphore, #tpu.memory_space<semaphore_mem>>)
        %dma_wait3A_62 = arith.constant 0 : i32
        %dma_wait3A_63 = tpu.memref_slice %arg5[%arg0, %mul3A_57, %dma_wait3A_62] : memref<2x10000x8xf32, #tpu.memory_space<hbm>> -> memref<1x632x8xf32, #tpu.memory_space<hbm>>
        %dma_wait3A_64 = tpu.memref_squeeze %dma_wait3A_63 : memref<1x632x8xf32, #tpu.memory_space<hbm>> -> memref<632x8xf32, #tpu.memory_space<hbm>>
        %dma_wait3A_65 = arith.constant 0 : i32
        %dma_wait3A_66 = tpu.memref_slice %arg8[%mul3A_55, %dma_wait3A_65] : memref<10112x8xf32, #tpu.memory_space<vmem_shared>> -> memref<632x8xf32, #tpu.memory_space<vmem_shared>>
        tpu.wait_dma2 semaphore(%run_scoped3A : memref<!tpu.dma_semaphore, #tpu.memory_space<semaphore_mem>>) src(%dma_wait3A_66 : memref<632x8xf32, #tpu.memory_space<vmem_shared>>) dst(%dma_wait3A_64 : memref<632x8xf32, #tpu.memory_space<hbm>>)
        tpu.yield
      }) : () -> ()
    } else {
    }
    %eq3A = arith.constant 15 : i32
    %eq3A_50 = arith.cmpi eq, %arg1, %eq3A : i32
    %convert_element_type3A_51 = arith.extui %eq3A_50 : i1 to i32
    %cond3A_52 = arith.constant 0 : i32
    %cond3A_53 = arith.cmpi ne, %convert_element_type3A_51, %cond3A_52 : i32
    scf.if %cond3A_53 {
      "tpu.region"() ({
        %run_scoped3A = tpu.sem_alloc : memref<!tpu.dma_semaphore, #tpu.memory_space<semaphore_mem>>
        %dma_start3A = arith.constant 9480 : i32
        %dma_start3A_54 = arith.constant 0 : i32
        %dma_start3A_55 = tpu.memref_slice %arg5[%arg0, %dma_start3A, %dma_start3A_54] : memref<2x10000x8xf32, #tpu.memory_space<hbm>> -> memref<1x520x8xf32, #tpu.memory_space<hbm>>
        %dma_start3A_56 = tpu.memref_squeeze %dma_start3A_55 : memref<1x520x8xf32, #tpu.memory_space<hbm>> -> memref<520x8xf32, #tpu.memory_space<hbm>>
        %dma_start3A_57 = arith.constant 9480 : i32
        %dma_start3A_58 = arith.constant 0 : i32
        %dma_start3A_59 = tpu.memref_slice %arg8[%dma_start3A_57, %dma_start3A_58] : memref<10112x8xf32, #tpu.memory_space<vmem_shared>> -> memref<520x8xf32, #tpu.memory_space<vmem_shared>>
        tpu.enqueue_dma source(%dma_start3A_59 : memref<520x8xf32, #tpu.memory_space<vmem_shared>>) target(%dma_start3A_56 : memref<520x8xf32, #tpu.memory_space<hbm>>) target_semaphore(%run_scoped3A : memref<!tpu.dma_semaphore, #tpu.memory_space<semaphore_mem>>)
        %dma_wait3A_60 = arith.constant 9480 : i32
        %dma_wait3A_61 = arith.constant 0 : i32
        %dma_wait3A_62 = tpu.memref_slice %arg5[%arg0, %dma_wait3A_60, %dma_wait3A_61] : memref<2x10000x8xf32, #tpu.memory_space<hbm>> -> memref<1x520x8xf32, #tpu.memory_space<hbm>>
        %dma_wait3A_63 = tpu.memref_squeeze %dma_wait3A_62 : memref<1x520x8xf32, #tpu.memory_space<hbm>> -> memref<520x8xf32, #tpu.memory_space<hbm>>
        %dma_wait3A_64 = arith.constant 9480 : i32
        %dma_wait3A_65 = arith.constant 0 : i32
        %dma_wait3A_66 = tpu.memref_slice %arg8[%dma_wait3A_64, %dma_wait3A_65] : memref<10112x8xf32, #tpu.memory_space<vmem_shared>> -> memref<520x8xf32, #tpu.memory_space<vmem_shared>>
        tpu.wait_dma2 semaphore(%run_scoped3A : memref<!tpu.dma_semaphore, #tpu.memory_space<semaphore_mem>>) src(%dma_wait3A_66 : memref<520x8xf32, #tpu.memory_space<vmem_shared>>) dst(%dma_wait3A_63 : memref<520x8xf32, #tpu.memory_space<hbm>>)
        tpu.yield
      }) : () -> ()
    } else {
    }
    return
  }
}

#map = affine_map<(d0, d1) -> (0, 0)>
#map1 = affine_map<(d0, d1) -> (0, 0, 0)>
module attributes {stable_mosaic.version = 14 : i64} {
  func.func @_push_body(%arg0: i32, %arg1: i32, %arg2: memref<10000x128xf32, #tpu.memory_space<hbm>>, %arg3: memref<32x125x80xi32, #tpu.memory_space<hbm>>, %arg4: memref<32x125x80xi32, #tpu.memory_space<hbm>>, %arg5: memref<632x128xf32, #tpu.memory_space<hbm>>, %arg6: memref<2x10000x128xf32, #tpu.memory_space<hbm>>, %arg7: memref<8x80xi32, #tpu.memory_space<vmem>>, %arg8: memref<8x80xi32, #tpu.memory_space<vmem>>, %arg9: memref<4x80x128xf32, #tpu.memory_space<vmem>>, %arg10: memref<10112x128xf32, #tpu.memory_space<vmem_shared>>, %arg11: memref<8x!tpu.dma_semaphore, #tpu.memory_space<semaphore_mem>>, %arg12: memref<8x!tpu.dma_semaphore, #tpu.memory_space<semaphore_mem>>, %arg13: memref<4x!tpu.dma_semaphore, #tpu.memory_space<semaphore_mem>>, %arg14: memref<4x!tpu.dma_semaphore, #tpu.memory_space<semaphore_mem>>) attributes {dimension_semantics = [#tpu.dimension_semantics<core_parallel>, #tpu.dimension_semantics<subcore_parallel>], iteration_bounds = array<i64: 2, 16>, scalar_prefetch = 0 : i64, scratch_operands = 8 : i64, tpu.core_type = #tpu.core_type<sc_vector_subcore>, window_params = [{transform_indices = #map}, {transform_indices = #map1}, {transform_indices = #map1}, {transform_indices = #map}, {transform_indices = #map1}]} {
    %mul3A = arith.constant 16 : i32
    %mul3A_0 = arith.muli %arg0, %mul3A : i32
    %add3A = arith.addi %mul3A_0, %arg1 : i32
    %mul3A_1 = arith.constant 632 : i32
    %mul3A_2 = arith.muli %arg1, %mul3A_1 : i32
    "tpu.region"() ({
      %run_scoped3A = tpu.sem_alloc : memref<!tpu.dma_semaphore, #tpu.memory_space<semaphore_mem>>
      %dma_start3A_209 = arith.constant 0 : i32
      %dma_start3A_210 = tpu.memref_slice %arg10[%mul3A_2, %dma_start3A_209] : memref<10112x128xf32, #tpu.memory_space<vmem_shared>> -> memref<632x128xf32, #tpu.memory_space<vmem_shared>>
      tpu.enqueue_dma source(%arg5 : memref<632x128xf32, #tpu.memory_space<hbm>>) target(%dma_start3A_210 : memref<632x128xf32, #tpu.memory_space<vmem_shared>>) target_semaphore(%run_scoped3A : memref<!tpu.dma_semaphore, #tpu.memory_space<semaphore_mem>>)
      %dma_wait3A_211 = arith.constant 0 : i32
      %dma_wait3A_212 = tpu.memref_slice %arg10[%mul3A_2, %dma_wait3A_211] : memref<10112x128xf32, #tpu.memory_space<vmem_shared>> -> memref<632x128xf32, #tpu.memory_space<vmem_shared>>
      tpu.wait_dma2 semaphore(%run_scoped3A : memref<!tpu.dma_semaphore, #tpu.memory_space<semaphore_mem>>) src(%arg5 : memref<632x128xf32, #tpu.memory_space<hbm>>) dst(%dma_wait3A_212 : memref<632x128xf32, #tpu.memory_space<vmem_shared>>)
      tpu.yield
    }) : () -> ()
    %dma_start3A = arith.constant 0 : i32
    %dma_start3A_3 = arith.constant 0 : i32
    %dma_start3A_4 = arith.constant 0 : i32
    %dma_start3A_5 = arith.constant 0 : i32
    %dma_start3A_6 = tpu.memref_slice %arg7[%dma_start3A_3, %dma_start3A_5] : memref<8x80xi32, #tpu.memory_space<vmem>> -> memref<1x80xi32, #tpu.memory_space<vmem>>
    %dma_start3A_7 = tpu.memref_squeeze %dma_start3A_6 : memref<1x80xi32, #tpu.memory_space<vmem>> -> memref<80xi32, #tpu.memory_space<vmem>>
    %dma_start3A_8 = arith.constant 0 : i32
    %dma_start3A_9 = tpu.memref_slice %arg3[%add3A, %dma_start3A, %dma_start3A_8] : memref<32x125x80xi32, #tpu.memory_space<hbm>> -> memref<1x1x80xi32, #tpu.memory_space<hbm>>
    %dma_start3A_10 = tpu.memref_squeeze %dma_start3A_9 : memref<1x1x80xi32, #tpu.memory_space<hbm>> -> memref<80xi32, #tpu.memory_space<hbm>>
    %dma_start3A_11 = tpu.memref_slice %arg11[%dma_start3A_4] : memref<8x!tpu.dma_semaphore, #tpu.memory_space<semaphore_mem>> -> memref<1x!tpu.dma_semaphore, #tpu.memory_space<semaphore_mem>>
    %dma_start3A_12 = tpu.memref_squeeze %dma_start3A_11 : memref<1x!tpu.dma_semaphore, #tpu.memory_space<semaphore_mem>> -> memref<!tpu.dma_semaphore, #tpu.memory_space<semaphore_mem>>
    %dma_start3A_13 = arith.constant 0 : i32
    %dma_start3A_14 = tpu.memref_slice %arg7[%dma_start3A_3, %dma_start3A_13] : memref<8x80xi32, #tpu.memory_space<vmem>> -> memref<1x80xi32, #tpu.memory_space<vmem>>
    %dma_start3A_15 = tpu.memref_squeeze %dma_start3A_14 : memref<1x80xi32, #tpu.memory_space<vmem>> -> memref<80xi32, #tpu.memory_space<vmem>>
    %dma_start3A_16 = arith.constant 0 : i32
    %dma_start3A_17 = tpu.memref_slice %arg3[%add3A, %dma_start3A, %dma_start3A_16] : memref<32x125x80xi32, #tpu.memory_space<hbm>> -> memref<1x1x80xi32, #tpu.memory_space<hbm>>
    %dma_start3A_18 = tpu.memref_squeeze %dma_start3A_17 : memref<1x1x80xi32, #tpu.memory_space<hbm>> -> memref<80xi32, #tpu.memory_space<hbm>>
    tpu.enqueue_dma source(%dma_start3A_18 : memref<80xi32, #tpu.memory_space<hbm>>) target(%dma_start3A_15 : memref<80xi32, #tpu.memory_space<vmem>>) target_semaphore(%dma_start3A_12 : memref<!tpu.dma_semaphore, #tpu.memory_space<semaphore_mem>>)
    %dma_start3A_19 = arith.constant 0 : i32
    %dma_start3A_20 = arith.constant 0 : i32
    %dma_start3A_21 = arith.constant 0 : i32
    %dma_start3A_22 = arith.constant 0 : i32
    %dma_start3A_23 = tpu.memref_slice %arg8[%dma_start3A_20, %dma_start3A_22] : memref<8x80xi32, #tpu.memory_space<vmem>> -> memref<1x80xi32, #tpu.memory_space<vmem>>
    %dma_start3A_24 = tpu.memref_squeeze %dma_start3A_23 : memref<1x80xi32, #tpu.memory_space<vmem>> -> memref<80xi32, #tpu.memory_space<vmem>>
    %dma_start3A_25 = arith.constant 0 : i32
    %dma_start3A_26 = tpu.memref_slice %arg4[%add3A, %dma_start3A_19, %dma_start3A_25] : memref<32x125x80xi32, #tpu.memory_space<hbm>> -> memref<1x1x80xi32, #tpu.memory_space<hbm>>
    %dma_start3A_27 = tpu.memref_squeeze %dma_start3A_26 : memref<1x1x80xi32, #tpu.memory_space<hbm>> -> memref<80xi32, #tpu.memory_space<hbm>>
    %dma_start3A_28 = tpu.memref_slice %arg12[%dma_start3A_21] : memref<8x!tpu.dma_semaphore, #tpu.memory_space<semaphore_mem>> -> memref<1x!tpu.dma_semaphore, #tpu.memory_space<semaphore_mem>>
    %dma_start3A_29 = tpu.memref_squeeze %dma_start3A_28 : memref<1x!tpu.dma_semaphore, #tpu.memory_space<semaphore_mem>> -> memref<!tpu.dma_semaphore, #tpu.memory_space<semaphore_mem>>
    %dma_start3A_30 = arith.constant 0 : i32
    %dma_start3A_31 = tpu.memref_slice %arg8[%dma_start3A_20, %dma_start3A_30] : memref<8x80xi32, #tpu.memory_space<vmem>> -> memref<1x80xi32, #tpu.memory_space<vmem>>
    %dma_start3A_32 = tpu.memref_squeeze %dma_start3A_31 : memref<1x80xi32, #tpu.memory_space<vmem>> -> memref<80xi32, #tpu.memory_space<vmem>>
    %dma_start3A_33 = arith.constant 0 : i32
    %dma_start3A_34 = tpu.memref_slice %arg4[%add3A, %dma_start3A_19, %dma_start3A_33] : memref<32x125x80xi32, #tpu.memory_space<hbm>> -> memref<1x1x80xi32, #tpu.memory_space<hbm>>
    %dma_start3A_35 = tpu.memref_squeeze %dma_start3A_34 : memref<1x1x80xi32, #tpu.memory_space<hbm>> -> memref<80xi32, #tpu.memory_space<hbm>>
    tpu.enqueue_dma source(%dma_start3A_35 : memref<80xi32, #tpu.memory_space<hbm>>) target(%dma_start3A_32 : memref<80xi32, #tpu.memory_space<vmem>>) target_semaphore(%dma_start3A_29 : memref<!tpu.dma_semaphore, #tpu.memory_space<semaphore_mem>>)
    %dma_start3A_36 = arith.constant 1 : i32
    %dma_start3A_37 = arith.constant 1 : i32
    %dma_start3A_38 = arith.constant 1 : i32
    %dma_start3A_39 = arith.constant 0 : i32
    %dma_start3A_40 = tpu.memref_slice %arg7[%dma_start3A_37, %dma_start3A_39] : memref<8x80xi32, #tpu.memory_space<vmem>> -> memref<1x80xi32, #tpu.memory_space<vmem>>
    %dma_start3A_41 = tpu.memref_squeeze %dma_start3A_40 : memref<1x80xi32, #tpu.memory_space<vmem>> -> memref<80xi32, #tpu.memory_space<vmem>>
    %dma_start3A_42 = arith.constant 0 : i32
    %dma_start3A_43 = tpu.memref_slice %arg3[%add3A, %dma_start3A_36, %dma_start3A_42] : memref<32x125x80xi32, #tpu.memory_space<hbm>> -> memref<1x1x80xi32, #tpu.memory_space<hbm>>
    %dma_start3A_44 = tpu.memref_squeeze %dma_start3A_43 : memref<1x1x80xi32, #tpu.memory_space<hbm>> -> memref<80xi32, #tpu.memory_space<hbm>>
    %dma_start3A_45 = tpu.memref_slice %arg11[%dma_start3A_38] : memref<8x!tpu.dma_semaphore, #tpu.memory_space<semaphore_mem>> -> memref<1x!tpu.dma_semaphore, #tpu.memory_space<semaphore_mem>>
    %dma_start3A_46 = tpu.memref_squeeze %dma_start3A_45 : memref<1x!tpu.dma_semaphore, #tpu.memory_space<semaphore_mem>> -> memref<!tpu.dma_semaphore, #tpu.memory_space<semaphore_mem>>
    %dma_start3A_47 = arith.constant 0 : i32
    %dma_start3A_48 = tpu.memref_slice %arg7[%dma_start3A_37, %dma_start3A_47] : memref<8x80xi32, #tpu.memory_space<vmem>> -> memref<1x80xi32, #tpu.memory_space<vmem>>
    %dma_start3A_49 = tpu.memref_squeeze %dma_start3A_48 : memref<1x80xi32, #tpu.memory_space<vmem>> -> memref<80xi32, #tpu.memory_space<vmem>>
    %dma_start3A_50 = arith.constant 0 : i32
    %dma_start3A_51 = tpu.memref_slice %arg3[%add3A, %dma_start3A_36, %dma_start3A_50] : memref<32x125x80xi32, #tpu.memory_space<hbm>> -> memref<1x1x80xi32, #tpu.memory_space<hbm>>
    %dma_start3A_52 = tpu.memref_squeeze %dma_start3A_51 : memref<1x1x80xi32, #tpu.memory_space<hbm>> -> memref<80xi32, #tpu.memory_space<hbm>>
    tpu.enqueue_dma source(%dma_start3A_52 : memref<80xi32, #tpu.memory_space<hbm>>) target(%dma_start3A_49 : memref<80xi32, #tpu.memory_space<vmem>>) target_semaphore(%dma_start3A_46 : memref<!tpu.dma_semaphore, #tpu.memory_space<semaphore_mem>>)
    %dma_start3A_53 = arith.constant 1 : i32
    %dma_start3A_54 = arith.constant 1 : i32
    %dma_start3A_55 = arith.constant 1 : i32
    %dma_start3A_56 = arith.constant 0 : i32
    %dma_start3A_57 = tpu.memref_slice %arg8[%dma_start3A_54, %dma_start3A_56] : memref<8x80xi32, #tpu.memory_space<vmem>> -> memref<1x80xi32, #tpu.memory_space<vmem>>
    %dma_start3A_58 = tpu.memref_squeeze %dma_start3A_57 : memref<1x80xi32, #tpu.memory_space<vmem>> -> memref<80xi32, #tpu.memory_space<vmem>>
    %dma_start3A_59 = arith.constant 0 : i32
    %dma_start3A_60 = tpu.memref_slice %arg4[%add3A, %dma_start3A_53, %dma_start3A_59] : memref<32x125x80xi32, #tpu.memory_space<hbm>> -> memref<1x1x80xi32, #tpu.memory_space<hbm>>
    %dma_start3A_61 = tpu.memref_squeeze %dma_start3A_60 : memref<1x1x80xi32, #tpu.memory_space<hbm>> -> memref<80xi32, #tpu.memory_space<hbm>>
    %dma_start3A_62 = tpu.memref_slice %arg12[%dma_start3A_55] : memref<8x!tpu.dma_semaphore, #tpu.memory_space<semaphore_mem>> -> memref<1x!tpu.dma_semaphore, #tpu.memory_space<semaphore_mem>>
    %dma_start3A_63 = tpu.memref_squeeze %dma_start3A_62 : memref<1x!tpu.dma_semaphore, #tpu.memory_space<semaphore_mem>> -> memref<!tpu.dma_semaphore, #tpu.memory_space<semaphore_mem>>
    %dma_start3A_64 = arith.constant 0 : i32
    %dma_start3A_65 = tpu.memref_slice %arg8[%dma_start3A_54, %dma_start3A_64] : memref<8x80xi32, #tpu.memory_space<vmem>> -> memref<1x80xi32, #tpu.memory_space<vmem>>
    %dma_start3A_66 = tpu.memref_squeeze %dma_start3A_65 : memref<1x80xi32, #tpu.memory_space<vmem>> -> memref<80xi32, #tpu.memory_space<vmem>>
    %dma_start3A_67 = arith.constant 0 : i32
    %dma_start3A_68 = tpu.memref_slice %arg4[%add3A, %dma_start3A_53, %dma_start3A_67] : memref<32x125x80xi32, #tpu.memory_space<hbm>> -> memref<1x1x80xi32, #tpu.memory_space<hbm>>
    %dma_start3A_69 = tpu.memref_squeeze %dma_start3A_68 : memref<1x1x80xi32, #tpu.memory_space<hbm>> -> memref<80xi32, #tpu.memory_space<hbm>>
    tpu.enqueue_dma source(%dma_start3A_69 : memref<80xi32, #tpu.memory_space<hbm>>) target(%dma_start3A_66 : memref<80xi32, #tpu.memory_space<vmem>>) target_semaphore(%dma_start3A_63 : memref<!tpu.dma_semaphore, #tpu.memory_space<semaphore_mem>>)
    %dma_start3A_70 = arith.constant 2 : i32
    %dma_start3A_71 = arith.constant 2 : i32
    %dma_start3A_72 = arith.constant 2 : i32
    %dma_start3A_73 = arith.constant 0 : i32
    %dma_start3A_74 = tpu.memref_slice %arg7[%dma_start3A_71, %dma_start3A_73] : memref<8x80xi32, #tpu.memory_space<vmem>> -> memref<1x80xi32, #tpu.memory_space<vmem>>
    %dma_start3A_75 = tpu.memref_squeeze %dma_start3A_74 : memref<1x80xi32, #tpu.memory_space<vmem>> -> memref<80xi32, #tpu.memory_space<vmem>>
    %dma_start3A_76 = arith.constant 0 : i32
    %dma_start3A_77 = tpu.memref_slice %arg3[%add3A, %dma_start3A_70, %dma_start3A_76] : memref<32x125x80xi32, #tpu.memory_space<hbm>> -> memref<1x1x80xi32, #tpu.memory_space<hbm>>
    %dma_start3A_78 = tpu.memref_squeeze %dma_start3A_77 : memref<1x1x80xi32, #tpu.memory_space<hbm>> -> memref<80xi32, #tpu.memory_space<hbm>>
    %dma_start3A_79 = tpu.memref_slice %arg11[%dma_start3A_72] : memref<8x!tpu.dma_semaphore, #tpu.memory_space<semaphore_mem>> -> memref<1x!tpu.dma_semaphore, #tpu.memory_space<semaphore_mem>>
    %dma_start3A_80 = tpu.memref_squeeze %dma_start3A_79 : memref<1x!tpu.dma_semaphore, #tpu.memory_space<semaphore_mem>> -> memref<!tpu.dma_semaphore, #tpu.memory_space<semaphore_mem>>
    %dma_start3A_81 = arith.constant 0 : i32
    %dma_start3A_82 = tpu.memref_slice %arg7[%dma_start3A_71, %dma_start3A_81] : memref<8x80xi32, #tpu.memory_space<vmem>> -> memref<1x80xi32, #tpu.memory_space<vmem>>
    %dma_start3A_83 = tpu.memref_squeeze %dma_start3A_82 : memref<1x80xi32, #tpu.memory_space<vmem>> -> memref<80xi32, #tpu.memory_space<vmem>>
    %dma_start3A_84 = arith.constant 0 : i32
    %dma_start3A_85 = tpu.memref_slice %arg3[%add3A, %dma_start3A_70, %dma_start3A_84] : memref<32x125x80xi32, #tpu.memory_space<hbm>> -> memref<1x1x80xi32, #tpu.memory_space<hbm>>
    %dma_start3A_86 = tpu.memref_squeeze %dma_start3A_85 : memref<1x1x80xi32, #tpu.memory_space<hbm>> -> memref<80xi32, #tpu.memory_space<hbm>>
    tpu.enqueue_dma source(%dma_start3A_86 : memref<80xi32, #tpu.memory_space<hbm>>) target(%dma_start3A_83 : memref<80xi32, #tpu.memory_space<vmem>>) target_semaphore(%dma_start3A_80 : memref<!tpu.dma_semaphore, #tpu.memory_space<semaphore_mem>>)
    %dma_start3A_87 = arith.constant 2 : i32
    %dma_start3A_88 = arith.constant 2 : i32
    %dma_start3A_89 = arith.constant 2 : i32
    %dma_start3A_90 = arith.constant 0 : i32
    %dma_start3A_91 = tpu.memref_slice %arg8[%dma_start3A_88, %dma_start3A_90] : memref<8x80xi32, #tpu.memory_space<vmem>> -> memref<1x80xi32, #tpu.memory_space<vmem>>
    %dma_start3A_92 = tpu.memref_squeeze %dma_start3A_91 : memref<1x80xi32, #tpu.memory_space<vmem>> -> memref<80xi32, #tpu.memory_space<vmem>>
    %dma_start3A_93 = arith.constant 0 : i32
    %dma_start3A_94 = tpu.memref_slice %arg4[%add3A, %dma_start3A_87, %dma_start3A_93] : memref<32x125x80xi32, #tpu.memory_space<hbm>> -> memref<1x1x80xi32, #tpu.memory_space<hbm>>
    %dma_start3A_95 = tpu.memref_squeeze %dma_start3A_94 : memref<1x1x80xi32, #tpu.memory_space<hbm>> -> memref<80xi32, #tpu.memory_space<hbm>>
    %dma_start3A_96 = tpu.memref_slice %arg12[%dma_start3A_89] : memref<8x!tpu.dma_semaphore, #tpu.memory_space<semaphore_mem>> -> memref<1x!tpu.dma_semaphore, #tpu.memory_space<semaphore_mem>>
    %dma_start3A_97 = tpu.memref_squeeze %dma_start3A_96 : memref<1x!tpu.dma_semaphore, #tpu.memory_space<semaphore_mem>> -> memref<!tpu.dma_semaphore, #tpu.memory_space<semaphore_mem>>
    %dma_start3A_98 = arith.constant 0 : i32
    %dma_start3A_99 = tpu.memref_slice %arg8[%dma_start3A_88, %dma_start3A_98] : memref<8x80xi32, #tpu.memory_space<vmem>> -> memref<1x80xi32, #tpu.memory_space<vmem>>
    %dma_start3A_100 = tpu.memref_squeeze %dma_start3A_99 : memref<1x80xi32, #tpu.memory_space<vmem>> -> memref<80xi32, #tpu.memory_space<vmem>>
    %dma_start3A_101 = arith.constant 0 : i32
    %dma_start3A_102 = tpu.memref_slice %arg4[%add3A, %dma_start3A_87, %dma_start3A_101] : memref<32x125x80xi32, #tpu.memory_space<hbm>> -> memref<1x1x80xi32, #tpu.memory_space<hbm>>
    %dma_start3A_103 = tpu.memref_squeeze %dma_start3A_102 : memref<1x1x80xi32, #tpu.memory_space<hbm>> -> memref<80xi32, #tpu.memory_space<hbm>>
    tpu.enqueue_dma source(%dma_start3A_103 : memref<80xi32, #tpu.memory_space<hbm>>) target(%dma_start3A_100 : memref<80xi32, #tpu.memory_space<vmem>>) target_semaphore(%dma_start3A_97 : memref<!tpu.dma_semaphore, #tpu.memory_space<semaphore_mem>>)
    %barrier3A = arith.constant 0 : index
    tpu.barrier barrier_id(%barrier3A)
    %dma_wait3A = arith.constant 0 : i32
    %dma_wait3A_104 = arith.constant 0 : i32
    %dma_wait3A_105 = arith.constant 0 : i32
    %dma_wait3A_106 = arith.constant 0 : i32
    %dma_wait3A_107 = tpu.memref_slice %arg7[%dma_wait3A_104, %dma_wait3A_106] : memref<8x80xi32, #tpu.memory_space<vmem>> -> memref<1x80xi32, #tpu.memory_space<vmem>>
    %dma_wait3A_108 = tpu.memref_squeeze %dma_wait3A_107 : memref<1x80xi32, #tpu.memory_space<vmem>> -> memref<80xi32, #tpu.memory_space<vmem>>
    %dma_wait3A_109 = arith.constant 0 : i32
    %dma_wait3A_110 = tpu.memref_slice %arg3[%add3A, %dma_wait3A, %dma_wait3A_109] : memref<32x125x80xi32, #tpu.memory_space<hbm>> -> memref<1x1x80xi32, #tpu.memory_space<hbm>>
    %dma_wait3A_111 = tpu.memref_squeeze %dma_wait3A_110 : memref<1x1x80xi32, #tpu.memory_space<hbm>> -> memref<80xi32, #tpu.memory_space<hbm>>
    %dma_wait3A_112 = tpu.memref_slice %arg11[%dma_wait3A_105] : memref<8x!tpu.dma_semaphore, #tpu.memory_space<semaphore_mem>> -> memref<1x!tpu.dma_semaphore, #tpu.memory_space<semaphore_mem>>
    %dma_wait3A_113 = tpu.memref_squeeze %dma_wait3A_112 : memref<1x!tpu.dma_semaphore, #tpu.memory_space<semaphore_mem>> -> memref<!tpu.dma_semaphore, #tpu.memory_space<semaphore_mem>>
    %dma_wait3A_114 = arith.constant 0 : i32
    %dma_wait3A_115 = tpu.memref_slice %arg7[%dma_wait3A_104, %dma_wait3A_114] : memref<8x80xi32, #tpu.memory_space<vmem>> -> memref<1x80xi32, #tpu.memory_space<vmem>>
    %dma_wait3A_116 = tpu.memref_squeeze %dma_wait3A_115 : memref<1x80xi32, #tpu.memory_space<vmem>> -> memref<80xi32, #tpu.memory_space<vmem>>
    %dma_wait3A_117 = arith.constant 0 : i32
    %dma_wait3A_118 = tpu.memref_slice %arg3[%add3A, %dma_wait3A, %dma_wait3A_117] : memref<32x125x80xi32, #tpu.memory_space<hbm>> -> memref<1x1x80xi32, #tpu.memory_space<hbm>>
    %dma_wait3A_119 = tpu.memref_squeeze %dma_wait3A_118 : memref<1x1x80xi32, #tpu.memory_space<hbm>> -> memref<80xi32, #tpu.memory_space<hbm>>
    tpu.wait_dma2 semaphore(%dma_wait3A_113 : memref<!tpu.dma_semaphore, #tpu.memory_space<semaphore_mem>>) src(%dma_wait3A_119 : memref<80xi32, #tpu.memory_space<hbm>>) dst(%dma_wait3A_116 : memref<80xi32, #tpu.memory_space<vmem>>)
    %dma_start3A_120 = arith.constant 0 : i32
    %dma_start3A_121 = arith.constant 0 : i32
    %dma_start3A_122 = arith.constant 0 : i32
    %dma_start3A_123 = arith.constant 0 : i32
    %dma_start3A_124 = arith.constant 0 : i32
    %dma_start3A_125 = tpu.memref_slice %arg9[%dma_start3A_121, %dma_start3A_123, %dma_start3A_124] : memref<4x80x128xf32, #tpu.memory_space<vmem>> -> memref<1x80x128xf32, #tpu.memory_space<vmem>>
    %dma_start3A_126 = tpu.memref_squeeze %dma_start3A_125 : memref<1x80x128xf32, #tpu.memory_space<vmem>> -> memref<80x128xf32, #tpu.memory_space<vmem>>
    %dma_start3A_127 = arith.constant 0 : i32
    %dma_start3A_128 = tpu.memref_slice %arg7[%dma_start3A_120, %dma_start3A_127] : memref<8x80xi32, #tpu.memory_space<vmem>> -> memref<1x80xi32, #tpu.memory_space<vmem>>
    %dma_start3A_129 = tpu.memref_squeeze %dma_start3A_128 : memref<1x80xi32, #tpu.memory_space<vmem>> -> memref<80xi32, #tpu.memory_space<vmem>>
    %dma_start3A_130 = arith.constant 0 : i32
    %dma_start3A_131 = arith.constant 0 : i32
    %dma_start3A_132 = tpu.memref_slice %arg2[%dma_start3A_130, %dma_start3A_131] : memref<10000x128xf32, #tpu.memory_space<hbm>> -> memref<10000x128xf32, #tpu.memory_space<hbm>>
    %dma_start3A_133 = tpu.memref_slice %arg13[%dma_start3A_122] : memref<4x!tpu.dma_semaphore, #tpu.memory_space<semaphore_mem>> -> memref<1x!tpu.dma_semaphore, #tpu.memory_space<semaphore_mem>>
    %dma_start3A_134 = tpu.memref_squeeze %dma_start3A_133 : memref<1x!tpu.dma_semaphore, #tpu.memory_space<semaphore_mem>> -> memref<!tpu.dma_semaphore, #tpu.memory_space<semaphore_mem>>
    tpu.enqueue_indirect_dma source(%dma_start3A_132 : memref<10000x128xf32, #tpu.memory_space<hbm>>) target(%dma_start3A_126 : memref<80x128xf32, #tpu.memory_space<vmem>>) offsets(%dma_start3A_129 : memref<80xi32, #tpu.memory_space<vmem>>) semaphore(%dma_start3A_134 : memref<!tpu.dma_semaphore, #tpu.memory_space<semaphore_mem>>)
    %dma_wait3A_135 = arith.constant 1 : i32
    %dma_wait3A_136 = arith.constant 1 : i32
    %dma_wait3A_137 = arith.constant 1 : i32
    %dma_wait3A_138 = arith.constant 0 : i32
    %dma_wait3A_139 = tpu.memref_slice %arg7[%dma_wait3A_136, %dma_wait3A_138] : memref<8x80xi32, #tpu.memory_space<vmem>> -> memref<1x80xi32, #tpu.memory_space<vmem>>
    %dma_wait3A_140 = tpu.memref_squeeze %dma_wait3A_139 : memref<1x80xi32, #tpu.memory_space<vmem>> -> memref<80xi32, #tpu.memory_space<vmem>>
    %dma_wait3A_141 = arith.constant 0 : i32
    %dma_wait3A_142 = tpu.memref_slice %arg3[%add3A, %dma_wait3A_135, %dma_wait3A_141] : memref<32x125x80xi32, #tpu.memory_space<hbm>> -> memref<1x1x80xi32, #tpu.memory_space<hbm>>
    %dma_wait3A_143 = tpu.memref_squeeze %dma_wait3A_142 : memref<1x1x80xi32, #tpu.memory_space<hbm>> -> memref<80xi32, #tpu.memory_space<hbm>>
    %dma_wait3A_144 = tpu.memref_slice %arg11[%dma_wait3A_137] : memref<8x!tpu.dma_semaphore, #tpu.memory_space<semaphore_mem>> -> memref<1x!tpu.dma_semaphore, #tpu.memory_space<semaphore_mem>>
    %dma_wait3A_145 = tpu.memref_squeeze %dma_wait3A_144 : memref<1x!tpu.dma_semaphore, #tpu.memory_space<semaphore_mem>> -> memref<!tpu.dma_semaphore, #tpu.memory_space<semaphore_mem>>
    %dma_wait3A_146 = arith.constant 0 : i32
    %dma_wait3A_147 = tpu.memref_slice %arg7[%dma_wait3A_136, %dma_wait3A_146] : memref<8x80xi32, #tpu.memory_space<vmem>> -> memref<1x80xi32, #tpu.memory_space<vmem>>
    %dma_wait3A_148 = tpu.memref_squeeze %dma_wait3A_147 : memref<1x80xi32, #tpu.memory_space<vmem>> -> memref<80xi32, #tpu.memory_space<vmem>>
    %dma_wait3A_149 = arith.constant 0 : i32
    %dma_wait3A_150 = tpu.memref_slice %arg3[%add3A, %dma_wait3A_135, %dma_wait3A_149] : memref<32x125x80xi32, #tpu.memory_space<hbm>> -> memref<1x1x80xi32, #tpu.memory_space<hbm>>
    %dma_wait3A_151 = tpu.memref_squeeze %dma_wait3A_150 : memref<1x1x80xi32, #tpu.memory_space<hbm>> -> memref<80xi32, #tpu.memory_space<hbm>>
    tpu.wait_dma2 semaphore(%dma_wait3A_145 : memref<!tpu.dma_semaphore, #tpu.memory_space<semaphore_mem>>) src(%dma_wait3A_151 : memref<80xi32, #tpu.memory_space<hbm>>) dst(%dma_wait3A_148 : memref<80xi32, #tpu.memory_space<vmem>>)
    %dma_start3A_152 = arith.constant 1 : i32
    %dma_start3A_153 = arith.constant 1 : i32
    %dma_start3A_154 = arith.constant 1 : i32
    %dma_start3A_155 = arith.constant 0 : i32
    %dma_start3A_156 = arith.constant 0 : i32
    %dma_start3A_157 = tpu.memref_slice %arg9[%dma_start3A_153, %dma_start3A_155, %dma_start3A_156] : memref<4x80x128xf32, #tpu.memory_space<vmem>> -> memref<1x80x128xf32, #tpu.memory_space<vmem>>
    %dma_start3A_158 = tpu.memref_squeeze %dma_start3A_157 : memref<1x80x128xf32, #tpu.memory_space<vmem>> -> memref<80x128xf32, #tpu.memory_space<vmem>>
    %dma_start3A_159 = arith.constant 0 : i32
    %dma_start3A_160 = tpu.memref_slice %arg7[%dma_start3A_152, %dma_start3A_159] : memref<8x80xi32, #tpu.memory_space<vmem>> -> memref<1x80xi32, #tpu.memory_space<vmem>>
    %dma_start3A_161 = tpu.memref_squeeze %dma_start3A_160 : memref<1x80xi32, #tpu.memory_space<vmem>> -> memref<80xi32, #tpu.memory_space<vmem>>
    %dma_start3A_162 = arith.constant 0 : i32
    %dma_start3A_163 = arith.constant 0 : i32
    %dma_start3A_164 = tpu.memref_slice %arg2[%dma_start3A_162, %dma_start3A_163] : memref<10000x128xf32, #tpu.memory_space<hbm>> -> memref<10000x128xf32, #tpu.memory_space<hbm>>
    %dma_start3A_165 = tpu.memref_slice %arg13[%dma_start3A_154] : memref<4x!tpu.dma_semaphore, #tpu.memory_space<semaphore_mem>> -> memref<1x!tpu.dma_semaphore, #tpu.memory_space<semaphore_mem>>
    %dma_start3A_166 = tpu.memref_squeeze %dma_start3A_165 : memref<1x!tpu.dma_semaphore, #tpu.memory_space<semaphore_mem>> -> memref<!tpu.dma_semaphore, #tpu.memory_space<semaphore_mem>>
    tpu.enqueue_indirect_dma source(%dma_start3A_164 : memref<10000x128xf32, #tpu.memory_space<hbm>>) target(%dma_start3A_158 : memref<80x128xf32, #tpu.memory_space<vmem>>) offsets(%dma_start3A_161 : memref<80xi32, #tpu.memory_space<vmem>>) semaphore(%dma_start3A_166 : memref<!tpu.dma_semaphore, #tpu.memory_space<semaphore_mem>>)
    %scan3A = arith.constant 0 : i32
    %scan3A_167 = arith.constant 0 : i32
    %scan3A_168 = arith.constant 125 : i32
    %scan3A_169 = arith.addi %scan3A_167, %scan3A_168 : i32
    %scan3A_170 = arith.constant 1 : i32
    scf.for %scan3A_209 = %scan3A_167 to %scan3A_169 step %scan3A_170  : i32 {
      %and3A = arith.constant 3 : i32
      %and3A_210 = arith.andi %scan3A_209, %and3A : i32
      %ge3A = arith.constant 2 : i32
      %ge3A_211 = arith.cmpi sge, %scan3A_209, %ge3A : i32
      %convert_element_type3A_212 = arith.extui %ge3A_211 : i1 to i32
      %cond3A_213 = arith.constant 0 : i32
      %cond3A_214 = arith.cmpi ne, %convert_element_type3A_212, %cond3A_213 : i32
      scf.if %cond3A_214 {
        %sub3A = arith.constant 2 : i32
        %sub3A_275 = arith.subi %scan3A_209, %sub3A : i32
        %and3A_276 = arith.constant 3 : i32
        %and3A_277 = arith.andi %sub3A_275, %and3A_276 : i32
        %sub3A_278 = arith.constant 2 : i32
        %sub3A_279 = arith.subi %scan3A_209, %sub3A_278 : i32
        %and3A_280 = arith.constant 7 : i32
        %and3A_281 = arith.andi %sub3A_279, %and3A_280 : i32
        %dma_wait3A_282 = arith.constant 0 : i32
        %dma_wait3A_283 = arith.constant 0 : i32
        %dma_wait3A_284 = tpu.memref_slice %arg9[%and3A_277, %dma_wait3A_282, %dma_wait3A_283] : memref<4x80x128xf32, #tpu.memory_space<vmem>> -> memref<1x80x128xf32, #tpu.memory_space<vmem>>
        %dma_wait3A_285 = tpu.memref_squeeze %dma_wait3A_284 : memref<1x80x128xf32, #tpu.memory_space<vmem>> -> memref<80x128xf32, #tpu.memory_space<vmem>>
        %dma_wait3A_286 = arith.constant 0 : i32
        %dma_wait3A_287 = tpu.memref_slice %arg8[%and3A_281, %dma_wait3A_286] : memref<8x80xi32, #tpu.memory_space<vmem>> -> memref<1x80xi32, #tpu.memory_space<vmem>>
        %dma_wait3A_288 = tpu.memref_squeeze %dma_wait3A_287 : memref<1x80xi32, #tpu.memory_space<vmem>> -> memref<80xi32, #tpu.memory_space<vmem>>
        %dma_wait3A_289 = arith.constant 0 : i32
        %dma_wait3A_290 = arith.constant 0 : i32
        %dma_wait3A_291 = tpu.memref_slice %arg10[%dma_wait3A_289, %dma_wait3A_290] : memref<10112x128xf32, #tpu.memory_space<vmem_shared>> -> memref<10112x128xf32, #tpu.memory_space<vmem_shared>>
        %dma_wait3A_292 = tpu.memref_slice %arg14[%and3A_277] : memref<4x!tpu.dma_semaphore, #tpu.memory_space<semaphore_mem>> -> memref<1x!tpu.dma_semaphore, #tpu.memory_space<semaphore_mem>>
        %dma_wait3A_293 = tpu.memref_squeeze %dma_wait3A_292 : memref<1x!tpu.dma_semaphore, #tpu.memory_space<semaphore_mem>> -> memref<!tpu.dma_semaphore, #tpu.memory_space<semaphore_mem>>
        tpu.wait_indirect_dma semaphore(%dma_wait3A_293 : memref<!tpu.dma_semaphore, #tpu.memory_space<semaphore_mem>>) src(%dma_wait3A_285 : memref<80x128xf32, #tpu.memory_space<vmem>>) dst(%dma_wait3A_291 : memref<10112x128xf32, #tpu.memory_space<vmem_shared>>)
      } else {
      }
      %add3A_215 = arith.constant 3 : i32
      %add3A_216 = arith.addi %scan3A_209, %add3A_215 : i32
      %lt3A_217 = arith.constant 125 : i32
      %lt3A_218 = arith.cmpi slt, %add3A_216, %lt3A_217 : i32
      %convert_element_type3A_219 = arith.extui %lt3A_218 : i1 to i32
      %cond3A_220 = arith.constant 0 : i32
      %cond3A_221 = arith.cmpi ne, %convert_element_type3A_219, %cond3A_220 : i32
      scf.if %cond3A_221 {
        %add3A_275 = arith.constant 3 : i32
        %add3A_276 = arith.addi %scan3A_209, %add3A_275 : i32
        %and3A_277 = arith.constant 7 : i32
        %and3A_278 = arith.andi %add3A_276, %and3A_277 : i32
        %add3A_279 = arith.constant 3 : i32
        %add3A_280 = arith.addi %scan3A_209, %add3A_279 : i32
        %dma_start3A_281 = arith.constant 0 : i32
        %dma_start3A_282 = tpu.memref_slice %arg7[%and3A_278, %dma_start3A_281] : memref<8x80xi32, #tpu.memory_space<vmem>> -> memref<1x80xi32, #tpu.memory_space<vmem>>
        %dma_start3A_283 = tpu.memref_squeeze %dma_start3A_282 : memref<1x80xi32, #tpu.memory_space<vmem>> -> memref<80xi32, #tpu.memory_space<vmem>>
        %dma_start3A_284 = arith.constant 0 : i32
        %dma_start3A_285 = tpu.memref_slice %arg3[%add3A, %add3A_280, %dma_start3A_284] : memref<32x125x80xi32, #tpu.memory_space<hbm>> -> memref<1x1x80xi32, #tpu.memory_space<hbm>>
        %dma_start3A_286 = tpu.memref_squeeze %dma_start3A_285 : memref<1x1x80xi32, #tpu.memory_space<hbm>> -> memref<80xi32, #tpu.memory_space<hbm>>
        %dma_start3A_287 = tpu.memref_slice %arg11[%and3A_278] : memref<8x!tpu.dma_semaphore, #tpu.memory_space<semaphore_mem>> -> memref<1x!tpu.dma_semaphore, #tpu.memory_space<semaphore_mem>>
        %dma_start3A_288 = tpu.memref_squeeze %dma_start3A_287 : memref<1x!tpu.dma_semaphore, #tpu.memory_space<semaphore_mem>> -> memref<!tpu.dma_semaphore, #tpu.memory_space<semaphore_mem>>
        %dma_start3A_289 = arith.constant 0 : i32
        %dma_start3A_290 = tpu.memref_slice %arg7[%and3A_278, %dma_start3A_289] : memref<8x80xi32, #tpu.memory_space<vmem>> -> memref<1x80xi32, #tpu.memory_space<vmem>>
        %dma_start3A_291 = tpu.memref_squeeze %dma_start3A_290 : memref<1x80xi32, #tpu.memory_space<vmem>> -> memref<80xi32, #tpu.memory_space<vmem>>
        %dma_start3A_292 = arith.constant 0 : i32
        %dma_start3A_293 = tpu.memref_slice %arg3[%add3A, %add3A_280, %dma_start3A_292] : memref<32x125x80xi32, #tpu.memory_space<hbm>> -> memref<1x1x80xi32, #tpu.memory_space<hbm>>
        %dma_start3A_294 = tpu.memref_squeeze %dma_start3A_293 : memref<1x1x80xi32, #tpu.memory_space<hbm>> -> memref<80xi32, #tpu.memory_space<hbm>>
        tpu.enqueue_dma source(%dma_start3A_294 : memref<80xi32, #tpu.memory_space<hbm>>) target(%dma_start3A_291 : memref<80xi32, #tpu.memory_space<vmem>>) target_semaphore(%dma_start3A_288 : memref<!tpu.dma_semaphore, #tpu.memory_space<semaphore_mem>>)
        %add3A_295 = arith.constant 3 : i32
        %add3A_296 = arith.addi %scan3A_209, %add3A_295 : i32
        %dma_start3A_297 = arith.constant 0 : i32
        %dma_start3A_298 = tpu.memref_slice %arg8[%and3A_278, %dma_start3A_297] : memref<8x80xi32, #tpu.memory_space<vmem>> -> memref<1x80xi32, #tpu.memory_space<vmem>>
        %dma_start3A_299 = tpu.memref_squeeze %dma_start3A_298 : memref<1x80xi32, #tpu.memory_space<vmem>> -> memref<80xi32, #tpu.memory_space<vmem>>
        %dma_start3A_300 = arith.constant 0 : i32
        %dma_start3A_301 = tpu.memref_slice %arg4[%add3A, %add3A_296, %dma_start3A_300] : memref<32x125x80xi32, #tpu.memory_space<hbm>> -> memref<1x1x80xi32, #tpu.memory_space<hbm>>
        %dma_start3A_302 = tpu.memref_squeeze %dma_start3A_301 : memref<1x1x80xi32, #tpu.memory_space<hbm>> -> memref<80xi32, #tpu.memory_space<hbm>>
        %dma_start3A_303 = tpu.memref_slice %arg12[%and3A_278] : memref<8x!tpu.dma_semaphore, #tpu.memory_space<semaphore_mem>> -> memref<1x!tpu.dma_semaphore, #tpu.memory_space<semaphore_mem>>
        %dma_start3A_304 = tpu.memref_squeeze %dma_start3A_303 : memref<1x!tpu.dma_semaphore, #tpu.memory_space<semaphore_mem>> -> memref<!tpu.dma_semaphore, #tpu.memory_space<semaphore_mem>>
        %dma_start3A_305 = arith.constant 0 : i32
        %dma_start3A_306 = tpu.memref_slice %arg8[%and3A_278, %dma_start3A_305] : memref<8x80xi32, #tpu.memory_space<vmem>> -> memref<1x80xi32, #tpu.memory_space<vmem>>
        %dma_start3A_307 = tpu.memref_squeeze %dma_start3A_306 : memref<1x80xi32, #tpu.memory_space<vmem>> -> memref<80xi32, #tpu.memory_space<vmem>>
        %dma_start3A_308 = arith.constant 0 : i32
        %dma_start3A_309 = tpu.memref_slice %arg4[%add3A, %add3A_296, %dma_start3A_308] : memref<32x125x80xi32, #tpu.memory_space<hbm>> -> memref<1x1x80xi32, #tpu.memory_space<hbm>>
        %dma_start3A_310 = tpu.memref_squeeze %dma_start3A_309 : memref<1x1x80xi32, #tpu.memory_space<hbm>> -> memref<80xi32, #tpu.memory_space<hbm>>
        tpu.enqueue_dma source(%dma_start3A_310 : memref<80xi32, #tpu.memory_space<hbm>>) target(%dma_start3A_307 : memref<80xi32, #tpu.memory_space<vmem>>) target_semaphore(%dma_start3A_304 : memref<!tpu.dma_semaphore, #tpu.memory_space<semaphore_mem>>)
      } else {
      }
      %add3A_222 = arith.constant 2 : i32
      %add3A_223 = arith.addi %scan3A_209, %add3A_222 : i32
      %lt3A_224 = arith.constant 125 : i32
      %lt3A_225 = arith.cmpi slt, %add3A_223, %lt3A_224 : i32
      %convert_element_type3A_226 = arith.extui %lt3A_225 : i1 to i32
      %cond3A_227 = arith.constant 0 : i32
      %cond3A_228 = arith.cmpi ne, %convert_element_type3A_226, %cond3A_227 : i32
      scf.if %cond3A_228 {
        %add3A_275 = arith.constant 2 : i32
        %add3A_276 = arith.addi %scan3A_209, %add3A_275 : i32
        %and3A_277 = arith.constant 7 : i32
        %and3A_278 = arith.andi %add3A_276, %and3A_277 : i32
        %add3A_279 = arith.constant 2 : i32
        %add3A_280 = arith.addi %scan3A_209, %add3A_279 : i32
        %and3A_281 = arith.constant 3 : i32
        %and3A_282 = arith.andi %add3A_280, %and3A_281 : i32
        %add3A_283 = arith.constant 2 : i32
        %add3A_284 = arith.addi %scan3A_209, %add3A_283 : i32
        %dma_wait3A_285 = arith.constant 0 : i32
        %dma_wait3A_286 = tpu.memref_slice %arg7[%and3A_278, %dma_wait3A_285] : memref<8x80xi32, #tpu.memory_space<vmem>> -> memref<1x80xi32, #tpu.memory_space<vmem>>
        %dma_wait3A_287 = tpu.memref_squeeze %dma_wait3A_286 : memref<1x80xi32, #tpu.memory_space<vmem>> -> memref<80xi32, #tpu.memory_space<vmem>>
        %dma_wait3A_288 = arith.constant 0 : i32
        %dma_wait3A_289 = tpu.memref_slice %arg3[%add3A, %add3A_284, %dma_wait3A_288] : memref<32x125x80xi32, #tpu.memory_space<hbm>> -> memref<1x1x80xi32, #tpu.memory_space<hbm>>
        %dma_wait3A_290 = tpu.memref_squeeze %dma_wait3A_289 : memref<1x1x80xi32, #tpu.memory_space<hbm>> -> memref<80xi32, #tpu.memory_space<hbm>>
        %dma_wait3A_291 = tpu.memref_slice %arg11[%and3A_278] : memref<8x!tpu.dma_semaphore, #tpu.memory_space<semaphore_mem>> -> memref<1x!tpu.dma_semaphore, #tpu.memory_space<semaphore_mem>>
        %dma_wait3A_292 = tpu.memref_squeeze %dma_wait3A_291 : memref<1x!tpu.dma_semaphore, #tpu.memory_space<semaphore_mem>> -> memref<!tpu.dma_semaphore, #tpu.memory_space<semaphore_mem>>
        %dma_wait3A_293 = arith.constant 0 : i32
        %dma_wait3A_294 = tpu.memref_slice %arg7[%and3A_278, %dma_wait3A_293] : memref<8x80xi32, #tpu.memory_space<vmem>> -> memref<1x80xi32, #tpu.memory_space<vmem>>
        %dma_wait3A_295 = tpu.memref_squeeze %dma_wait3A_294 : memref<1x80xi32, #tpu.memory_space<vmem>> -> memref<80xi32, #tpu.memory_space<vmem>>
        %dma_wait3A_296 = arith.constant 0 : i32
        %dma_wait3A_297 = tpu.memref_slice %arg3[%add3A, %add3A_284, %dma_wait3A_296] : memref<32x125x80xi32, #tpu.memory_space<hbm>> -> memref<1x1x80xi32, #tpu.memory_space<hbm>>
        %dma_wait3A_298 = tpu.memref_squeeze %dma_wait3A_297 : memref<1x1x80xi32, #tpu.memory_space<hbm>> -> memref<80xi32, #tpu.memory_space<hbm>>
        tpu.wait_dma2 semaphore(%dma_wait3A_292 : memref<!tpu.dma_semaphore, #tpu.memory_space<semaphore_mem>>) src(%dma_wait3A_298 : memref<80xi32, #tpu.memory_space<hbm>>) dst(%dma_wait3A_295 : memref<80xi32, #tpu.memory_space<vmem>>)
        %dma_start3A_299 = arith.constant 0 : i32
        %dma_start3A_300 = arith.constant 0 : i32
        %dma_start3A_301 = tpu.memref_slice %arg9[%and3A_282, %dma_start3A_299, %dma_start3A_300] : memref<4x80x128xf32, #tpu.memory_space<vmem>> -> memref<1x80x128xf32, #tpu.memory_space<vmem>>
        %dma_start3A_302 = tpu.memref_squeeze %dma_start3A_301 : memref<1x80x128xf32, #tpu.memory_space<vmem>> -> memref<80x128xf32, #tpu.memory_space<vmem>>
        %dma_start3A_303 = arith.constant 0 : i32
        %dma_start3A_304 = tpu.memref_slice %arg7[%and3A_278, %dma_start3A_303] : memref<8x80xi32, #tpu.memory_space<vmem>> -> memref<1x80xi32, #tpu.memory_space<vmem>>
        %dma_start3A_305 = tpu.memref_squeeze %dma_start3A_304 : memref<1x80xi32, #tpu.memory_space<vmem>> -> memref<80xi32, #tpu.memory_space<vmem>>
        %dma_start3A_306 = arith.constant 0 : i32
        %dma_start3A_307 = arith.constant 0 : i32
        %dma_start3A_308 = tpu.memref_slice %arg2[%dma_start3A_306, %dma_start3A_307] : memref<10000x128xf32, #tpu.memory_space<hbm>> -> memref<10000x128xf32, #tpu.memory_space<hbm>>
        %dma_start3A_309 = tpu.memref_slice %arg13[%and3A_282] : memref<4x!tpu.dma_semaphore, #tpu.memory_space<semaphore_mem>> -> memref<1x!tpu.dma_semaphore, #tpu.memory_space<semaphore_mem>>
        %dma_start3A_310 = tpu.memref_squeeze %dma_start3A_309 : memref<1x!tpu.dma_semaphore, #tpu.memory_space<semaphore_mem>> -> memref<!tpu.dma_semaphore, #tpu.memory_space<semaphore_mem>>
        tpu.enqueue_indirect_dma source(%dma_start3A_308 : memref<10000x128xf32, #tpu.memory_space<hbm>>) target(%dma_start3A_302 : memref<80x128xf32, #tpu.memory_space<vmem>>) offsets(%dma_start3A_305 : memref<80xi32, #tpu.memory_space<vmem>>) semaphore(%dma_start3A_310 : memref<!tpu.dma_semaphore, #tpu.memory_space<semaphore_mem>>)
      } else {
      }
      %and3A_229 = arith.constant 7 : i32
      %and3A_230 = arith.andi %scan3A_209, %and3A_229 : i32
      %dma_wait3A_231 = arith.constant 0 : i32
      %dma_wait3A_232 = arith.constant 0 : i32
      %dma_wait3A_233 = tpu.memref_slice %arg9[%and3A_210, %dma_wait3A_231, %dma_wait3A_232] : memref<4x80x128xf32, #tpu.memory_space<vmem>> -> memref<1x80x128xf32, #tpu.memory_space<vmem>>
      %dma_wait3A_234 = tpu.memref_squeeze %dma_wait3A_233 : memref<1x80x128xf32, #tpu.memory_space<vmem>> -> memref<80x128xf32, #tpu.memory_space<vmem>>
      %dma_wait3A_235 = arith.constant 0 : i32
      %dma_wait3A_236 = tpu.memref_slice %arg7[%and3A_230, %dma_wait3A_235] : memref<8x80xi32, #tpu.memory_space<vmem>> -> memref<1x80xi32, #tpu.memory_space<vmem>>
      %dma_wait3A_237 = tpu.memref_squeeze %dma_wait3A_236 : memref<1x80xi32, #tpu.memory_space<vmem>> -> memref<80xi32, #tpu.memory_space<vmem>>
      %dma_wait3A_238 = arith.constant 0 : i32
      %dma_wait3A_239 = arith.constant 0 : i32
      %dma_wait3A_240 = tpu.memref_slice %arg2[%dma_wait3A_238, %dma_wait3A_239] : memref<10000x128xf32, #tpu.memory_space<hbm>> -> memref<10000x128xf32, #tpu.memory_space<hbm>>
      %dma_wait3A_241 = tpu.memref_slice %arg13[%and3A_210] : memref<4x!tpu.dma_semaphore, #tpu.memory_space<semaphore_mem>> -> memref<1x!tpu.dma_semaphore, #tpu.memory_space<semaphore_mem>>
      %dma_wait3A_242 = tpu.memref_squeeze %dma_wait3A_241 : memref<1x!tpu.dma_semaphore, #tpu.memory_space<semaphore_mem>> -> memref<!tpu.dma_semaphore, #tpu.memory_space<semaphore_mem>>
      tpu.wait_indirect_dma semaphore(%dma_wait3A_242 : memref<!tpu.dma_semaphore, #tpu.memory_space<semaphore_mem>>) src(%dma_wait3A_240 : memref<10000x128xf32, #tpu.memory_space<hbm>>) dst(%dma_wait3A_234 : memref<80x128xf32, #tpu.memory_space<vmem>>)
      %and3A_243 = arith.constant 7 : i32
      %and3A_244 = arith.andi %scan3A_209, %and3A_243 : i32
      %and3A_245 = arith.constant 7 : i32
      %and3A_246 = arith.andi %scan3A_209, %and3A_245 : i32
      %dma_wait3A_247 = arith.constant 0 : i32
      %dma_wait3A_248 = tpu.memref_slice %arg8[%and3A_244, %dma_wait3A_247] : memref<8x80xi32, #tpu.memory_space<vmem>> -> memref<1x80xi32, #tpu.memory_space<vmem>>
      %dma_wait3A_249 = tpu.memref_squeeze %dma_wait3A_248 : memref<1x80xi32, #tpu.memory_space<vmem>> -> memref<80xi32, #tpu.memory_space<vmem>>
      %dma_wait3A_250 = arith.constant 0 : i32
      %dma_wait3A_251 = tpu.memref_slice %arg4[%add3A, %scan3A_209, %dma_wait3A_250] : memref<32x125x80xi32, #tpu.memory_space<hbm>> -> memref<1x1x80xi32, #tpu.memory_space<hbm>>
      %dma_wait3A_252 = tpu.memref_squeeze %dma_wait3A_251 : memref<1x1x80xi32, #tpu.memory_space<hbm>> -> memref<80xi32, #tpu.memory_space<hbm>>
      %dma_wait3A_253 = tpu.memref_slice %arg12[%and3A_246] : memref<8x!tpu.dma_semaphore, #tpu.memory_space<semaphore_mem>> -> memref<1x!tpu.dma_semaphore, #tpu.memory_space<semaphore_mem>>
      %dma_wait3A_254 = tpu.memref_squeeze %dma_wait3A_253 : memref<1x!tpu.dma_semaphore, #tpu.memory_space<semaphore_mem>> -> memref<!tpu.dma_semaphore, #tpu.memory_space<semaphore_mem>>
      %dma_wait3A_255 = arith.constant 0 : i32
      %dma_wait3A_256 = tpu.memref_slice %arg8[%and3A_244, %dma_wait3A_255] : memref<8x80xi32, #tpu.memory_space<vmem>> -> memref<1x80xi32, #tpu.memory_space<vmem>>
      %dma_wait3A_257 = tpu.memref_squeeze %dma_wait3A_256 : memref<1x80xi32, #tpu.memory_space<vmem>> -> memref<80xi32, #tpu.memory_space<vmem>>
      %dma_wait3A_258 = arith.constant 0 : i32
      %dma_wait3A_259 = tpu.memref_slice %arg4[%add3A, %scan3A_209, %dma_wait3A_258] : memref<32x125x80xi32, #tpu.memory_space<hbm>> -> memref<1x1x80xi32, #tpu.memory_space<hbm>>
      %dma_wait3A_260 = tpu.memref_squeeze %dma_wait3A_259 : memref<1x1x80xi32, #tpu.memory_space<hbm>> -> memref<80xi32, #tpu.memory_space<hbm>>
      tpu.wait_dma2 semaphore(%dma_wait3A_254 : memref<!tpu.dma_semaphore, #tpu.memory_space<semaphore_mem>>) src(%dma_wait3A_260 : memref<80xi32, #tpu.memory_space<hbm>>) dst(%dma_wait3A_257 : memref<80xi32, #tpu.memory_space<vmem>>)
      %and3A_261 = arith.constant 7 : i32
      %and3A_262 = arith.andi %scan3A_209, %and3A_261 : i32
      %dma_start3A_263 = arith.constant 0 : i32
      %dma_start3A_264 = arith.constant 0 : i32
      %dma_start3A_265 = tpu.memref_slice %arg9[%and3A_210, %dma_start3A_263, %dma_start3A_264] : memref<4x80x128xf32, #tpu.memory_space<vmem>> -> memref<1x80x128xf32, #tpu.memory_space<vmem>>
      %dma_start3A_266 = tpu.memref_squeeze %dma_start3A_265 : memref<1x80x128xf32, #tpu.memory_space<vmem>> -> memref<80x128xf32, #tpu.memory_space<vmem>>
      %dma_start3A_267 = arith.constant 0 : i32
      %dma_start3A_268 = tpu.memref_slice %arg8[%and3A_262, %dma_start3A_267] : memref<8x80xi32, #tpu.memory_space<vmem>> -> memref<1x80xi32, #tpu.memory_space<vmem>>
      %dma_start3A_269 = tpu.memref_squeeze %dma_start3A_268 : memref<1x80xi32, #tpu.memory_space<vmem>> -> memref<80xi32, #tpu.memory_space<vmem>>
      %dma_start3A_270 = arith.constant 0 : i32
      %dma_start3A_271 = arith.constant 0 : i32
      %dma_start3A_272 = tpu.memref_slice %arg10[%dma_start3A_270, %dma_start3A_271] : memref<10112x128xf32, #tpu.memory_space<vmem_shared>> -> memref<10112x128xf32, #tpu.memory_space<vmem_shared>>
      %dma_start3A_273 = tpu.memref_slice %arg14[%and3A_210] : memref<4x!tpu.dma_semaphore, #tpu.memory_space<semaphore_mem>> -> memref<1x!tpu.dma_semaphore, #tpu.memory_space<semaphore_mem>>
      %dma_start3A_274 = tpu.memref_squeeze %dma_start3A_273 : memref<1x!tpu.dma_semaphore, #tpu.memory_space<semaphore_mem>> -> memref<!tpu.dma_semaphore, #tpu.memory_space<semaphore_mem>>
      tpu.enqueue_indirect_dma source(%dma_start3A_266 : memref<80x128xf32, #tpu.memory_space<vmem>>) target(%dma_start3A_272 : memref<10112x128xf32, #tpu.memory_space<vmem_shared>>) offsets(%dma_start3A_269 : memref<80xi32, #tpu.memory_space<vmem>>) semaphore(%dma_start3A_274 : memref<!tpu.dma_semaphore, #tpu.memory_space<semaphore_mem>>) {add = true}
    }
    %scan3A_171 = arith.constant 125 : i32
    %dma_wait3A_172 = arith.constant 3 : i32
    %dma_wait3A_173 = arith.constant 3 : i32
    %dma_wait3A_174 = arith.constant 3 : i32
    %dma_wait3A_175 = arith.constant 0 : i32
    %dma_wait3A_176 = arith.constant 0 : i32
    %dma_wait3A_177 = tpu.memref_slice %arg9[%dma_wait3A_172, %dma_wait3A_175, %dma_wait3A_176] : memref<4x80x128xf32, #tpu.memory_space<vmem>> -> memref<1x80x128xf32, #tpu.memory_space<vmem>>
    %dma_wait3A_178 = tpu.memref_squeeze %dma_wait3A_177 : memref<1x80x128xf32, #tpu.memory_space<vmem>> -> memref<80x128xf32, #tpu.memory_space<vmem>>
    %dma_wait3A_179 = arith.constant 0 : i32
    %dma_wait3A_180 = tpu.memref_slice %arg8[%dma_wait3A_173, %dma_wait3A_179] : memref<8x80xi32, #tpu.memory_space<vmem>> -> memref<1x80xi32, #tpu.memory_space<vmem>>
    %dma_wait3A_181 = tpu.memref_squeeze %dma_wait3A_180 : memref<1x80xi32, #tpu.memory_space<vmem>> -> memref<80xi32, #tpu.memory_space<vmem>>
    %dma_wait3A_182 = arith.constant 0 : i32
    %dma_wait3A_183 = arith.constant 0 : i32
    %dma_wait3A_184 = tpu.memref_slice %arg10[%dma_wait3A_182, %dma_wait3A_183] : memref<10112x128xf32, #tpu.memory_space<vmem_shared>> -> memref<10112x128xf32, #tpu.memory_space<vmem_shared>>
    %dma_wait3A_185 = tpu.memref_slice %arg14[%dma_wait3A_174] : memref<4x!tpu.dma_semaphore, #tpu.memory_space<semaphore_mem>> -> memref<1x!tpu.dma_semaphore, #tpu.memory_space<semaphore_mem>>
    %dma_wait3A_186 = tpu.memref_squeeze %dma_wait3A_185 : memref<1x!tpu.dma_semaphore, #tpu.memory_space<semaphore_mem>> -> memref<!tpu.dma_semaphore, #tpu.memory_space<semaphore_mem>>
    tpu.wait_indirect_dma semaphore(%dma_wait3A_186 : memref<!tpu.dma_semaphore, #tpu.memory_space<semaphore_mem>>) src(%dma_wait3A_178 : memref<80x128xf32, #tpu.memory_space<vmem>>) dst(%dma_wait3A_184 : memref<10112x128xf32, #tpu.memory_space<vmem_shared>>)
    %dma_wait3A_187 = arith.constant 0 : i32
    %dma_wait3A_188 = arith.constant 4 : i32
    %dma_wait3A_189 = arith.constant 0 : i32
    %dma_wait3A_190 = arith.constant 0 : i32
    %dma_wait3A_191 = arith.constant 0 : i32
    %dma_wait3A_192 = tpu.memref_slice %arg9[%dma_wait3A_187, %dma_wait3A_190, %dma_wait3A_191] : memref<4x80x128xf32, #tpu.memory_space<vmem>> -> memref<1x80x128xf32, #tpu.memory_space<vmem>>
    %dma_wait3A_193 = tpu.memref_squeeze %dma_wait3A_192 : memref<1x80x128xf32, #tpu.memory_space<vmem>> -> memref<80x128xf32, #tpu.memory_space<vmem>>
    %dma_wait3A_194 = arith.constant 0 : i32
    %dma_wait3A_195 = tpu.memref_slice %arg8[%dma_wait3A_188, %dma_wait3A_194] : memref<8x80xi32, #tpu.memory_space<vmem>> -> memref<1x80xi32, #tpu.memory_space<vmem>>
    %dma_wait3A_196 = tpu.memref_squeeze %dma_wait3A_195 : memref<1x80xi32, #tpu.memory_space<vmem>> -> memref<80xi32, #tpu.memory_space<vmem>>
    %dma_wait3A_197 = arith.constant 0 : i32
    %dma_wait3A_198 = arith.constant 0 : i32
    %dma_wait3A_199 = tpu.memref_slice %arg10[%dma_wait3A_197, %dma_wait3A_198] : memref<10112x128xf32, #tpu.memory_space<vmem_shared>> -> memref<10112x128xf32, #tpu.memory_space<vmem_shared>>
    %dma_wait3A_200 = tpu.memref_slice %arg14[%dma_wait3A_189] : memref<4x!tpu.dma_semaphore, #tpu.memory_space<semaphore_mem>> -> memref<1x!tpu.dma_semaphore, #tpu.memory_space<semaphore_mem>>
    %dma_wait3A_201 = tpu.memref_squeeze %dma_wait3A_200 : memref<1x!tpu.dma_semaphore, #tpu.memory_space<semaphore_mem>> -> memref<!tpu.dma_semaphore, #tpu.memory_space<semaphore_mem>>
    tpu.wait_indirect_dma semaphore(%dma_wait3A_201 : memref<!tpu.dma_semaphore, #tpu.memory_space<semaphore_mem>>) src(%dma_wait3A_193 : memref<80x128xf32, #tpu.memory_space<vmem>>) dst(%dma_wait3A_199 : memref<10112x128xf32, #tpu.memory_space<vmem_shared>>)
    %barrier3A_202 = arith.constant 0 : index
    tpu.barrier barrier_id(%barrier3A_202)
    %lt3A = arith.constant 15 : i32
    %lt3A_203 = arith.cmpi slt, %arg1, %lt3A : i32
    %convert_element_type3A = arith.extui %lt3A_203 : i1 to i32
    %cond3A = arith.constant 0 : i32
    %cond3A_204 = arith.cmpi ne, %convert_element_type3A, %cond3A : i32
    scf.if %cond3A_204 {
      %mul3A_209 = arith.constant 632 : i32
      %mul3A_210 = arith.muli %arg1, %mul3A_209 : i32
      %mul3A_211 = arith.constant 632 : i32
      %mul3A_212 = arith.muli %arg1, %mul3A_211 : i32
      "tpu.region"() ({
        %run_scoped3A = tpu.sem_alloc : memref<!tpu.dma_semaphore, #tpu.memory_space<semaphore_mem>>
        %dma_start3A_213 = arith.constant 0 : i32
        %dma_start3A_214 = tpu.memref_slice %arg6[%arg0, %mul3A_212, %dma_start3A_213] : memref<2x10000x128xf32, #tpu.memory_space<hbm>> -> memref<1x632x128xf32, #tpu.memory_space<hbm>>
        %dma_start3A_215 = tpu.memref_squeeze %dma_start3A_214 : memref<1x632x128xf32, #tpu.memory_space<hbm>> -> memref<632x128xf32, #tpu.memory_space<hbm>>
        %dma_start3A_216 = arith.constant 0 : i32
        %dma_start3A_217 = tpu.memref_slice %arg10[%mul3A_210, %dma_start3A_216] : memref<10112x128xf32, #tpu.memory_space<vmem_shared>> -> memref<632x128xf32, #tpu.memory_space<vmem_shared>>
        tpu.enqueue_dma source(%dma_start3A_217 : memref<632x128xf32, #tpu.memory_space<vmem_shared>>) target(%dma_start3A_215 : memref<632x128xf32, #tpu.memory_space<hbm>>) target_semaphore(%run_scoped3A : memref<!tpu.dma_semaphore, #tpu.memory_space<semaphore_mem>>)
        %dma_wait3A_218 = arith.constant 0 : i32
        %dma_wait3A_219 = tpu.memref_slice %arg6[%arg0, %mul3A_212, %dma_wait3A_218] : memref<2x10000x128xf32, #tpu.memory_space<hbm>> -> memref<1x632x128xf32, #tpu.memory_space<hbm>>
        %dma_wait3A_220 = tpu.memref_squeeze %dma_wait3A_219 : memref<1x632x128xf32, #tpu.memory_space<hbm>> -> memref<632x128xf32, #tpu.memory_space<hbm>>
        %dma_wait3A_221 = arith.constant 0 : i32
        %dma_wait3A_222 = tpu.memref_slice %arg10[%mul3A_210, %dma_wait3A_221] : memref<10112x128xf32, #tpu.memory_space<vmem_shared>> -> memref<632x128xf32, #tpu.memory_space<vmem_shared>>
        tpu.wait_dma2 semaphore(%run_scoped3A : memref<!tpu.dma_semaphore, #tpu.memory_space<semaphore_mem>>) src(%dma_wait3A_222 : memref<632x128xf32, #tpu.memory_space<vmem_shared>>) dst(%dma_wait3A_220 : memref<632x128xf32, #tpu.memory_space<hbm>>)
        tpu.yield
      }) : () -> ()
    } else {
    }
    %eq3A = arith.constant 15 : i32
    %eq3A_205 = arith.cmpi eq, %arg1, %eq3A : i32
    %convert_element_type3A_206 = arith.extui %eq3A_205 : i1 to i32
    %cond3A_207 = arith.constant 0 : i32
    %cond3A_208 = arith.cmpi ne, %convert_element_type3A_206, %cond3A_207 : i32
    scf.if %cond3A_208 {
      "tpu.region"() ({
        %run_scoped3A = tpu.sem_alloc : memref<!tpu.dma_semaphore, #tpu.memory_space<semaphore_mem>>
        %dma_start3A_209 = arith.constant 9480 : i32
        %dma_start3A_210 = arith.constant 0 : i32
        %dma_start3A_211 = tpu.memref_slice %arg6[%arg0, %dma_start3A_209, %dma_start3A_210] : memref<2x10000x128xf32, #tpu.memory_space<hbm>> -> memref<1x520x128xf32, #tpu.memory_space<hbm>>
        %dma_start3A_212 = tpu.memref_squeeze %dma_start3A_211 : memref<1x520x128xf32, #tpu.memory_space<hbm>> -> memref<520x128xf32, #tpu.memory_space<hbm>>
        %dma_start3A_213 = arith.constant 9480 : i32
        %dma_start3A_214 = arith.constant 0 : i32
        %dma_start3A_215 = tpu.memref_slice %arg10[%dma_start3A_213, %dma_start3A_214] : memref<10112x128xf32, #tpu.memory_space<vmem_shared>> -> memref<520x128xf32, #tpu.memory_space<vmem_shared>>
        tpu.enqueue_dma source(%dma_start3A_215 : memref<520x128xf32, #tpu.memory_space<vmem_shared>>) target(%dma_start3A_212 : memref<520x128xf32, #tpu.memory_space<hbm>>) target_semaphore(%run_scoped3A : memref<!tpu.dma_semaphore, #tpu.memory_space<semaphore_mem>>)
        %dma_wait3A_216 = arith.constant 9480 : i32
        %dma_wait3A_217 = arith.constant 0 : i32
        %dma_wait3A_218 = tpu.memref_slice %arg6[%arg0, %dma_wait3A_216, %dma_wait3A_217] : memref<2x10000x128xf32, #tpu.memory_space<hbm>> -> memref<1x520x128xf32, #tpu.memory_space<hbm>>
        %dma_wait3A_219 = tpu.memref_squeeze %dma_wait3A_218 : memref<1x520x128xf32, #tpu.memory_space<hbm>> -> memref<520x128xf32, #tpu.memory_space<hbm>>
        %dma_wait3A_220 = arith.constant 9480 : i32
        %dma_wait3A_221 = arith.constant 0 : i32
        %dma_wait3A_222 = tpu.memref_slice %arg10[%dma_wait3A_220, %dma_wait3A_221] : memref<10112x128xf32, #tpu.memory_space<vmem_shared>> -> memref<520x128xf32, #tpu.memory_space<vmem_shared>>
        tpu.wait_dma2 semaphore(%run_scoped3A : memref<!tpu.dma_semaphore, #tpu.memory_space<semaphore_mem>>) src(%dma_wait3A_222 : memref<520x128xf32, #tpu.memory_space<vmem_shared>>) dst(%dma_wait3A_219 : memref<520x128xf32, #tpu.memory_space<hbm>>)
        tpu.yield
      }) : () -> ()
    } else {
    }
    return
  }
}

#map = affine_map<(d0, d1) -> (0, 0)>
#map1 = affine_map<(d0, d1) -> (0, 0, 0)>
module attributes {stable_mosaic.version = 14 : i64} {
  func.func @_push_body(%arg0: i32, %arg1: i32, %arg2: memref<10000x64xf32, #tpu.memory_space<hbm>>, %arg3: memref<32x125x80xi32, #tpu.memory_space<hbm>>, %arg4: memref<32x125x80xi32, #tpu.memory_space<hbm>>, %arg5: memref<632x64xf32, #tpu.memory_space<hbm>>, %arg6: memref<2x10000x64xf32, #tpu.memory_space<hbm>>, %arg7: memref<8x80xi32, #tpu.memory_space<vmem>>, %arg8: memref<8x80xi32, #tpu.memory_space<vmem>>, %arg9: memref<4x80x64xf32, #tpu.memory_space<vmem>>, %arg10: memref<10112x64xf32, #tpu.memory_space<vmem_shared>>, %arg11: memref<8x!tpu.dma_semaphore, #tpu.memory_space<semaphore_mem>>, %arg12: memref<8x!tpu.dma_semaphore, #tpu.memory_space<semaphore_mem>>, %arg13: memref<4x!tpu.dma_semaphore, #tpu.memory_space<semaphore_mem>>, %arg14: memref<4x!tpu.dma_semaphore, #tpu.memory_space<semaphore_mem>>) attributes {dimension_semantics = [#tpu.dimension_semantics<core_parallel>, #tpu.dimension_semantics<subcore_parallel>], iteration_bounds = array<i64: 2, 16>, scalar_prefetch = 0 : i64, scratch_operands = 8 : i64, tpu.core_type = #tpu.core_type<sc_vector_subcore>, window_params = [{transform_indices = #map}, {transform_indices = #map1}, {transform_indices = #map1}, {transform_indices = #map}, {transform_indices = #map1}]} {
    %mul3A = arith.constant 16 : i32
    %mul3A_0 = arith.muli %arg0, %mul3A : i32
    %add3A = arith.addi %mul3A_0, %arg1 : i32
    %mul3A_1 = arith.constant 632 : i32
    %mul3A_2 = arith.muli %arg1, %mul3A_1 : i32
    "tpu.region"() ({
      %run_scoped3A = tpu.sem_alloc : memref<!tpu.dma_semaphore, #tpu.memory_space<semaphore_mem>>
      %dma_start3A_209 = arith.constant 0 : i32
      %dma_start3A_210 = tpu.memref_slice %arg10[%mul3A_2, %dma_start3A_209] : memref<10112x64xf32, #tpu.memory_space<vmem_shared>> -> memref<632x64xf32, #tpu.memory_space<vmem_shared>>
      tpu.enqueue_dma source(%arg5 : memref<632x64xf32, #tpu.memory_space<hbm>>) target(%dma_start3A_210 : memref<632x64xf32, #tpu.memory_space<vmem_shared>>) target_semaphore(%run_scoped3A : memref<!tpu.dma_semaphore, #tpu.memory_space<semaphore_mem>>)
      %dma_wait3A_211 = arith.constant 0 : i32
      %dma_wait3A_212 = tpu.memref_slice %arg10[%mul3A_2, %dma_wait3A_211] : memref<10112x64xf32, #tpu.memory_space<vmem_shared>> -> memref<632x64xf32, #tpu.memory_space<vmem_shared>>
      tpu.wait_dma2 semaphore(%run_scoped3A : memref<!tpu.dma_semaphore, #tpu.memory_space<semaphore_mem>>) src(%arg5 : memref<632x64xf32, #tpu.memory_space<hbm>>) dst(%dma_wait3A_212 : memref<632x64xf32, #tpu.memory_space<vmem_shared>>)
      tpu.yield
    }) : () -> ()
    %dma_start3A = arith.constant 0 : i32
    %dma_start3A_3 = arith.constant 0 : i32
    %dma_start3A_4 = arith.constant 0 : i32
    %dma_start3A_5 = arith.constant 0 : i32
    %dma_start3A_6 = tpu.memref_slice %arg7[%dma_start3A_3, %dma_start3A_5] : memref<8x80xi32, #tpu.memory_space<vmem>> -> memref<1x80xi32, #tpu.memory_space<vmem>>
    %dma_start3A_7 = tpu.memref_squeeze %dma_start3A_6 : memref<1x80xi32, #tpu.memory_space<vmem>> -> memref<80xi32, #tpu.memory_space<vmem>>
    %dma_start3A_8 = arith.constant 0 : i32
    %dma_start3A_9 = tpu.memref_slice %arg3[%add3A, %dma_start3A, %dma_start3A_8] : memref<32x125x80xi32, #tpu.memory_space<hbm>> -> memref<1x1x80xi32, #tpu.memory_space<hbm>>
    %dma_start3A_10 = tpu.memref_squeeze %dma_start3A_9 : memref<1x1x80xi32, #tpu.memory_space<hbm>> -> memref<80xi32, #tpu.memory_space<hbm>>
    %dma_start3A_11 = tpu.memref_slice %arg11[%dma_start3A_4] : memref<8x!tpu.dma_semaphore, #tpu.memory_space<semaphore_mem>> -> memref<1x!tpu.dma_semaphore, #tpu.memory_space<semaphore_mem>>
    %dma_start3A_12 = tpu.memref_squeeze %dma_start3A_11 : memref<1x!tpu.dma_semaphore, #tpu.memory_space<semaphore_mem>> -> memref<!tpu.dma_semaphore, #tpu.memory_space<semaphore_mem>>
    %dma_start3A_13 = arith.constant 0 : i32
    %dma_start3A_14 = tpu.memref_slice %arg7[%dma_start3A_3, %dma_start3A_13] : memref<8x80xi32, #tpu.memory_space<vmem>> -> memref<1x80xi32, #tpu.memory_space<vmem>>
    %dma_start3A_15 = tpu.memref_squeeze %dma_start3A_14 : memref<1x80xi32, #tpu.memory_space<vmem>> -> memref<80xi32, #tpu.memory_space<vmem>>
    %dma_start3A_16 = arith.constant 0 : i32
    %dma_start3A_17 = tpu.memref_slice %arg3[%add3A, %dma_start3A, %dma_start3A_16] : memref<32x125x80xi32, #tpu.memory_space<hbm>> -> memref<1x1x80xi32, #tpu.memory_space<hbm>>
    %dma_start3A_18 = tpu.memref_squeeze %dma_start3A_17 : memref<1x1x80xi32, #tpu.memory_space<hbm>> -> memref<80xi32, #tpu.memory_space<hbm>>
    tpu.enqueue_dma source(%dma_start3A_18 : memref<80xi32, #tpu.memory_space<hbm>>) target(%dma_start3A_15 : memref<80xi32, #tpu.memory_space<vmem>>) target_semaphore(%dma_start3A_12 : memref<!tpu.dma_semaphore, #tpu.memory_space<semaphore_mem>>)
    %dma_start3A_19 = arith.constant 0 : i32
    %dma_start3A_20 = arith.constant 0 : i32
    %dma_start3A_21 = arith.constant 0 : i32
    %dma_start3A_22 = arith.constant 0 : i32
    %dma_start3A_23 = tpu.memref_slice %arg8[%dma_start3A_20, %dma_start3A_22] : memref<8x80xi32, #tpu.memory_space<vmem>> -> memref<1x80xi32, #tpu.memory_space<vmem>>
    %dma_start3A_24 = tpu.memref_squeeze %dma_start3A_23 : memref<1x80xi32, #tpu.memory_space<vmem>> -> memref<80xi32, #tpu.memory_space<vmem>>
    %dma_start3A_25 = arith.constant 0 : i32
    %dma_start3A_26 = tpu.memref_slice %arg4[%add3A, %dma_start3A_19, %dma_start3A_25] : memref<32x125x80xi32, #tpu.memory_space<hbm>> -> memref<1x1x80xi32, #tpu.memory_space<hbm>>
    %dma_start3A_27 = tpu.memref_squeeze %dma_start3A_26 : memref<1x1x80xi32, #tpu.memory_space<hbm>> -> memref<80xi32, #tpu.memory_space<hbm>>
    %dma_start3A_28 = tpu.memref_slice %arg12[%dma_start3A_21] : memref<8x!tpu.dma_semaphore, #tpu.memory_space<semaphore_mem>> -> memref<1x!tpu.dma_semaphore, #tpu.memory_space<semaphore_mem>>
    %dma_start3A_29 = tpu.memref_squeeze %dma_start3A_28 : memref<1x!tpu.dma_semaphore, #tpu.memory_space<semaphore_mem>> -> memref<!tpu.dma_semaphore, #tpu.memory_space<semaphore_mem>>
    %dma_start3A_30 = arith.constant 0 : i32
    %dma_start3A_31 = tpu.memref_slice %arg8[%dma_start3A_20, %dma_start3A_30] : memref<8x80xi32, #tpu.memory_space<vmem>> -> memref<1x80xi32, #tpu.memory_space<vmem>>
    %dma_start3A_32 = tpu.memref_squeeze %dma_start3A_31 : memref<1x80xi32, #tpu.memory_space<vmem>> -> memref<80xi32, #tpu.memory_space<vmem>>
    %dma_start3A_33 = arith.constant 0 : i32
    %dma_start3A_34 = tpu.memref_slice %arg4[%add3A, %dma_start3A_19, %dma_start3A_33] : memref<32x125x80xi32, #tpu.memory_space<hbm>> -> memref<1x1x80xi32, #tpu.memory_space<hbm>>
    %dma_start3A_35 = tpu.memref_squeeze %dma_start3A_34 : memref<1x1x80xi32, #tpu.memory_space<hbm>> -> memref<80xi32, #tpu.memory_space<hbm>>
    tpu.enqueue_dma source(%dma_start3A_35 : memref<80xi32, #tpu.memory_space<hbm>>) target(%dma_start3A_32 : memref<80xi32, #tpu.memory_space<vmem>>) target_semaphore(%dma_start3A_29 : memref<!tpu.dma_semaphore, #tpu.memory_space<semaphore_mem>>)
    %dma_start3A_36 = arith.constant 1 : i32
    %dma_start3A_37 = arith.constant 1 : i32
    %dma_start3A_38 = arith.constant 1 : i32
    %dma_start3A_39 = arith.constant 0 : i32
    %dma_start3A_40 = tpu.memref_slice %arg7[%dma_start3A_37, %dma_start3A_39] : memref<8x80xi32, #tpu.memory_space<vmem>> -> memref<1x80xi32, #tpu.memory_space<vmem>>
    %dma_start3A_41 = tpu.memref_squeeze %dma_start3A_40 : memref<1x80xi32, #tpu.memory_space<vmem>> -> memref<80xi32, #tpu.memory_space<vmem>>
    %dma_start3A_42 = arith.constant 0 : i32
    %dma_start3A_43 = tpu.memref_slice %arg3[%add3A, %dma_start3A_36, %dma_start3A_42] : memref<32x125x80xi32, #tpu.memory_space<hbm>> -> memref<1x1x80xi32, #tpu.memory_space<hbm>>
    %dma_start3A_44 = tpu.memref_squeeze %dma_start3A_43 : memref<1x1x80xi32, #tpu.memory_space<hbm>> -> memref<80xi32, #tpu.memory_space<hbm>>
    %dma_start3A_45 = tpu.memref_slice %arg11[%dma_start3A_38] : memref<8x!tpu.dma_semaphore, #tpu.memory_space<semaphore_mem>> -> memref<1x!tpu.dma_semaphore, #tpu.memory_space<semaphore_mem>>
    %dma_start3A_46 = tpu.memref_squeeze %dma_start3A_45 : memref<1x!tpu.dma_semaphore, #tpu.memory_space<semaphore_mem>> -> memref<!tpu.dma_semaphore, #tpu.memory_space<semaphore_mem>>
    %dma_start3A_47 = arith.constant 0 : i32
    %dma_start3A_48 = tpu.memref_slice %arg7[%dma_start3A_37, %dma_start3A_47] : memref<8x80xi32, #tpu.memory_space<vmem>> -> memref<1x80xi32, #tpu.memory_space<vmem>>
    %dma_start3A_49 = tpu.memref_squeeze %dma_start3A_48 : memref<1x80xi32, #tpu.memory_space<vmem>> -> memref<80xi32, #tpu.memory_space<vmem>>
    %dma_start3A_50 = arith.constant 0 : i32
    %dma_start3A_51 = tpu.memref_slice %arg3[%add3A, %dma_start3A_36, %dma_start3A_50] : memref<32x125x80xi32, #tpu.memory_space<hbm>> -> memref<1x1x80xi32, #tpu.memory_space<hbm>>
    %dma_start3A_52 = tpu.memref_squeeze %dma_start3A_51 : memref<1x1x80xi32, #tpu.memory_space<hbm>> -> memref<80xi32, #tpu.memory_space<hbm>>
    tpu.enqueue_dma source(%dma_start3A_52 : memref<80xi32, #tpu.memory_space<hbm>>) target(%dma_start3A_49 : memref<80xi32, #tpu.memory_space<vmem>>) target_semaphore(%dma_start3A_46 : memref<!tpu.dma_semaphore, #tpu.memory_space<semaphore_mem>>)
    %dma_start3A_53 = arith.constant 1 : i32
    %dma_start3A_54 = arith.constant 1 : i32
    %dma_start3A_55 = arith.constant 1 : i32
    %dma_start3A_56 = arith.constant 0 : i32
    %dma_start3A_57 = tpu.memref_slice %arg8[%dma_start3A_54, %dma_start3A_56] : memref<8x80xi32, #tpu.memory_space<vmem>> -> memref<1x80xi32, #tpu.memory_space<vmem>>
    %dma_start3A_58 = tpu.memref_squeeze %dma_start3A_57 : memref<1x80xi32, #tpu.memory_space<vmem>> -> memref<80xi32, #tpu.memory_space<vmem>>
    %dma_start3A_59 = arith.constant 0 : i32
    %dma_start3A_60 = tpu.memref_slice %arg4[%add3A, %dma_start3A_53, %dma_start3A_59] : memref<32x125x80xi32, #tpu.memory_space<hbm>> -> memref<1x1x80xi32, #tpu.memory_space<hbm>>
    %dma_start3A_61 = tpu.memref_squeeze %dma_start3A_60 : memref<1x1x80xi32, #tpu.memory_space<hbm>> -> memref<80xi32, #tpu.memory_space<hbm>>
    %dma_start3A_62 = tpu.memref_slice %arg12[%dma_start3A_55] : memref<8x!tpu.dma_semaphore, #tpu.memory_space<semaphore_mem>> -> memref<1x!tpu.dma_semaphore, #tpu.memory_space<semaphore_mem>>
    %dma_start3A_63 = tpu.memref_squeeze %dma_start3A_62 : memref<1x!tpu.dma_semaphore, #tpu.memory_space<semaphore_mem>> -> memref<!tpu.dma_semaphore, #tpu.memory_space<semaphore_mem>>
    %dma_start3A_64 = arith.constant 0 : i32
    %dma_start3A_65 = tpu.memref_slice %arg8[%dma_start3A_54, %dma_start3A_64] : memref<8x80xi32, #tpu.memory_space<vmem>> -> memref<1x80xi32, #tpu.memory_space<vmem>>
    %dma_start3A_66 = tpu.memref_squeeze %dma_start3A_65 : memref<1x80xi32, #tpu.memory_space<vmem>> -> memref<80xi32, #tpu.memory_space<vmem>>
    %dma_start3A_67 = arith.constant 0 : i32
    %dma_start3A_68 = tpu.memref_slice %arg4[%add3A, %dma_start3A_53, %dma_start3A_67] : memref<32x125x80xi32, #tpu.memory_space<hbm>> -> memref<1x1x80xi32, #tpu.memory_space<hbm>>
    %dma_start3A_69 = tpu.memref_squeeze %dma_start3A_68 : memref<1x1x80xi32, #tpu.memory_space<hbm>> -> memref<80xi32, #tpu.memory_space<hbm>>
    tpu.enqueue_dma source(%dma_start3A_69 : memref<80xi32, #tpu.memory_space<hbm>>) target(%dma_start3A_66 : memref<80xi32, #tpu.memory_space<vmem>>) target_semaphore(%dma_start3A_63 : memref<!tpu.dma_semaphore, #tpu.memory_space<semaphore_mem>>)
    %dma_start3A_70 = arith.constant 2 : i32
    %dma_start3A_71 = arith.constant 2 : i32
    %dma_start3A_72 = arith.constant 2 : i32
    %dma_start3A_73 = arith.constant 0 : i32
    %dma_start3A_74 = tpu.memref_slice %arg7[%dma_start3A_71, %dma_start3A_73] : memref<8x80xi32, #tpu.memory_space<vmem>> -> memref<1x80xi32, #tpu.memory_space<vmem>>
    %dma_start3A_75 = tpu.memref_squeeze %dma_start3A_74 : memref<1x80xi32, #tpu.memory_space<vmem>> -> memref<80xi32, #tpu.memory_space<vmem>>
    %dma_start3A_76 = arith.constant 0 : i32
    %dma_start3A_77 = tpu.memref_slice %arg3[%add3A, %dma_start3A_70, %dma_start3A_76] : memref<32x125x80xi32, #tpu.memory_space<hbm>> -> memref<1x1x80xi32, #tpu.memory_space<hbm>>
    %dma_start3A_78 = tpu.memref_squeeze %dma_start3A_77 : memref<1x1x80xi32, #tpu.memory_space<hbm>> -> memref<80xi32, #tpu.memory_space<hbm>>
    %dma_start3A_79 = tpu.memref_slice %arg11[%dma_start3A_72] : memref<8x!tpu.dma_semaphore, #tpu.memory_space<semaphore_mem>> -> memref<1x!tpu.dma_semaphore, #tpu.memory_space<semaphore_mem>>
    %dma_start3A_80 = tpu.memref_squeeze %dma_start3A_79 : memref<1x!tpu.dma_semaphore, #tpu.memory_space<semaphore_mem>> -> memref<!tpu.dma_semaphore, #tpu.memory_space<semaphore_mem>>
    %dma_start3A_81 = arith.constant 0 : i32
    %dma_start3A_82 = tpu.memref_slice %arg7[%dma_start3A_71, %dma_start3A_81] : memref<8x80xi32, #tpu.memory_space<vmem>> -> memref<1x80xi32, #tpu.memory_space<vmem>>
    %dma_start3A_83 = tpu.memref_squeeze %dma_start3A_82 : memref<1x80xi32, #tpu.memory_space<vmem>> -> memref<80xi32, #tpu.memory_space<vmem>>
    %dma_start3A_84 = arith.constant 0 : i32
    %dma_start3A_85 = tpu.memref_slice %arg3[%add3A, %dma_start3A_70, %dma_start3A_84] : memref<32x125x80xi32, #tpu.memory_space<hbm>> -> memref<1x1x80xi32, #tpu.memory_space<hbm>>
    %dma_start3A_86 = tpu.memref_squeeze %dma_start3A_85 : memref<1x1x80xi32, #tpu.memory_space<hbm>> -> memref<80xi32, #tpu.memory_space<hbm>>
    tpu.enqueue_dma source(%dma_start3A_86 : memref<80xi32, #tpu.memory_space<hbm>>) target(%dma_start3A_83 : memref<80xi32, #tpu.memory_space<vmem>>) target_semaphore(%dma_start3A_80 : memref<!tpu.dma_semaphore, #tpu.memory_space<semaphore_mem>>)
    %dma_start3A_87 = arith.constant 2 : i32
    %dma_start3A_88 = arith.constant 2 : i32
    %dma_start3A_89 = arith.constant 2 : i32
    %dma_start3A_90 = arith.constant 0 : i32
    %dma_start3A_91 = tpu.memref_slice %arg8[%dma_start3A_88, %dma_start3A_90] : memref<8x80xi32, #tpu.memory_space<vmem>> -> memref<1x80xi32, #tpu.memory_space<vmem>>
    %dma_start3A_92 = tpu.memref_squeeze %dma_start3A_91 : memref<1x80xi32, #tpu.memory_space<vmem>> -> memref<80xi32, #tpu.memory_space<vmem>>
    %dma_start3A_93 = arith.constant 0 : i32
    %dma_start3A_94 = tpu.memref_slice %arg4[%add3A, %dma_start3A_87, %dma_start3A_93] : memref<32x125x80xi32, #tpu.memory_space<hbm>> -> memref<1x1x80xi32, #tpu.memory_space<hbm>>
    %dma_start3A_95 = tpu.memref_squeeze %dma_start3A_94 : memref<1x1x80xi32, #tpu.memory_space<hbm>> -> memref<80xi32, #tpu.memory_space<hbm>>
    %dma_start3A_96 = tpu.memref_slice %arg12[%dma_start3A_89] : memref<8x!tpu.dma_semaphore, #tpu.memory_space<semaphore_mem>> -> memref<1x!tpu.dma_semaphore, #tpu.memory_space<semaphore_mem>>
    %dma_start3A_97 = tpu.memref_squeeze %dma_start3A_96 : memref<1x!tpu.dma_semaphore, #tpu.memory_space<semaphore_mem>> -> memref<!tpu.dma_semaphore, #tpu.memory_space<semaphore_mem>>
    %dma_start3A_98 = arith.constant 0 : i32
    %dma_start3A_99 = tpu.memref_slice %arg8[%dma_start3A_88, %dma_start3A_98] : memref<8x80xi32, #tpu.memory_space<vmem>> -> memref<1x80xi32, #tpu.memory_space<vmem>>
    %dma_start3A_100 = tpu.memref_squeeze %dma_start3A_99 : memref<1x80xi32, #tpu.memory_space<vmem>> -> memref<80xi32, #tpu.memory_space<vmem>>
    %dma_start3A_101 = arith.constant 0 : i32
    %dma_start3A_102 = tpu.memref_slice %arg4[%add3A, %dma_start3A_87, %dma_start3A_101] : memref<32x125x80xi32, #tpu.memory_space<hbm>> -> memref<1x1x80xi32, #tpu.memory_space<hbm>>
    %dma_start3A_103 = tpu.memref_squeeze %dma_start3A_102 : memref<1x1x80xi32, #tpu.memory_space<hbm>> -> memref<80xi32, #tpu.memory_space<hbm>>
    tpu.enqueue_dma source(%dma_start3A_103 : memref<80xi32, #tpu.memory_space<hbm>>) target(%dma_start3A_100 : memref<80xi32, #tpu.memory_space<vmem>>) target_semaphore(%dma_start3A_97 : memref<!tpu.dma_semaphore, #tpu.memory_space<semaphore_mem>>)
    %barrier3A = arith.constant 0 : index
    tpu.barrier barrier_id(%barrier3A)
    %dma_wait3A = arith.constant 0 : i32
    %dma_wait3A_104 = arith.constant 0 : i32
    %dma_wait3A_105 = arith.constant 0 : i32
    %dma_wait3A_106 = arith.constant 0 : i32
    %dma_wait3A_107 = tpu.memref_slice %arg7[%dma_wait3A_104, %dma_wait3A_106] : memref<8x80xi32, #tpu.memory_space<vmem>> -> memref<1x80xi32, #tpu.memory_space<vmem>>
    %dma_wait3A_108 = tpu.memref_squeeze %dma_wait3A_107 : memref<1x80xi32, #tpu.memory_space<vmem>> -> memref<80xi32, #tpu.memory_space<vmem>>
    %dma_wait3A_109 = arith.constant 0 : i32
    %dma_wait3A_110 = tpu.memref_slice %arg3[%add3A, %dma_wait3A, %dma_wait3A_109] : memref<32x125x80xi32, #tpu.memory_space<hbm>> -> memref<1x1x80xi32, #tpu.memory_space<hbm>>
    %dma_wait3A_111 = tpu.memref_squeeze %dma_wait3A_110 : memref<1x1x80xi32, #tpu.memory_space<hbm>> -> memref<80xi32, #tpu.memory_space<hbm>>
    %dma_wait3A_112 = tpu.memref_slice %arg11[%dma_wait3A_105] : memref<8x!tpu.dma_semaphore, #tpu.memory_space<semaphore_mem>> -> memref<1x!tpu.dma_semaphore, #tpu.memory_space<semaphore_mem>>
    %dma_wait3A_113 = tpu.memref_squeeze %dma_wait3A_112 : memref<1x!tpu.dma_semaphore, #tpu.memory_space<semaphore_mem>> -> memref<!tpu.dma_semaphore, #tpu.memory_space<semaphore_mem>>
    %dma_wait3A_114 = arith.constant 0 : i32
    %dma_wait3A_115 = tpu.memref_slice %arg7[%dma_wait3A_104, %dma_wait3A_114] : memref<8x80xi32, #tpu.memory_space<vmem>> -> memref<1x80xi32, #tpu.memory_space<vmem>>
    %dma_wait3A_116 = tpu.memref_squeeze %dma_wait3A_115 : memref<1x80xi32, #tpu.memory_space<vmem>> -> memref<80xi32, #tpu.memory_space<vmem>>
    %dma_wait3A_117 = arith.constant 0 : i32
    %dma_wait3A_118 = tpu.memref_slice %arg3[%add3A, %dma_wait3A, %dma_wait3A_117] : memref<32x125x80xi32, #tpu.memory_space<hbm>> -> memref<1x1x80xi32, #tpu.memory_space<hbm>>
    %dma_wait3A_119 = tpu.memref_squeeze %dma_wait3A_118 : memref<1x1x80xi32, #tpu.memory_space<hbm>> -> memref<80xi32, #tpu.memory_space<hbm>>
    tpu.wait_dma2 semaphore(%dma_wait3A_113 : memref<!tpu.dma_semaphore, #tpu.memory_space<semaphore_mem>>) src(%dma_wait3A_119 : memref<80xi32, #tpu.memory_space<hbm>>) dst(%dma_wait3A_116 : memref<80xi32, #tpu.memory_space<vmem>>)
    %dma_start3A_120 = arith.constant 0 : i32
    %dma_start3A_121 = arith.constant 0 : i32
    %dma_start3A_122 = arith.constant 0 : i32
    %dma_start3A_123 = arith.constant 0 : i32
    %dma_start3A_124 = arith.constant 0 : i32
    %dma_start3A_125 = tpu.memref_slice %arg9[%dma_start3A_121, %dma_start3A_123, %dma_start3A_124] : memref<4x80x64xf32, #tpu.memory_space<vmem>> -> memref<1x80x64xf32, #tpu.memory_space<vmem>>
    %dma_start3A_126 = tpu.memref_squeeze %dma_start3A_125 : memref<1x80x64xf32, #tpu.memory_space<vmem>> -> memref<80x64xf32, #tpu.memory_space<vmem>>
    %dma_start3A_127 = arith.constant 0 : i32
    %dma_start3A_128 = tpu.memref_slice %arg7[%dma_start3A_120, %dma_start3A_127] : memref<8x80xi32, #tpu.memory_space<vmem>> -> memref<1x80xi32, #tpu.memory_space<vmem>>
    %dma_start3A_129 = tpu.memref_squeeze %dma_start3A_128 : memref<1x80xi32, #tpu.memory_space<vmem>> -> memref<80xi32, #tpu.memory_space<vmem>>
    %dma_start3A_130 = arith.constant 0 : i32
    %dma_start3A_131 = arith.constant 0 : i32
    %dma_start3A_132 = tpu.memref_slice %arg2[%dma_start3A_130, %dma_start3A_131] : memref<10000x64xf32, #tpu.memory_space<hbm>> -> memref<10000x64xf32, #tpu.memory_space<hbm>>
    %dma_start3A_133 = tpu.memref_slice %arg13[%dma_start3A_122] : memref<4x!tpu.dma_semaphore, #tpu.memory_space<semaphore_mem>> -> memref<1x!tpu.dma_semaphore, #tpu.memory_space<semaphore_mem>>
    %dma_start3A_134 = tpu.memref_squeeze %dma_start3A_133 : memref<1x!tpu.dma_semaphore, #tpu.memory_space<semaphore_mem>> -> memref<!tpu.dma_semaphore, #tpu.memory_space<semaphore_mem>>
    tpu.enqueue_indirect_dma source(%dma_start3A_132 : memref<10000x64xf32, #tpu.memory_space<hbm>>) target(%dma_start3A_126 : memref<80x64xf32, #tpu.memory_space<vmem>>) offsets(%dma_start3A_129 : memref<80xi32, #tpu.memory_space<vmem>>) semaphore(%dma_start3A_134 : memref<!tpu.dma_semaphore, #tpu.memory_space<semaphore_mem>>)
    %dma_wait3A_135 = arith.constant 1 : i32
    %dma_wait3A_136 = arith.constant 1 : i32
    %dma_wait3A_137 = arith.constant 1 : i32
    %dma_wait3A_138 = arith.constant 0 : i32
    %dma_wait3A_139 = tpu.memref_slice %arg7[%dma_wait3A_136, %dma_wait3A_138] : memref<8x80xi32, #tpu.memory_space<vmem>> -> memref<1x80xi32, #tpu.memory_space<vmem>>
    %dma_wait3A_140 = tpu.memref_squeeze %dma_wait3A_139 : memref<1x80xi32, #tpu.memory_space<vmem>> -> memref<80xi32, #tpu.memory_space<vmem>>
    %dma_wait3A_141 = arith.constant 0 : i32
    %dma_wait3A_142 = tpu.memref_slice %arg3[%add3A, %dma_wait3A_135, %dma_wait3A_141] : memref<32x125x80xi32, #tpu.memory_space<hbm>> -> memref<1x1x80xi32, #tpu.memory_space<hbm>>
    %dma_wait3A_143 = tpu.memref_squeeze %dma_wait3A_142 : memref<1x1x80xi32, #tpu.memory_space<hbm>> -> memref<80xi32, #tpu.memory_space<hbm>>
    %dma_wait3A_144 = tpu.memref_slice %arg11[%dma_wait3A_137] : memref<8x!tpu.dma_semaphore, #tpu.memory_space<semaphore_mem>> -> memref<1x!tpu.dma_semaphore, #tpu.memory_space<semaphore_mem>>
    %dma_wait3A_145 = tpu.memref_squeeze %dma_wait3A_144 : memref<1x!tpu.dma_semaphore, #tpu.memory_space<semaphore_mem>> -> memref<!tpu.dma_semaphore, #tpu.memory_space<semaphore_mem>>
    %dma_wait3A_146 = arith.constant 0 : i32
    %dma_wait3A_147 = tpu.memref_slice %arg7[%dma_wait3A_136, %dma_wait3A_146] : memref<8x80xi32, #tpu.memory_space<vmem>> -> memref<1x80xi32, #tpu.memory_space<vmem>>
    %dma_wait3A_148 = tpu.memref_squeeze %dma_wait3A_147 : memref<1x80xi32, #tpu.memory_space<vmem>> -> memref<80xi32, #tpu.memory_space<vmem>>
    %dma_wait3A_149 = arith.constant 0 : i32
    %dma_wait3A_150 = tpu.memref_slice %arg3[%add3A, %dma_wait3A_135, %dma_wait3A_149] : memref<32x125x80xi32, #tpu.memory_space<hbm>> -> memref<1x1x80xi32, #tpu.memory_space<hbm>>
    %dma_wait3A_151 = tpu.memref_squeeze %dma_wait3A_150 : memref<1x1x80xi32, #tpu.memory_space<hbm>> -> memref<80xi32, #tpu.memory_space<hbm>>
    tpu.wait_dma2 semaphore(%dma_wait3A_145 : memref<!tpu.dma_semaphore, #tpu.memory_space<semaphore_mem>>) src(%dma_wait3A_151 : memref<80xi32, #tpu.memory_space<hbm>>) dst(%dma_wait3A_148 : memref<80xi32, #tpu.memory_space<vmem>>)
    %dma_start3A_152 = arith.constant 1 : i32
    %dma_start3A_153 = arith.constant 1 : i32
    %dma_start3A_154 = arith.constant 1 : i32
    %dma_start3A_155 = arith.constant 0 : i32
    %dma_start3A_156 = arith.constant 0 : i32
    %dma_start3A_157 = tpu.memref_slice %arg9[%dma_start3A_153, %dma_start3A_155, %dma_start3A_156] : memref<4x80x64xf32, #tpu.memory_space<vmem>> -> memref<1x80x64xf32, #tpu.memory_space<vmem>>
    %dma_start3A_158 = tpu.memref_squeeze %dma_start3A_157 : memref<1x80x64xf32, #tpu.memory_space<vmem>> -> memref<80x64xf32, #tpu.memory_space<vmem>>
    %dma_start3A_159 = arith.constant 0 : i32
    %dma_start3A_160 = tpu.memref_slice %arg7[%dma_start3A_152, %dma_start3A_159] : memref<8x80xi32, #tpu.memory_space<vmem>> -> memref<1x80xi32, #tpu.memory_space<vmem>>
    %dma_start3A_161 = tpu.memref_squeeze %dma_start3A_160 : memref<1x80xi32, #tpu.memory_space<vmem>> -> memref<80xi32, #tpu.memory_space<vmem>>
    %dma_start3A_162 = arith.constant 0 : i32
    %dma_start3A_163 = arith.constant 0 : i32
    %dma_start3A_164 = tpu.memref_slice %arg2[%dma_start3A_162, %dma_start3A_163] : memref<10000x64xf32, #tpu.memory_space<hbm>> -> memref<10000x64xf32, #tpu.memory_space<hbm>>
    %dma_start3A_165 = tpu.memref_slice %arg13[%dma_start3A_154] : memref<4x!tpu.dma_semaphore, #tpu.memory_space<semaphore_mem>> -> memref<1x!tpu.dma_semaphore, #tpu.memory_space<semaphore_mem>>
    %dma_start3A_166 = tpu.memref_squeeze %dma_start3A_165 : memref<1x!tpu.dma_semaphore, #tpu.memory_space<semaphore_mem>> -> memref<!tpu.dma_semaphore, #tpu.memory_space<semaphore_mem>>
    tpu.enqueue_indirect_dma source(%dma_start3A_164 : memref<10000x64xf32, #tpu.memory_space<hbm>>) target(%dma_start3A_158 : memref<80x64xf32, #tpu.memory_space<vmem>>) offsets(%dma_start3A_161 : memref<80xi32, #tpu.memory_space<vmem>>) semaphore(%dma_start3A_166 : memref<!tpu.dma_semaphore, #tpu.memory_space<semaphore_mem>>)
    %scan3A = arith.constant 0 : i32
    %scan3A_167 = arith.constant 0 : i32
    %scan3A_168 = arith.constant 125 : i32
    %scan3A_169 = arith.addi %scan3A_167, %scan3A_168 : i32
    %scan3A_170 = arith.constant 1 : i32
    scf.for %scan3A_209 = %scan3A_167 to %scan3A_169 step %scan3A_170  : i32 {
      %and3A = arith.constant 3 : i32
      %and3A_210 = arith.andi %scan3A_209, %and3A : i32
      %ge3A = arith.constant 2 : i32
      %ge3A_211 = arith.cmpi sge, %scan3A_209, %ge3A : i32
      %convert_element_type3A_212 = arith.extui %ge3A_211 : i1 to i32
      %cond3A_213 = arith.constant 0 : i32
      %cond3A_214 = arith.cmpi ne, %convert_element_type3A_212, %cond3A_213 : i32
      scf.if %cond3A_214 {
        %sub3A = arith.constant 2 : i32
        %sub3A_275 = arith.subi %scan3A_209, %sub3A : i32
        %and3A_276 = arith.constant 3 : i32
        %and3A_277 = arith.andi %sub3A_275, %and3A_276 : i32
        %sub3A_278 = arith.constant 2 : i32
        %sub3A_279 = arith.subi %scan3A_209, %sub3A_278 : i32
        %and3A_280 = arith.constant 7 : i32
        %and3A_281 = arith.andi %sub3A_279, %and3A_280 : i32
        %dma_wait3A_282 = arith.constant 0 : i32
        %dma_wait3A_283 = arith.constant 0 : i32
        %dma_wait3A_284 = tpu.memref_slice %arg9[%and3A_277, %dma_wait3A_282, %dma_wait3A_283] : memref<4x80x64xf32, #tpu.memory_space<vmem>> -> memref<1x80x64xf32, #tpu.memory_space<vmem>>
        %dma_wait3A_285 = tpu.memref_squeeze %dma_wait3A_284 : memref<1x80x64xf32, #tpu.memory_space<vmem>> -> memref<80x64xf32, #tpu.memory_space<vmem>>
        %dma_wait3A_286 = arith.constant 0 : i32
        %dma_wait3A_287 = tpu.memref_slice %arg8[%and3A_281, %dma_wait3A_286] : memref<8x80xi32, #tpu.memory_space<vmem>> -> memref<1x80xi32, #tpu.memory_space<vmem>>
        %dma_wait3A_288 = tpu.memref_squeeze %dma_wait3A_287 : memref<1x80xi32, #tpu.memory_space<vmem>> -> memref<80xi32, #tpu.memory_space<vmem>>
        %dma_wait3A_289 = arith.constant 0 : i32
        %dma_wait3A_290 = arith.constant 0 : i32
        %dma_wait3A_291 = tpu.memref_slice %arg10[%dma_wait3A_289, %dma_wait3A_290] : memref<10112x64xf32, #tpu.memory_space<vmem_shared>> -> memref<10112x64xf32, #tpu.memory_space<vmem_shared>>
        %dma_wait3A_292 = tpu.memref_slice %arg14[%and3A_277] : memref<4x!tpu.dma_semaphore, #tpu.memory_space<semaphore_mem>> -> memref<1x!tpu.dma_semaphore, #tpu.memory_space<semaphore_mem>>
        %dma_wait3A_293 = tpu.memref_squeeze %dma_wait3A_292 : memref<1x!tpu.dma_semaphore, #tpu.memory_space<semaphore_mem>> -> memref<!tpu.dma_semaphore, #tpu.memory_space<semaphore_mem>>
        tpu.wait_indirect_dma semaphore(%dma_wait3A_293 : memref<!tpu.dma_semaphore, #tpu.memory_space<semaphore_mem>>) src(%dma_wait3A_285 : memref<80x64xf32, #tpu.memory_space<vmem>>) dst(%dma_wait3A_291 : memref<10112x64xf32, #tpu.memory_space<vmem_shared>>)
      } else {
      }
      %add3A_215 = arith.constant 3 : i32
      %add3A_216 = arith.addi %scan3A_209, %add3A_215 : i32
      %lt3A_217 = arith.constant 125 : i32
      %lt3A_218 = arith.cmpi slt, %add3A_216, %lt3A_217 : i32
      %convert_element_type3A_219 = arith.extui %lt3A_218 : i1 to i32
      %cond3A_220 = arith.constant 0 : i32
      %cond3A_221 = arith.cmpi ne, %convert_element_type3A_219, %cond3A_220 : i32
      scf.if %cond3A_221 {
        %add3A_275 = arith.constant 3 : i32
        %add3A_276 = arith.addi %scan3A_209, %add3A_275 : i32
        %and3A_277 = arith.constant 7 : i32
        %and3A_278 = arith.andi %add3A_276, %and3A_277 : i32
        %add3A_279 = arith.constant 3 : i32
        %add3A_280 = arith.addi %scan3A_209, %add3A_279 : i32
        %dma_start3A_281 = arith.constant 0 : i32
        %dma_start3A_282 = tpu.memref_slice %arg7[%and3A_278, %dma_start3A_281] : memref<8x80xi32, #tpu.memory_space<vmem>> -> memref<1x80xi32, #tpu.memory_space<vmem>>
        %dma_start3A_283 = tpu.memref_squeeze %dma_start3A_282 : memref<1x80xi32, #tpu.memory_space<vmem>> -> memref<80xi32, #tpu.memory_space<vmem>>
        %dma_start3A_284 = arith.constant 0 : i32
        %dma_start3A_285 = tpu.memref_slice %arg3[%add3A, %add3A_280, %dma_start3A_284] : memref<32x125x80xi32, #tpu.memory_space<hbm>> -> memref<1x1x80xi32, #tpu.memory_space<hbm>>
        %dma_start3A_286 = tpu.memref_squeeze %dma_start3A_285 : memref<1x1x80xi32, #tpu.memory_space<hbm>> -> memref<80xi32, #tpu.memory_space<hbm>>
        %dma_start3A_287 = tpu.memref_slice %arg11[%and3A_278] : memref<8x!tpu.dma_semaphore, #tpu.memory_space<semaphore_mem>> -> memref<1x!tpu.dma_semaphore, #tpu.memory_space<semaphore_mem>>
        %dma_start3A_288 = tpu.memref_squeeze %dma_start3A_287 : memref<1x!tpu.dma_semaphore, #tpu.memory_space<semaphore_mem>> -> memref<!tpu.dma_semaphore, #tpu.memory_space<semaphore_mem>>
        %dma_start3A_289 = arith.constant 0 : i32
        %dma_start3A_290 = tpu.memref_slice %arg7[%and3A_278, %dma_start3A_289] : memref<8x80xi32, #tpu.memory_space<vmem>> -> memref<1x80xi32, #tpu.memory_space<vmem>>
        %dma_start3A_291 = tpu.memref_squeeze %dma_start3A_290 : memref<1x80xi32, #tpu.memory_space<vmem>> -> memref<80xi32, #tpu.memory_space<vmem>>
        %dma_start3A_292 = arith.constant 0 : i32
        %dma_start3A_293 = tpu.memref_slice %arg3[%add3A, %add3A_280, %dma_start3A_292] : memref<32x125x80xi32, #tpu.memory_space<hbm>> -> memref<1x1x80xi32, #tpu.memory_space<hbm>>
        %dma_start3A_294 = tpu.memref_squeeze %dma_start3A_293 : memref<1x1x80xi32, #tpu.memory_space<hbm>> -> memref<80xi32, #tpu.memory_space<hbm>>
        tpu.enqueue_dma source(%dma_start3A_294 : memref<80xi32, #tpu.memory_space<hbm>>) target(%dma_start3A_291 : memref<80xi32, #tpu.memory_space<vmem>>) target_semaphore(%dma_start3A_288 : memref<!tpu.dma_semaphore, #tpu.memory_space<semaphore_mem>>)
        %add3A_295 = arith.constant 3 : i32
        %add3A_296 = arith.addi %scan3A_209, %add3A_295 : i32
        %dma_start3A_297 = arith.constant 0 : i32
        %dma_start3A_298 = tpu.memref_slice %arg8[%and3A_278, %dma_start3A_297] : memref<8x80xi32, #tpu.memory_space<vmem>> -> memref<1x80xi32, #tpu.memory_space<vmem>>
        %dma_start3A_299 = tpu.memref_squeeze %dma_start3A_298 : memref<1x80xi32, #tpu.memory_space<vmem>> -> memref<80xi32, #tpu.memory_space<vmem>>
        %dma_start3A_300 = arith.constant 0 : i32
        %dma_start3A_301 = tpu.memref_slice %arg4[%add3A, %add3A_296, %dma_start3A_300] : memref<32x125x80xi32, #tpu.memory_space<hbm>> -> memref<1x1x80xi32, #tpu.memory_space<hbm>>
        %dma_start3A_302 = tpu.memref_squeeze %dma_start3A_301 : memref<1x1x80xi32, #tpu.memory_space<hbm>> -> memref<80xi32, #tpu.memory_space<hbm>>
        %dma_start3A_303 = tpu.memref_slice %arg12[%and3A_278] : memref<8x!tpu.dma_semaphore, #tpu.memory_space<semaphore_mem>> -> memref<1x!tpu.dma_semaphore, #tpu.memory_space<semaphore_mem>>
        %dma_start3A_304 = tpu.memref_squeeze %dma_start3A_303 : memref<1x!tpu.dma_semaphore, #tpu.memory_space<semaphore_mem>> -> memref<!tpu.dma_semaphore, #tpu.memory_space<semaphore_mem>>
        %dma_start3A_305 = arith.constant 0 : i32
        %dma_start3A_306 = tpu.memref_slice %arg8[%and3A_278, %dma_start3A_305] : memref<8x80xi32, #tpu.memory_space<vmem>> -> memref<1x80xi32, #tpu.memory_space<vmem>>
        %dma_start3A_307 = tpu.memref_squeeze %dma_start3A_306 : memref<1x80xi32, #tpu.memory_space<vmem>> -> memref<80xi32, #tpu.memory_space<vmem>>
        %dma_start3A_308 = arith.constant 0 : i32
        %dma_start3A_309 = tpu.memref_slice %arg4[%add3A, %add3A_296, %dma_start3A_308] : memref<32x125x80xi32, #tpu.memory_space<hbm>> -> memref<1x1x80xi32, #tpu.memory_space<hbm>>
        %dma_start3A_310 = tpu.memref_squeeze %dma_start3A_309 : memref<1x1x80xi32, #tpu.memory_space<hbm>> -> memref<80xi32, #tpu.memory_space<hbm>>
        tpu.enqueue_dma source(%dma_start3A_310 : memref<80xi32, #tpu.memory_space<hbm>>) target(%dma_start3A_307 : memref<80xi32, #tpu.memory_space<vmem>>) target_semaphore(%dma_start3A_304 : memref<!tpu.dma_semaphore, #tpu.memory_space<semaphore_mem>>)
      } else {
      }
      %add3A_222 = arith.constant 2 : i32
      %add3A_223 = arith.addi %scan3A_209, %add3A_222 : i32
      %lt3A_224 = arith.constant 125 : i32
      %lt3A_225 = arith.cmpi slt, %add3A_223, %lt3A_224 : i32
      %convert_element_type3A_226 = arith.extui %lt3A_225 : i1 to i32
      %cond3A_227 = arith.constant 0 : i32
      %cond3A_228 = arith.cmpi ne, %convert_element_type3A_226, %cond3A_227 : i32
      scf.if %cond3A_228 {
        %add3A_275 = arith.constant 2 : i32
        %add3A_276 = arith.addi %scan3A_209, %add3A_275 : i32
        %and3A_277 = arith.constant 7 : i32
        %and3A_278 = arith.andi %add3A_276, %and3A_277 : i32
        %add3A_279 = arith.constant 2 : i32
        %add3A_280 = arith.addi %scan3A_209, %add3A_279 : i32
        %and3A_281 = arith.constant 3 : i32
        %and3A_282 = arith.andi %add3A_280, %and3A_281 : i32
        %add3A_283 = arith.constant 2 : i32
        %add3A_284 = arith.addi %scan3A_209, %add3A_283 : i32
        %dma_wait3A_285 = arith.constant 0 : i32
        %dma_wait3A_286 = tpu.memref_slice %arg7[%and3A_278, %dma_wait3A_285] : memref<8x80xi32, #tpu.memory_space<vmem>> -> memref<1x80xi32, #tpu.memory_space<vmem>>
        %dma_wait3A_287 = tpu.memref_squeeze %dma_wait3A_286 : memref<1x80xi32, #tpu.memory_space<vmem>> -> memref<80xi32, #tpu.memory_space<vmem>>
        %dma_wait3A_288 = arith.constant 0 : i32
        %dma_wait3A_289 = tpu.memref_slice %arg3[%add3A, %add3A_284, %dma_wait3A_288] : memref<32x125x80xi32, #tpu.memory_space<hbm>> -> memref<1x1x80xi32, #tpu.memory_space<hbm>>
        %dma_wait3A_290 = tpu.memref_squeeze %dma_wait3A_289 : memref<1x1x80xi32, #tpu.memory_space<hbm>> -> memref<80xi32, #tpu.memory_space<hbm>>
        %dma_wait3A_291 = tpu.memref_slice %arg11[%and3A_278] : memref<8x!tpu.dma_semaphore, #tpu.memory_space<semaphore_mem>> -> memref<1x!tpu.dma_semaphore, #tpu.memory_space<semaphore_mem>>
        %dma_wait3A_292 = tpu.memref_squeeze %dma_wait3A_291 : memref<1x!tpu.dma_semaphore, #tpu.memory_space<semaphore_mem>> -> memref<!tpu.dma_semaphore, #tpu.memory_space<semaphore_mem>>
        %dma_wait3A_293 = arith.constant 0 : i32
        %dma_wait3A_294 = tpu.memref_slice %arg7[%and3A_278, %dma_wait3A_293] : memref<8x80xi32, #tpu.memory_space<vmem>> -> memref<1x80xi32, #tpu.memory_space<vmem>>
        %dma_wait3A_295 = tpu.memref_squeeze %dma_wait3A_294 : memref<1x80xi32, #tpu.memory_space<vmem>> -> memref<80xi32, #tpu.memory_space<vmem>>
        %dma_wait3A_296 = arith.constant 0 : i32
        %dma_wait3A_297 = tpu.memref_slice %arg3[%add3A, %add3A_284, %dma_wait3A_296] : memref<32x125x80xi32, #tpu.memory_space<hbm>> -> memref<1x1x80xi32, #tpu.memory_space<hbm>>
        %dma_wait3A_298 = tpu.memref_squeeze %dma_wait3A_297 : memref<1x1x80xi32, #tpu.memory_space<hbm>> -> memref<80xi32, #tpu.memory_space<hbm>>
        tpu.wait_dma2 semaphore(%dma_wait3A_292 : memref<!tpu.dma_semaphore, #tpu.memory_space<semaphore_mem>>) src(%dma_wait3A_298 : memref<80xi32, #tpu.memory_space<hbm>>) dst(%dma_wait3A_295 : memref<80xi32, #tpu.memory_space<vmem>>)
        %dma_start3A_299 = arith.constant 0 : i32
        %dma_start3A_300 = arith.constant 0 : i32
        %dma_start3A_301 = tpu.memref_slice %arg9[%and3A_282, %dma_start3A_299, %dma_start3A_300] : memref<4x80x64xf32, #tpu.memory_space<vmem>> -> memref<1x80x64xf32, #tpu.memory_space<vmem>>
        %dma_start3A_302 = tpu.memref_squeeze %dma_start3A_301 : memref<1x80x64xf32, #tpu.memory_space<vmem>> -> memref<80x64xf32, #tpu.memory_space<vmem>>
        %dma_start3A_303 = arith.constant 0 : i32
        %dma_start3A_304 = tpu.memref_slice %arg7[%and3A_278, %dma_start3A_303] : memref<8x80xi32, #tpu.memory_space<vmem>> -> memref<1x80xi32, #tpu.memory_space<vmem>>
        %dma_start3A_305 = tpu.memref_squeeze %dma_start3A_304 : memref<1x80xi32, #tpu.memory_space<vmem>> -> memref<80xi32, #tpu.memory_space<vmem>>
        %dma_start3A_306 = arith.constant 0 : i32
        %dma_start3A_307 = arith.constant 0 : i32
        %dma_start3A_308 = tpu.memref_slice %arg2[%dma_start3A_306, %dma_start3A_307] : memref<10000x64xf32, #tpu.memory_space<hbm>> -> memref<10000x64xf32, #tpu.memory_space<hbm>>
        %dma_start3A_309 = tpu.memref_slice %arg13[%and3A_282] : memref<4x!tpu.dma_semaphore, #tpu.memory_space<semaphore_mem>> -> memref<1x!tpu.dma_semaphore, #tpu.memory_space<semaphore_mem>>
        %dma_start3A_310 = tpu.memref_squeeze %dma_start3A_309 : memref<1x!tpu.dma_semaphore, #tpu.memory_space<semaphore_mem>> -> memref<!tpu.dma_semaphore, #tpu.memory_space<semaphore_mem>>
        tpu.enqueue_indirect_dma source(%dma_start3A_308 : memref<10000x64xf32, #tpu.memory_space<hbm>>) target(%dma_start3A_302 : memref<80x64xf32, #tpu.memory_space<vmem>>) offsets(%dma_start3A_305 : memref<80xi32, #tpu.memory_space<vmem>>) semaphore(%dma_start3A_310 : memref<!tpu.dma_semaphore, #tpu.memory_space<semaphore_mem>>)
      } else {
      }
      %and3A_229 = arith.constant 7 : i32
      %and3A_230 = arith.andi %scan3A_209, %and3A_229 : i32
      %dma_wait3A_231 = arith.constant 0 : i32
      %dma_wait3A_232 = arith.constant 0 : i32
      %dma_wait3A_233 = tpu.memref_slice %arg9[%and3A_210, %dma_wait3A_231, %dma_wait3A_232] : memref<4x80x64xf32, #tpu.memory_space<vmem>> -> memref<1x80x64xf32, #tpu.memory_space<vmem>>
      %dma_wait3A_234 = tpu.memref_squeeze %dma_wait3A_233 : memref<1x80x64xf32, #tpu.memory_space<vmem>> -> memref<80x64xf32, #tpu.memory_space<vmem>>
      %dma_wait3A_235 = arith.constant 0 : i32
      %dma_wait3A_236 = tpu.memref_slice %arg7[%and3A_230, %dma_wait3A_235] : memref<8x80xi32, #tpu.memory_space<vmem>> -> memref<1x80xi32, #tpu.memory_space<vmem>>
      %dma_wait3A_237 = tpu.memref_squeeze %dma_wait3A_236 : memref<1x80xi32, #tpu.memory_space<vmem>> -> memref<80xi32, #tpu.memory_space<vmem>>
      %dma_wait3A_238 = arith.constant 0 : i32
      %dma_wait3A_239 = arith.constant 0 : i32
      %dma_wait3A_240 = tpu.memref_slice %arg2[%dma_wait3A_238, %dma_wait3A_239] : memref<10000x64xf32, #tpu.memory_space<hbm>> -> memref<10000x64xf32, #tpu.memory_space<hbm>>
      %dma_wait3A_241 = tpu.memref_slice %arg13[%and3A_210] : memref<4x!tpu.dma_semaphore, #tpu.memory_space<semaphore_mem>> -> memref<1x!tpu.dma_semaphore, #tpu.memory_space<semaphore_mem>>
      %dma_wait3A_242 = tpu.memref_squeeze %dma_wait3A_241 : memref<1x!tpu.dma_semaphore, #tpu.memory_space<semaphore_mem>> -> memref<!tpu.dma_semaphore, #tpu.memory_space<semaphore_mem>>
      tpu.wait_indirect_dma semaphore(%dma_wait3A_242 : memref<!tpu.dma_semaphore, #tpu.memory_space<semaphore_mem>>) src(%dma_wait3A_240 : memref<10000x64xf32, #tpu.memory_space<hbm>>) dst(%dma_wait3A_234 : memref<80x64xf32, #tpu.memory_space<vmem>>)
      %and3A_243 = arith.constant 7 : i32
      %and3A_244 = arith.andi %scan3A_209, %and3A_243 : i32
      %and3A_245 = arith.constant 7 : i32
      %and3A_246 = arith.andi %scan3A_209, %and3A_245 : i32
      %dma_wait3A_247 = arith.constant 0 : i32
      %dma_wait3A_248 = tpu.memref_slice %arg8[%and3A_244, %dma_wait3A_247] : memref<8x80xi32, #tpu.memory_space<vmem>> -> memref<1x80xi32, #tpu.memory_space<vmem>>
      %dma_wait3A_249 = tpu.memref_squeeze %dma_wait3A_248 : memref<1x80xi32, #tpu.memory_space<vmem>> -> memref<80xi32, #tpu.memory_space<vmem>>
      %dma_wait3A_250 = arith.constant 0 : i32
      %dma_wait3A_251 = tpu.memref_slice %arg4[%add3A, %scan3A_209, %dma_wait3A_250] : memref<32x125x80xi32, #tpu.memory_space<hbm>> -> memref<1x1x80xi32, #tpu.memory_space<hbm>>
      %dma_wait3A_252 = tpu.memref_squeeze %dma_wait3A_251 : memref<1x1x80xi32, #tpu.memory_space<hbm>> -> memref<80xi32, #tpu.memory_space<hbm>>
      %dma_wait3A_253 = tpu.memref_slice %arg12[%and3A_246] : memref<8x!tpu.dma_semaphore, #tpu.memory_space<semaphore_mem>> -> memref<1x!tpu.dma_semaphore, #tpu.memory_space<semaphore_mem>>
      %dma_wait3A_254 = tpu.memref_squeeze %dma_wait3A_253 : memref<1x!tpu.dma_semaphore, #tpu.memory_space<semaphore_mem>> -> memref<!tpu.dma_semaphore, #tpu.memory_space<semaphore_mem>>
      %dma_wait3A_255 = arith.constant 0 : i32
      %dma_wait3A_256 = tpu.memref_slice %arg8[%and3A_244, %dma_wait3A_255] : memref<8x80xi32, #tpu.memory_space<vmem>> -> memref<1x80xi32, #tpu.memory_space<vmem>>
      %dma_wait3A_257 = tpu.memref_squeeze %dma_wait3A_256 : memref<1x80xi32, #tpu.memory_space<vmem>> -> memref<80xi32, #tpu.memory_space<vmem>>
      %dma_wait3A_258 = arith.constant 0 : i32
      %dma_wait3A_259 = tpu.memref_slice %arg4[%add3A, %scan3A_209, %dma_wait3A_258] : memref<32x125x80xi32, #tpu.memory_space<hbm>> -> memref<1x1x80xi32, #tpu.memory_space<hbm>>
      %dma_wait3A_260 = tpu.memref_squeeze %dma_wait3A_259 : memref<1x1x80xi32, #tpu.memory_space<hbm>> -> memref<80xi32, #tpu.memory_space<hbm>>
      tpu.wait_dma2 semaphore(%dma_wait3A_254 : memref<!tpu.dma_semaphore, #tpu.memory_space<semaphore_mem>>) src(%dma_wait3A_260 : memref<80xi32, #tpu.memory_space<hbm>>) dst(%dma_wait3A_257 : memref<80xi32, #tpu.memory_space<vmem>>)
      %and3A_261 = arith.constant 7 : i32
      %and3A_262 = arith.andi %scan3A_209, %and3A_261 : i32
      %dma_start3A_263 = arith.constant 0 : i32
      %dma_start3A_264 = arith.constant 0 : i32
      %dma_start3A_265 = tpu.memref_slice %arg9[%and3A_210, %dma_start3A_263, %dma_start3A_264] : memref<4x80x64xf32, #tpu.memory_space<vmem>> -> memref<1x80x64xf32, #tpu.memory_space<vmem>>
      %dma_start3A_266 = tpu.memref_squeeze %dma_start3A_265 : memref<1x80x64xf32, #tpu.memory_space<vmem>> -> memref<80x64xf32, #tpu.memory_space<vmem>>
      %dma_start3A_267 = arith.constant 0 : i32
      %dma_start3A_268 = tpu.memref_slice %arg8[%and3A_262, %dma_start3A_267] : memref<8x80xi32, #tpu.memory_space<vmem>> -> memref<1x80xi32, #tpu.memory_space<vmem>>
      %dma_start3A_269 = tpu.memref_squeeze %dma_start3A_268 : memref<1x80xi32, #tpu.memory_space<vmem>> -> memref<80xi32, #tpu.memory_space<vmem>>
      %dma_start3A_270 = arith.constant 0 : i32
      %dma_start3A_271 = arith.constant 0 : i32
      %dma_start3A_272 = tpu.memref_slice %arg10[%dma_start3A_270, %dma_start3A_271] : memref<10112x64xf32, #tpu.memory_space<vmem_shared>> -> memref<10112x64xf32, #tpu.memory_space<vmem_shared>>
      %dma_start3A_273 = tpu.memref_slice %arg14[%and3A_210] : memref<4x!tpu.dma_semaphore, #tpu.memory_space<semaphore_mem>> -> memref<1x!tpu.dma_semaphore, #tpu.memory_space<semaphore_mem>>
      %dma_start3A_274 = tpu.memref_squeeze %dma_start3A_273 : memref<1x!tpu.dma_semaphore, #tpu.memory_space<semaphore_mem>> -> memref<!tpu.dma_semaphore, #tpu.memory_space<semaphore_mem>>
      tpu.enqueue_indirect_dma source(%dma_start3A_266 : memref<80x64xf32, #tpu.memory_space<vmem>>) target(%dma_start3A_272 : memref<10112x64xf32, #tpu.memory_space<vmem_shared>>) offsets(%dma_start3A_269 : memref<80xi32, #tpu.memory_space<vmem>>) semaphore(%dma_start3A_274 : memref<!tpu.dma_semaphore, #tpu.memory_space<semaphore_mem>>) {add = true}
    }
    %scan3A_171 = arith.constant 125 : i32
    %dma_wait3A_172 = arith.constant 3 : i32
    %dma_wait3A_173 = arith.constant 3 : i32
    %dma_wait3A_174 = arith.constant 3 : i32
    %dma_wait3A_175 = arith.constant 0 : i32
    %dma_wait3A_176 = arith.constant 0 : i32
    %dma_wait3A_177 = tpu.memref_slice %arg9[%dma_wait3A_172, %dma_wait3A_175, %dma_wait3A_176] : memref<4x80x64xf32, #tpu.memory_space<vmem>> -> memref<1x80x64xf32, #tpu.memory_space<vmem>>
    %dma_wait3A_178 = tpu.memref_squeeze %dma_wait3A_177 : memref<1x80x64xf32, #tpu.memory_space<vmem>> -> memref<80x64xf32, #tpu.memory_space<vmem>>
    %dma_wait3A_179 = arith.constant 0 : i32
    %dma_wait3A_180 = tpu.memref_slice %arg8[%dma_wait3A_173, %dma_wait3A_179] : memref<8x80xi32, #tpu.memory_space<vmem>> -> memref<1x80xi32, #tpu.memory_space<vmem>>
    %dma_wait3A_181 = tpu.memref_squeeze %dma_wait3A_180 : memref<1x80xi32, #tpu.memory_space<vmem>> -> memref<80xi32, #tpu.memory_space<vmem>>
    %dma_wait3A_182 = arith.constant 0 : i32
    %dma_wait3A_183 = arith.constant 0 : i32
    %dma_wait3A_184 = tpu.memref_slice %arg10[%dma_wait3A_182, %dma_wait3A_183] : memref<10112x64xf32, #tpu.memory_space<vmem_shared>> -> memref<10112x64xf32, #tpu.memory_space<vmem_shared>>
    %dma_wait3A_185 = tpu.memref_slice %arg14[%dma_wait3A_174] : memref<4x!tpu.dma_semaphore, #tpu.memory_space<semaphore_mem>> -> memref<1x!tpu.dma_semaphore, #tpu.memory_space<semaphore_mem>>
    %dma_wait3A_186 = tpu.memref_squeeze %dma_wait3A_185 : memref<1x!tpu.dma_semaphore, #tpu.memory_space<semaphore_mem>> -> memref<!tpu.dma_semaphore, #tpu.memory_space<semaphore_mem>>
    tpu.wait_indirect_dma semaphore(%dma_wait3A_186 : memref<!tpu.dma_semaphore, #tpu.memory_space<semaphore_mem>>) src(%dma_wait3A_178 : memref<80x64xf32, #tpu.memory_space<vmem>>) dst(%dma_wait3A_184 : memref<10112x64xf32, #tpu.memory_space<vmem_shared>>)
    %dma_wait3A_187 = arith.constant 0 : i32
    %dma_wait3A_188 = arith.constant 4 : i32
    %dma_wait3A_189 = arith.constant 0 : i32
    %dma_wait3A_190 = arith.constant 0 : i32
    %dma_wait3A_191 = arith.constant 0 : i32
    %dma_wait3A_192 = tpu.memref_slice %arg9[%dma_wait3A_187, %dma_wait3A_190, %dma_wait3A_191] : memref<4x80x64xf32, #tpu.memory_space<vmem>> -> memref<1x80x64xf32, #tpu.memory_space<vmem>>
    %dma_wait3A_193 = tpu.memref_squeeze %dma_wait3A_192 : memref<1x80x64xf32, #tpu.memory_space<vmem>> -> memref<80x64xf32, #tpu.memory_space<vmem>>
    %dma_wait3A_194 = arith.constant 0 : i32
    %dma_wait3A_195 = tpu.memref_slice %arg8[%dma_wait3A_188, %dma_wait3A_194] : memref<8x80xi32, #tpu.memory_space<vmem>> -> memref<1x80xi32, #tpu.memory_space<vmem>>
    %dma_wait3A_196 = tpu.memref_squeeze %dma_wait3A_195 : memref<1x80xi32, #tpu.memory_space<vmem>> -> memref<80xi32, #tpu.memory_space<vmem>>
    %dma_wait3A_197 = arith.constant 0 : i32
    %dma_wait3A_198 = arith.constant 0 : i32
    %dma_wait3A_199 = tpu.memref_slice %arg10[%dma_wait3A_197, %dma_wait3A_198] : memref<10112x64xf32, #tpu.memory_space<vmem_shared>> -> memref<10112x64xf32, #tpu.memory_space<vmem_shared>>
    %dma_wait3A_200 = tpu.memref_slice %arg14[%dma_wait3A_189] : memref<4x!tpu.dma_semaphore, #tpu.memory_space<semaphore_mem>> -> memref<1x!tpu.dma_semaphore, #tpu.memory_space<semaphore_mem>>
    %dma_wait3A_201 = tpu.memref_squeeze %dma_wait3A_200 : memref<1x!tpu.dma_semaphore, #tpu.memory_space<semaphore_mem>> -> memref<!tpu.dma_semaphore, #tpu.memory_space<semaphore_mem>>
    tpu.wait_indirect_dma semaphore(%dma_wait3A_201 : memref<!tpu.dma_semaphore, #tpu.memory_space<semaphore_mem>>) src(%dma_wait3A_193 : memref<80x64xf32, #tpu.memory_space<vmem>>) dst(%dma_wait3A_199 : memref<10112x64xf32, #tpu.memory_space<vmem_shared>>)
    %barrier3A_202 = arith.constant 0 : index
    tpu.barrier barrier_id(%barrier3A_202)
    %lt3A = arith.constant 15 : i32
    %lt3A_203 = arith.cmpi slt, %arg1, %lt3A : i32
    %convert_element_type3A = arith.extui %lt3A_203 : i1 to i32
    %cond3A = arith.constant 0 : i32
    %cond3A_204 = arith.cmpi ne, %convert_element_type3A, %cond3A : i32
    scf.if %cond3A_204 {
      %mul3A_209 = arith.constant 632 : i32
      %mul3A_210 = arith.muli %arg1, %mul3A_209 : i32
      %mul3A_211 = arith.constant 632 : i32
      %mul3A_212 = arith.muli %arg1, %mul3A_211 : i32
      "tpu.region"() ({
        %run_scoped3A = tpu.sem_alloc : memref<!tpu.dma_semaphore, #tpu.memory_space<semaphore_mem>>
        %dma_start3A_213 = arith.constant 0 : i32
        %dma_start3A_214 = tpu.memref_slice %arg6[%arg0, %mul3A_212, %dma_start3A_213] : memref<2x10000x64xf32, #tpu.memory_space<hbm>> -> memref<1x632x64xf32, #tpu.memory_space<hbm>>
        %dma_start3A_215 = tpu.memref_squeeze %dma_start3A_214 : memref<1x632x64xf32, #tpu.memory_space<hbm>> -> memref<632x64xf32, #tpu.memory_space<hbm>>
        %dma_start3A_216 = arith.constant 0 : i32
        %dma_start3A_217 = tpu.memref_slice %arg10[%mul3A_210, %dma_start3A_216] : memref<10112x64xf32, #tpu.memory_space<vmem_shared>> -> memref<632x64xf32, #tpu.memory_space<vmem_shared>>
        tpu.enqueue_dma source(%dma_start3A_217 : memref<632x64xf32, #tpu.memory_space<vmem_shared>>) target(%dma_start3A_215 : memref<632x64xf32, #tpu.memory_space<hbm>>) target_semaphore(%run_scoped3A : memref<!tpu.dma_semaphore, #tpu.memory_space<semaphore_mem>>)
        %dma_wait3A_218 = arith.constant 0 : i32
        %dma_wait3A_219 = tpu.memref_slice %arg6[%arg0, %mul3A_212, %dma_wait3A_218] : memref<2x10000x64xf32, #tpu.memory_space<hbm>> -> memref<1x632x64xf32, #tpu.memory_space<hbm>>
        %dma_wait3A_220 = tpu.memref_squeeze %dma_wait3A_219 : memref<1x632x64xf32, #tpu.memory_space<hbm>> -> memref<632x64xf32, #tpu.memory_space<hbm>>
        %dma_wait3A_221 = arith.constant 0 : i32
        %dma_wait3A_222 = tpu.memref_slice %arg10[%mul3A_210, %dma_wait3A_221] : memref<10112x64xf32, #tpu.memory_space<vmem_shared>> -> memref<632x64xf32, #tpu.memory_space<vmem_shared>>
        tpu.wait_dma2 semaphore(%run_scoped3A : memref<!tpu.dma_semaphore, #tpu.memory_space<semaphore_mem>>) src(%dma_wait3A_222 : memref<632x64xf32, #tpu.memory_space<vmem_shared>>) dst(%dma_wait3A_220 : memref<632x64xf32, #tpu.memory_space<hbm>>)
        tpu.yield
      }) : () -> ()
    } else {
    }
    %eq3A = arith.constant 15 : i32
    %eq3A_205 = arith.cmpi eq, %arg1, %eq3A : i32
    %convert_element_type3A_206 = arith.extui %eq3A_205 : i1 to i32
    %cond3A_207 = arith.constant 0 : i32
    %cond3A_208 = arith.cmpi ne, %convert_element_type3A_206, %cond3A_207 : i32
    scf.if %cond3A_208 {
      "tpu.region"() ({
        %run_scoped3A = tpu.sem_alloc : memref<!tpu.dma_semaphore, #tpu.memory_space<semaphore_mem>>
        %dma_start3A_209 = arith.constant 9480 : i32
        %dma_start3A_210 = arith.constant 0 : i32
        %dma_start3A_211 = tpu.memref_slice %arg6[%arg0, %dma_start3A_209, %dma_start3A_210] : memref<2x10000x64xf32, #tpu.memory_space<hbm>> -> memref<1x520x64xf32, #tpu.memory_space<hbm>>
        %dma_start3A_212 = tpu.memref_squeeze %dma_start3A_211 : memref<1x520x64xf32, #tpu.memory_space<hbm>> -> memref<520x64xf32, #tpu.memory_space<hbm>>
        %dma_start3A_213 = arith.constant 9480 : i32
        %dma_start3A_214 = arith.constant 0 : i32
        %dma_start3A_215 = tpu.memref_slice %arg10[%dma_start3A_213, %dma_start3A_214] : memref<10112x64xf32, #tpu.memory_space<vmem_shared>> -> memref<520x64xf32, #tpu.memory_space<vmem_shared>>
        tpu.enqueue_dma source(%dma_start3A_215 : memref<520x64xf32, #tpu.memory_space<vmem_shared>>) target(%dma_start3A_212 : memref<520x64xf32, #tpu.memory_space<hbm>>) target_semaphore(%run_scoped3A : memref<!tpu.dma_semaphore, #tpu.memory_space<semaphore_mem>>)
        %dma_wait3A_216 = arith.constant 9480 : i32
        %dma_wait3A_217 = arith.constant 0 : i32
        %dma_wait3A_218 = tpu.memref_slice %arg6[%arg0, %dma_wait3A_216, %dma_wait3A_217] : memref<2x10000x64xf32, #tpu.memory_space<hbm>> -> memref<1x520x64xf32, #tpu.memory_space<hbm>>
        %dma_wait3A_219 = tpu.memref_squeeze %dma_wait3A_218 : memref<1x520x64xf32, #tpu.memory_space<hbm>> -> memref<520x64xf32, #tpu.memory_space<hbm>>
        %dma_wait3A_220 = arith.constant 9480 : i32
        %dma_wait3A_221 = arith.constant 0 : i32
        %dma_wait3A_222 = tpu.memref_slice %arg10[%dma_wait3A_220, %dma_wait3A_221] : memref<10112x64xf32, #tpu.memory_space<vmem_shared>> -> memref<520x64xf32, #tpu.memory_space<vmem_shared>>
        tpu.wait_dma2 semaphore(%run_scoped3A : memref<!tpu.dma_semaphore, #tpu.memory_space<semaphore_mem>>) src(%dma_wait3A_222 : memref<520x64xf32, #tpu.memory_space<vmem_shared>>) dst(%dma_wait3A_219 : memref<520x64xf32, #tpu.memory_space<hbm>>)
        tpu.yield
      }) : () -> ()
    } else {
    }
    return
  }
}

module attributes {stable_mosaic.version = 14 : i64} {
  func.func @_tc_pre_body(%arg0: i32, %arg1: memref<1000x128xf32, #tpu.memory_space<vmem>>, %arg2: memref<1000x8xf32, #tpu.memory_space<vmem>>, %arg3: memref<1000x8xf32, #tpu.memory_space<vmem>>, %arg4: memref<1000x128xf32, #tpu.memory_space<vmem>>) attributes {dimension_semantics = [#tpu.dimension_semantics<arbitrary>], iteration_bounds = array<i64: 10>, scalar_prefetch = 0 : i64, scratch_operands = 0 : i64, tpu.core_type = #tpu.core_type<tc>, window_params = [{transform_indices = @transform_0, window_bounds = array<i64: 1000, 128>}, {transform_indices = @transform_1, window_bounds = array<i64: 1000, 8>}, {transform_indices = @transform_2, window_bounds = array<i64: 1000, 8>}, {transform_indices = @transform_3, window_bounds = array<i64: 1000, 128>}]} {
    %get3A = arith.constant 0 : index
    %get3A_0 = arith.constant 0 : index
    %get3A_1 = vector.load %arg2[%get3A, %get3A_0] : memref<1000x8xf32, #tpu.memory_space<vmem>>, vector<1000x1xf32>
    %get3A_2 = arith.constant 0 : index
    %get3A_3 = arith.constant 0 : index
    %get3A_4 = vector.load %arg3[%get3A_2, %get3A_3] : memref<1000x8xf32, #tpu.memory_space<vmem>>, vector<1000x1xf32>
    %add3A = arith.addf %get3A_1, %get3A_4 : vector<1000x1xf32>
    %add3A_5 = arith.constant 1.000000e+00 : f32
    %add3A_6 = vector.broadcast %add3A_5 : f32 to vector<1000x1xf32>
    %add3A_7 = arith.addf %add3A, %add3A_6 : vector<1000x1xf32>
    %rsqrt3A = math.rsqrt %add3A_7 : vector<1000x1xf32>
    %get3A_8 = arith.constant 0 : index
    %get3A_9 = arith.constant 0 : index
    %get3A_10 = vector.load %arg1[%get3A_8, %get3A_9] : memref<1000x128xf32, #tpu.memory_space<vmem>>, vector<1000x128xf32>
    %mul3A = vector.broadcast %rsqrt3A : vector<1000x1xf32> to vector<1000x128xf32>
    %mul3A_11 = arith.mulf %mul3A, %get3A_10 : vector<1000x128xf32>
    %swap3A = arith.constant 0 : index
    %swap3A_12 = arith.constant 0 : index
    %swap3A_13 = vector.load %arg4[%swap3A, %swap3A_12] : memref<1000x128xf32, #tpu.memory_space<vmem>>, vector<1000x128xf32>
    tpu.vector_store %arg4[%swap3A, %swap3A_12], %mul3A_11 {strides = array<i32>} : memref<1000x128xf32, #tpu.memory_space<vmem>>, vector<1000x128xf32>,
    return
  }
  func.func @transform_0(%arg0: i32) -> (i32, i32) {
    %c0_i32 = arith.constant 0 : i32
    %c0_i32_0 = arith.constant 0 : i32
    return %arg0, %c0_i32 : i32, i32
  }
  func.func @transform_1(%arg0: i32) -> (i32, i32) {
    %c0_i32 = arith.constant 0 : i32
    %c0_i32_0 = arith.constant 0 : i32
    return %arg0, %c0_i32 : i32, i32
  }
  func.func @transform_2(%arg0: i32) -> (i32, i32) {
    %add3A = arith.constant 10 : i32
    %add3A_0 = arith.addi %add3A, %arg0 : i32
    %c0_i32 = arith.constant 0 : i32
    %c0_i32_1 = arith.constant 0 : i32
    return %add3A_0, %c0_i32 : i32, i32
  }
  func.func @transform_3(%arg0: i32) -> (i32, i32) {
    %c0_i32 = arith.constant 0 : i32
    %c0_i32_0 = arith.constant 0 : i32
    return %arg0, %c0_i32 : i32, i32
  }
}

module attributes {stable_mosaic.version = 14 : i64} {
  func.func @_tc_mm_body(%arg0: i32, %arg1: memref<1000x128xf32, #tpu.memory_space<vmem>>, %arg2: memref<128x128xf32, #tpu.memory_space<vmem>>, %arg3: memref<1000x128xf32, #tpu.memory_space<vmem>>) attributes {dimension_semantics = [#tpu.dimension_semantics<arbitrary>], iteration_bounds = array<i64: 10>, scalar_prefetch = 0 : i64, scratch_operands = 0 : i64, tpu.core_type = #tpu.core_type<tc>, window_params = [{transform_indices = @transform_0, window_bounds = array<i64: 1000, 128>}, {pipeline_mode = #tpu.pipeline_mode<synchronous>, transform_indices = @transform_1, window_bounds = array<i64: 128, 128>}, {transform_indices = @transform_2, window_bounds = array<i64: 1000, 128>}]} {
    %get3A = arith.constant 0 : index
    %get3A_0 = arith.constant 0 : index
    %get3A_1 = vector.load %arg1[%get3A, %get3A_0] : memref<1000x128xf32, #tpu.memory_space<vmem>>, vector<1000x128xf32>
    %get3A_2 = arith.constant 0 : index
    %get3A_3 = arith.constant 0 : index
    %get3A_4 = vector.load %arg2[%get3A_2, %get3A_3] : memref<128x128xf32, #tpu.memory_space<vmem>>, vector<128x128xf32>
    %dot_general3A = arith.constant dense<0.000000e+00> : vector<1000x128xf32>
    %dot_general3A_5 = tpu.matmul %get3A_1, %get3A_4, %dot_general3A {dimension_numbers = #tpu.dot_dimension_numbers<[1], [0], [0], [1], [0, 0, 1, 1], [], []>, transpose_lhs_hint = false} : vector<1000x128xf32>, vector<128x128xf32>, vector<1000x128xf32> -> vector<1000x128xf32>
    %swap3A = arith.constant 0 : index
    %swap3A_6 = arith.constant 0 : index
    %swap3A_7 = vector.load %arg3[%swap3A, %swap3A_6] : memref<1000x128xf32, #tpu.memory_space<vmem>>, vector<1000x128xf32>
    tpu.vector_store %arg3[%swap3A, %swap3A_6], %dot_general3A_5 {strides = array<i32>} : memref<1000x128xf32, #tpu.memory_space<vmem>>, vector<1000x128xf32>,
    return
  }
  func.func @transform_0(%arg0: i32) -> (i32, i32) {
    %c0_i32 = arith.constant 0 : i32
    %c0_i32_0 = arith.constant 0 : i32
    return %arg0, %c0_i32 : i32, i32
  }
  func.func @transform_1(%arg0: i32) -> (i32, i32) {
    %c0_i32 = arith.constant 0 : i32
    %c0_i32_0 = arith.constant 0 : i32
    %c0_i32_1 = arith.constant 0 : i32
    return %c0_i32, %c0_i32_0 : i32, i32
  }
  func.func @transform_2(%arg0: i32) -> (i32, i32) {
    %c0_i32 = arith.constant 0 : i32
    %c0_i32_0 = arith.constant 0 : i32
    return %arg0, %c0_i32 : i32, i32
  }
}

module attributes {stable_mosaic.version = 14 : i64} {
  func.func @_tc_mid_body(%arg0: i32, %arg1: memref<1000x128xf32, #tpu.memory_space<vmem>>, %arg2: memref<1000x128xf32, #tpu.memory_space<vmem>>, %arg3: memref<1000x128xf32, #tpu.memory_space<vmem>>, %arg4: memref<1000x8xf32, #tpu.memory_space<vmem>>, %arg5: memref<1000x8xf32, #tpu.memory_space<vmem>>, %arg6: memref<1x128xf32, #tpu.memory_space<vmem>>, %arg7: memref<128x64xf32, #tpu.memory_space<vmem>>, %arg8: memref<1000x64xf32, #tpu.memory_space<vmem>>) attributes {dimension_semantics = [#tpu.dimension_semantics<arbitrary>], iteration_bounds = array<i64: 10>, scalar_prefetch = 0 : i64, scratch_operands = 0 : i64, tpu.core_type = #tpu.core_type<tc>, window_params = [{transform_indices = @transform_0, window_bounds = array<i64: 1000, 128>}, {transform_indices = @transform_1, window_bounds = array<i64: 1000, 128>}, {transform_indices = @transform_2, window_bounds = array<i64: 1000, 128>}, {transform_indices = @transform_3, window_bounds = array<i64: 1000, 8>}, {transform_indices = @transform_4, window_bounds = array<i64: 1000, 8>}, {pipeline_mode = #tpu.pipeline_mode<synchronous>, transform_indices = @transform_5, window_bounds = array<i64: 1, 128>}, {pipeline_mode = #tpu.pipeline_mode<synchronous>, transform_indices = @transform_6, window_bounds = array<i64: 128, 64>}, {transform_indices = @transform_7, window_bounds = array<i64: 1000, 64>}]} {
    %get3A = arith.constant 0 : index
    %get3A_0 = arith.constant 0 : index
    %get3A_1 = vector.load %arg4[%get3A, %get3A_0] : memref<1000x8xf32, #tpu.memory_space<vmem>>, vector<1000x1xf32>
    %get3A_2 = arith.constant 0 : index
    %get3A_3 = arith.constant 0 : index
    %get3A_4 = vector.load %arg5[%get3A_2, %get3A_3] : memref<1000x8xf32, #tpu.memory_space<vmem>>, vector<1000x1xf32>
    %add3A = arith.addf %get3A_1, %get3A_4 : vector<1000x1xf32>
    %add3A_5 = arith.constant 1.000000e+00 : f32
    %add3A_6 = vector.broadcast %add3A_5 : f32 to vector<1000x1xf32>
    %add3A_7 = arith.addf %add3A, %add3A_6 : vector<1000x1xf32>
    %rsqrt3A = math.rsqrt %add3A_7 : vector<1000x1xf32>
    %get3A_8 = arith.constant 0 : index
    %get3A_9 = arith.constant 0 : index
    %get3A_10 = vector.load %arg1[%get3A_8, %get3A_9] : memref<1000x128xf32, #tpu.memory_space<vmem>>, vector<1000x128xf32>
    %get3A_11 = arith.constant 0 : index
    %get3A_12 = arith.constant 0 : index
    %get3A_13 = vector.load %arg2[%get3A_11, %get3A_12] : memref<1000x128xf32, #tpu.memory_space<vmem>>, vector<1000x128xf32>
    %add3A_14 = arith.addf %get3A_10, %get3A_13 : vector<1000x128xf32>
    %get3A_15 = arith.constant 0 : index
    %get3A_16 = arith.constant 0 : index
    %get3A_17 = vector.load %arg3[%get3A_15, %get3A_16] : memref<1000x128xf32, #tpu.memory_space<vmem>>, vector<1000x128xf32>
    %add3A_18 = arith.addf %add3A_14, %get3A_17 : vector<1000x128xf32>
    %mul3A = vector.broadcast %rsqrt3A : vector<1000x1xf32> to vector<1000x128xf32>
    %mul3A_19 = arith.mulf %mul3A, %add3A_18 : vector<1000x128xf32>
    %get3A_20 = arith.constant 0 : index
    %get3A_21 = arith.constant 0 : index
    %get3A_22 = vector.load %arg6[%get3A_20, %get3A_21] : memref<1x128xf32, #tpu.memory_space<vmem>>, vector<1x128xf32>
    %add3A_23 = vector.broadcast %get3A_22 : vector<1x128xf32> to vector<1000x128xf32>
    %add3A_24 = arith.addf %mul3A_19, %add3A_23 : vector<1000x128xf32>
    %max3A = arith.constant 0.000000e+00 : f32
    %max3A_25 = vector.broadcast %max3A : f32 to vector<1000x128xf32>
    %max3A_26 = arith.maximumf %add3A_24, %max3A_25 : vector<1000x128xf32>
    %get3A_27 = arith.constant 0 : index
    %get3A_28 = arith.constant 0 : index
    %get3A_29 = vector.load %arg7[%get3A_27, %get3A_28] : memref<128x64xf32, #tpu.memory_space<vmem>>, vector<128x64xf32>
    %dot_general3A = arith.constant dense<0.000000e+00> : vector<1000x64xf32>
    %dot_general3A_30 = tpu.matmul %max3A_26, %get3A_29, %dot_general3A {dimension_numbers = #tpu.dot_dimension_numbers<[1], [0], [0], [1], [0, 0, 1, 1], [], []>, transpose_lhs_hint = false} : vector<1000x128xf32>, vector<128x64xf32>, vector<1000x64xf32> -> vector<1000x64xf32>
    %mul3A_31 = vector.broadcast %rsqrt3A : vector<1000x1xf32> to vector<1000x64xf32>
    %mul3A_32 = arith.mulf %mul3A_31, %dot_general3A_30 : vector<1000x64xf32>
    %swap3A = arith.constant 0 : index
    %swap3A_33 = arith.constant 0 : index
    %swap3A_34 = vector.load %arg8[%swap3A, %swap3A_33] : memref<1000x64xf32, #tpu.memory_space<vmem>>, vector<1000x64xf32>
    tpu.vector_store %arg8[%swap3A, %swap3A_33], %mul3A_32 {strides = array<i32>} : memref<1000x64xf32, #tpu.memory_space<vmem>>, vector<1000x64xf32>,
    return
  }
  func.func @transform_0(%arg0: i32) -> (i32, i32) {
    %c0_i32 = arith.constant 0 : i32
    %c0_i32_0 = arith.constant 0 : i32
    return %arg0, %c0_i32 : i32, i32
  }
  func.func @transform_1(%arg0: i32) -> (i32, i32) {
    %c0_i32 = arith.constant 0 : i32
    %c0_i32_0 = arith.constant 0 : i32
    return %arg0, %c0_i32 : i32, i32
  }
  func.func @transform_2(%arg0: i32) -> (i32, i32) {
    %c0_i32 = arith.constant 0 : i32
    %c0_i32_0 = arith.constant 0 : i32
    return %arg0, %c0_i32 : i32, i32
  }
  func.func @transform_3(%arg0: i32) -> (i32, i32) {
    %c0_i32 = arith.constant 0 : i32
    %c0_i32_0 = arith.constant 0 : i32
    return %arg0, %c0_i32 : i32, i32
  }
  func.func @transform_4(%arg0: i32) -> (i32, i32) {
    %add3A = arith.constant 10 : i32
    %add3A_0 = arith.addi %add3A, %arg0 : i32
    %c0_i32 = arith.constant 0 : i32
    %c0_i32_1 = arith.constant 0 : i32
    return %add3A_0, %c0_i32 : i32, i32
  }
  func.func @transform_5(%arg0: i32) -> (i32, i32) {
    %c0_i32 = arith.constant 0 : i32
    %c0_i32_0 = arith.constant 0 : i32
    %c0_i32_1 = arith.constant 0 : i32
    return %c0_i32, %c0_i32_0 : i32, i32
  }
  func.func @transform_6(%arg0: i32) -> (i32, i32) {
    %c0_i32 = arith.constant 0 : i32
    %c0_i32_0 = arith.constant 0 : i32
    %c0_i32_1 = arith.constant 0 : i32
    return %c0_i32, %c0_i32_0 : i32, i32
  }
  func.func @transform_7(%arg0: i32) -> (i32, i32) {
    %c0_i32 = arith.constant 0 : i32
    %c0_i32_0 = arith.constant 0 : i32
    return %arg0, %c0_i32 : i32, i32
  }
}

module attributes {stable_mosaic.version = 14 : i64} {
  func.func @_tc_fin_body(%arg0: i32, %arg1: memref<1000x64xf32, #tpu.memory_space<vmem>>, %arg2: memref<1000x64xf32, #tpu.memory_space<vmem>>, %arg3: memref<1000x64xf32, #tpu.memory_space<vmem>>, %arg4: memref<1000x8xf32, #tpu.memory_space<vmem>>, %arg5: memref<1000x8xf32, #tpu.memory_space<vmem>>, %arg6: memref<1x64xf32, #tpu.memory_space<vmem>>, %arg7: memref<1x64xf32, #tpu.memory_space<vmem>>, %arg8: memref<1x1xf32, #tpu.memory_space<vmem>>, %arg9: memref<1x64xf32, #tpu.memory_space<vmem>>, %arg10: memref<1x1xf32, #tpu.memory_space<vmem>>) attributes {dimension_semantics = [#tpu.dimension_semantics<arbitrary>], iteration_bounds = array<i64: 10>, scalar_prefetch = 0 : i64, scratch_operands = 0 : i64, tpu.core_type = #tpu.core_type<tc>, window_params = [{transform_indices = @transform_0, window_bounds = array<i64: 1000, 64>}, {transform_indices = @transform_1, window_bounds = array<i64: 1000, 64>}, {transform_indices = @transform_2, window_bounds = array<i64: 1000, 64>}, {transform_indices = @transform_3, window_bounds = array<i64: 1000, 8>}, {transform_indices = @transform_4, window_bounds = array<i64: 1000, 8>}, {pipeline_mode = #tpu.pipeline_mode<synchronous>, transform_indices = @transform_5, window_bounds = array<i64: 1, 64>}, {pipeline_mode = #tpu.pipeline_mode<synchronous>, transform_indices = @transform_6, window_bounds = array<i64: 1, 64>}, {pipeline_mode = #tpu.pipeline_mode<synchronous>, transform_indices = @transform_7, window_bounds = array<i64: 1, 1>}, {pipeline_mode = #tpu.pipeline_mode<synchronous>, transform_indices = @transform_8, window_bounds = array<i64: 1, 64>}, {pipeline_mode = #tpu.pipeline_mode<synchronous>, transform_indices = @transform_9, window_bounds = array<i64: 1, 1>}]} {
    %get3A = arith.constant 0 : index
    %get3A_0 = arith.constant 0 : index
    %get3A_1 = vector.load %arg4[%get3A, %get3A_0] : memref<1000x8xf32, #tpu.memory_space<vmem>>, vector<1000x1xf32>
    %get3A_2 = arith.constant 0 : index
    %get3A_3 = arith.constant 0 : index
    %get3A_4 = vector.load %arg5[%get3A_2, %get3A_3] : memref<1000x8xf32, #tpu.memory_space<vmem>>, vector<1000x1xf32>
    %add3A = arith.addf %get3A_1, %get3A_4 : vector<1000x1xf32>
    %add3A_5 = arith.constant 1.000000e+00 : f32
    %add3A_6 = vector.broadcast %add3A_5 : f32 to vector<1000x1xf32>
    %add3A_7 = arith.addf %add3A, %add3A_6 : vector<1000x1xf32>
    %rsqrt3A = math.rsqrt %add3A_7 : vector<1000x1xf32>
    %get3A_8 = arith.constant 0 : index
    %get3A_9 = arith.constant 0 : index
    %get3A_10 = vector.load %arg1[%get3A_8, %get3A_9] : memref<1000x64xf32, #tpu.memory_space<vmem>>, vector<1000x64xf32>
    %get3A_11 = arith.constant 0 : index
    %get3A_12 = arith.constant 0 : index
    %get3A_13 = vector.load %arg2[%get3A_11, %get3A_12] : memref<1000x64xf32, #tpu.memory_space<vmem>>, vector<1000x64xf32>
    %add3A_14 = arith.addf %get3A_10, %get3A_13 : vector<1000x64xf32>
    %get3A_15 = arith.constant 0 : index
    %get3A_16 = arith.constant 0 : index
    %get3A_17 = vector.load %arg3[%get3A_15, %get3A_16] : memref<1000x64xf32, #tpu.memory_space<vmem>>, vector<1000x64xf32>
    %add3A_18 = arith.addf %add3A_14, %get3A_17 : vector<1000x64xf32>
    %mul3A = vector.broadcast %rsqrt3A : vector<1000x1xf32> to vector<1000x64xf32>
    %mul3A_19 = arith.mulf %mul3A, %add3A_18 : vector<1000x64xf32>
    %get3A_20 = arith.constant 0 : index
    %get3A_21 = arith.constant 0 : index
    %get3A_22 = vector.load %arg6[%get3A_20, %get3A_21] : memref<1x64xf32, #tpu.memory_space<vmem>>, vector<1x64xf32>
    %add3A_23 = vector.broadcast %get3A_22 : vector<1x64xf32> to vector<1000x64xf32>
    %add3A_24 = arith.addf %mul3A_19, %add3A_23 : vector<1000x64xf32>
    %max3A = arith.constant 0.000000e+00 : f32
    %max3A_25 = vector.broadcast %max3A : f32 to vector<1000x64xf32>
    %max3A_26 = arith.maximumf %add3A_24, %max3A_25 : vector<1000x64xf32>
    %eq3A = arith.constant 0 : i32
    %eq3A_27 = arith.cmpi eq, %arg0, %eq3A : i32
    %convert_element_type3A = arith.extui %eq3A_27 : i1 to i32
    %cond3A = arith.constant 0 : i32
    %cond3A_28 = arith.cmpi ne, %convert_element_type3A, %cond3A : i32
    scf.if %cond3A_28 {
      %broadcast_in_dim3A_41 = arith.constant 0.000000e+00 : f32
      %broadcast_in_dim3A_42 = vector.broadcast %broadcast_in_dim3A_41 : f32 to vector<1x64xf32>
      %swap3A_43 = arith.constant 0 : index
      %swap3A_44 = arith.constant 0 : index
      %swap3A_45 = vector.load %arg9[%swap3A_43, %swap3A_44] : memref<1x64xf32, #tpu.memory_space<vmem>>, vector<1x64xf32>
      tpu.vector_store %arg9[%swap3A_43, %swap3A_44], %broadcast_in_dim3A_42 {strides = array<i32>} : memref<1x64xf32, #tpu.memory_space<vmem>>, vector<1x64xf32>,
    } else {
    }
    %get3A_29 = arith.constant 0 : index
    %get3A_30 = arith.constant 0 : index
    %get3A_31 = vector.load %arg9[%get3A_29, %get3A_30] : memref<1x64xf32, #tpu.memory_space<vmem>>, vector<1x64xf32>
    %reduce_sum3A = arith.constant dense<0.000000e+00> : vector<64xf32>
    %reduce_sum3A_32 = vector.multi_reduction <add>, %max3A_26, %reduce_sum3A [0] : vector<1000x64xf32> to vector<64xf32>
    %broadcast_in_dim3A = vector.shape_cast %reduce_sum3A_32 : vector<64xf32> to vector<1x64xf32>
    %add3A_33 = arith.addf %get3A_31, %broadcast_in_dim3A : vector<1x64xf32>
    %swap3A = arith.constant 0 : index
    %swap3A_34 = arith.constant 0 : index
    %swap3A_35 = vector.load %arg9[%swap3A, %swap3A_34] : memref<1x64xf32, #tpu.memory_space<vmem>>, vector<1x64xf32>
    tpu.vector_store %arg9[%swap3A, %swap3A_34], %add3A_33 {strides = array<i32>} : memref<1x64xf32, #tpu.memory_space<vmem>>, vector<1x64xf32>,
    %eq3A_36 = arith.constant 9 : i32
    %eq3A_37 = arith.cmpi eq, %arg0, %eq3A_36 : i32
    %convert_element_type3A_38 = arith.extui %eq3A_37 : i1 to i32
    %cond3A_39 = arith.constant 0 : i32
    %cond3A_40 = arith.cmpi ne, %convert_element_type3A_38, %cond3A_39 : i32
    scf.if %cond3A_40 {
      %get3A_41 = arith.constant 0 : index
      %get3A_42 = arith.constant 0 : index
      %get3A_43 = vector.load %arg9[%get3A_41, %get3A_42] : memref<1x64xf32, #tpu.memory_space<vmem>>, vector<1x64xf32>
      %get3A_44 = arith.constant 0 : index
      %get3A_45 = arith.constant 0 : index
      %get3A_46 = vector.load %arg7[%get3A_44, %get3A_45] : memref<1x64xf32, #tpu.memory_space<vmem>>, vector<1x64xf32>
      %mul3A_47 = arith.mulf %get3A_43, %get3A_46 : vector<1x64xf32>
      %reduce_sum3A_48 = arith.constant dense<0.000000e+00> : vector<1xf32>
      %reduce_sum3A_49 = vector.multi_reduction <add>, %mul3A_47, %reduce_sum3A_48 [1] : vector<1x64xf32> to vector<1xf32>
      %broadcast_in_dim3A_50 = vector.shape_cast %reduce_sum3A_49 : vector<1xf32> to vector<1x1xf32>
      %div3A = arith.constant 1.000000e+04 : f32
      %div3A_51 = vector.broadcast %div3A : f32 to vector<1x1xf32>
      %div3A_52 = arith.divf %broadcast_in_dim3A_50, %div3A_51 : vector<1x1xf32>
      %get3A_53 = arith.constant 0 : index
      %get3A_54 = arith.constant 0 : index
      %get3A_55 = vector.load %arg8[%get3A_53, %get3A_54] : memref<1x1xf32, #tpu.memory_space<vmem>>, vector<1x1xf32>
      %add3A_56 = arith.addf %div3A_52, %get3A_55 : vector<1x1xf32>
      %swap3A_57 = arith.constant 0 : index
      %swap3A_58 = arith.constant 0 : index
      %swap3A_59 = vector.load %arg10[%swap3A_57, %swap3A_58] : memref<1x1xf32, #tpu.memory_space<vmem>>, vector<1x1xf32>
      tpu.vector_store %arg10[%swap3A_57, %swap3A_58], %add3A_56 {strides = array<i32>} : memref<1x1xf32, #tpu.memory_space<vmem>>, vector<1x1xf32>,
    } else {
    }
    return
  }
  func.func @transform_0(%arg0: i32) -> (i32, i32) {
    %c0_i32 = arith.constant 0 : i32
    %c0_i32_0 = arith.constant 0 : i32
    return %arg0, %c0_i32 : i32, i32
  }
  func.func @transform_1(%arg0: i32) -> (i32, i32) {
    %c0_i32 = arith.constant 0 : i32
    %c0_i32_0 = arith.constant 0 : i32
    return %arg0, %c0_i32 : i32, i32
  }
  func.func @transform_2(%arg0: i32) -> (i32, i32) {
    %c0_i32 = arith.constant 0 : i32
    %c0_i32_0 = arith.constant 0 : i32
    return %arg0, %c0_i32 : i32, i32
  }
  func.func @transform_3(%arg0: i32) -> (i32, i32) {
    %c0_i32 = arith.constant 0 : i32
    %c0_i32_0 = arith.constant 0 : i32
    return %arg0, %c0_i32 : i32, i32
  }
  func.func @transform_4(%arg0: i32) -> (i32, i32) {
    %add3A = arith.constant 10 : i32
    %add3A_0 = arith.addi %add3A, %arg0 : i32
    %c0_i32 = arith.constant 0 : i32
    %c0_i32_1 = arith.constant 0 : i32
    return %add3A_0, %c0_i32 : i32, i32
  }
  func.func @transform_5(%arg0: i32) -> (i32, i32) {
    %c0_i32 = arith.constant 0 : i32
    %c0_i32_0 = arith.constant 0 : i32
    %c0_i32_1 = arith.constant 0 : i32
    return %c0_i32, %c0_i32_0 : i32, i32
  }
  func.func @transform_6(%arg0: i32) -> (i32, i32) {
    %c0_i32 = arith.constant 0 : i32
    %c0_i32_0 = arith.constant 0 : i32
    %c0_i32_1 = arith.constant 0 : i32
    return %c0_i32, %c0_i32_0 : i32, i32
  }
  func.func @transform_7(%arg0: i32) -> (i32, i32) {
    %c0_i32 = arith.constant 0 : i32
    %c0_i32_0 = arith.constant 0 : i32
    %c0_i32_1 = arith.constant 0 : i32
    return %c0_i32, %c0_i32_0 : i32, i32
  }
  func.func @transform_8(%arg0: i32) -> (i32, i32) {
    %c0_i32 = arith.constant 0 : i32
    %c0_i32_0 = arith.constant 0 : i32
    %c0_i32_1 = arith.constant 0 : i32
    return %c0_i32, %c0_i32_0 : i32, i32
  }
  func.func @transform_9(%arg0: i32) -> (i32, i32) {
    %c0_i32 = arith.constant 0 : i32
    %c0_i32_0 = arith.constant 0 : i32
    %c0_i32_1 = arith.constant 0 : i32
    return %c0_i32, %c0_i32_0 : i32, i32
  }
}

</mosaic_0001>

<sc_bundles>
// kernel: kernel.12.cloned.1.call-start
scs
__scs_entry_jumppad:
0x0: {  	(pc) =	sbr.rel $0x88, $3  }
0x1: {  	(tag) =	ssettag $0x0;
	lr =	simm.s32 $0x1  }
0x2: {  	[smem:$0x3F99] =	sst lr;
	_ =	strace $0xD0000000  }
0x3: {  	_ = 	snop  }
0x4: {  	_ = 	snop  }
0x5: {  	_ = 	snop  }
0x6: {  	_ = 	snop  }
0x7: {  	_ = 	snop  }
__scs_overlays_trampoline_lowered:
0x8: {  	[smem:$0x3FA8] =	sst s0  }
0x9: {  	[smem:$0x3FA9] =	sst s1  }
0xa: {  	[smem:$0x3FAA] =	sst s2  }
0xb: {  	[smem:$0x3FAB] =	sst s3  }
0xc: {  	[smem:$0x3FAC] =	sst s4  }
0xd: {  	[smem:$0x3FAD] =	sst s5  }
0xe: {  	[smem:$0x3FAE] =	sst s6  }
0xf: {  	[smem:$0x3FAF] =	sst s7  }
0x10: {  	[smem:$0x3FB0] =	sst s8  }
0x11: {  	[smem:$0x3FB1] =	sst s9;
	s0 =	simm.s32 @!p0 $0x0  }
0x12: {  	s1 =	sld [smem:$0x3F97];
	s0 =	simm.s32 @p0 $0x1  }
0x13: {  	[smem:$0x3FB2] =	sst s0;
	s0 =	simm.s32 @!p1 $0x0  }
0x14: {  	s2 =	sld [smem:$0x3F96];
	s0 =	simm.s32 @p1 $0x1  }
0x15: {  	[smem:$0x3FB3] =	sst s0;
	s0 =	simm.s32 @!p2 $0x0  }
0x16: {  	s3 =	sld [smem:$0x3FDB];
	s0 =	simm.s32 @p2 $0x1  }
0x17: {  	s4 =	simm.s32 $0x1BF5;
	[smem:$0x3FB5] =	sst s0  }
0x18: {  	s0 =	sld [smem:$0x3F98];
	_ =	swait.ge [sflag:s4], $0x0  }
0x19: {  	s7 =	sld [smem:$0x3F99]  }
0x1a: {  	s8 =	sadd.s32 $0xFFFFE003, lr  }
0x1b: {  	s9 =	sadd.s32 $0xFFFFFEF7, lr;
	s5 =	simm.s32 $0xFFFFFFFF;
	p2 =	slt.u32 s8, $0xFFFFF086  }
0x1c: {  	p1 =	slt.u32 s9, $0xF7A;
	s5 =	simm.s32 @!p2 $0x0  }
0x1d: {  	s5 =	simm.s32 @p1 $0x1;
	p0 =	seq.s32 s7, s2  }
0x1e: {  	s7 =	smul.u32 @!p0 $0xF7A, s2;
	p2 =	seq.s32 @!p0 s5, $0x0  }
0x1f: {  	s9 =	smul.u32 $0xF7A, s1;
	s8 =	simm.s32 @!p0 $0x1BF5;
	p2 =	por !p2, p0  }
0x20: {  	[sflag:s8] =	ssyncset.s32 @!p0 $0xFFFFF086;
	s6 =	sadd.s32 @!p0 s3, s7;
	s7 =	simm.s32 @!p0 $0x108  }
0x21: {  	s3 =	sadd.s32 s3, s9;
	s6 =	sadd.s32 @!p0 $0x88, s6;
	s7 =	simm.s32 @p2 $0x1082  }
0x22: {  	[simem:s7], [sflag:s8] =	dma.local @!p0 [hbm:s6], $0xF7A  }
0x23: {  	s9 =	sor.u32 $0xD0000000, s2;
	s6 =	simm.s32 $0x108;
	_ =	swait.ge @!p0 [sflag:s8], $0x0  }
0x24: {  	s3 =	sadd.s32 $0x88, s3;
	s6 =	simm.s32 @!p1 $0x1082;
	[sflag:s4] =	ssyncset.s32 $0xFFFFF086  }
0x25: {  	[simem:s6], [sflag:s4] =	dma.local [hbm:s3], $0xF7A  }
0x26: {  	[smem:$0x3F99] =	sst s1;
	(tag) =	ssettag s2;
	_ =	strace s9  }
0x27: {  	s1 =	sld [smem:$0x3FA9]  }
0x28: {  	s2 =	sld [smem:$0x3FAA]  }
0x29: {  	s4 =	sld [smem:$0x3FAC]  }
0x2a: {  	p0 =	seq.s32 s5, $0x0;
	s5 =	sld [smem:$0x3FAD]  }
0x2b: {  	s6 =	sld [smem:$0x3FAE]  }
0x2c: {  	s7 =	sld [smem:$0x3FAF]  }
0x2d: {  	s3 =	simm.s32 $0x108;
	s8 =	sld [smem:$0x3FB0]  }
0x2e: {  	s3 =	simm.s32 @!p0 $0x1082;
	s9 =	sld [smem:$0x3FB1]  }
0x2f: {  	lr =	sadd.s32 s0, s3;
	s0 =	sld [smem:$0x3FA8]  }
0x30: {  	s3 =	sld [smem:$0x3FAB]  }
0x31: {  	[smem:$0x3FB4] =	sst s10  }
0x32: {  	s10 =	sld [smem:$0x3FB2];
	_ =	sdelay $0x3  }
0x33: {  	p0 =	seq.s32 s10, $0x1;
	s10 =	sld [smem:$0x3FB4];
	_ =	sdelay $0x3  }
0x34: {  	[smem:$0x3FB4] =	sst s10  }
0x35: {  	s10 =	sld [smem:$0x3FB3];
	_ =	sdelay $0x3  }
0x36: {  	p1 =	seq.s32 s10, $0x1;
	s10 =	sld [smem:$0x3FB4];
	_ =	sdelay $0x3  }
0x37: {  	[smem:$0x3FB4] =	sst s10  }
0x38: {  	s10 =	sld [smem:$0x3FB5]  }
0x39: {  	_ = 	snop;
	(pc) =	sbr.ind lr, $3  }
0x3a: {  	_ = 	snop  }
0x3b: {  	_ = 	snop  }
0x3c: {  	p2 =	seq.s32 s10, $0x1;
	s10 =	sld [smem:$0x3FB4]  }
0x3d: {  	_ =	shalt  }
0x3e: {  	_ =	shalt  }
0x3f: {  	_ =	shalt  }
0x40: {  	_ =	shalt  }
0x41: {  	_ =	shalt  }
0x42: {  	_ =	shalt  }
0x43: {  	_ =	shalt  }
0x44: {  	_ =	shalt  }
0x45: {  	_ =	shalt  }
0x46: {  	_ =	shalt  }
0x47: {  	_ =	shalt  }
0x48: {  	_ =	shalt  }
0x49: {  	_ =	shalt  }
0x4a: {  	_ =	shalt  }
0x4b: {  	_ =	shalt  }
0x4c: {  	_ =	shalt  }
0x4d: {  	_ =	shalt  }
0x4e: {  	_ =	shalt  }
0x4f: {  	_ =	shalt  }
0x50: {  	_ =	shalt  }
0x51: {  	_ =	shalt  }
0x52: {  	_ =	shalt  }
0x53: {  	_ =	shalt  }
0x54: {  	_ =	shalt  }
0x55: {  	_ =	shalt  }
0x56: {  	_ =	shalt  }
0x57: {  	_ =	shalt  }
0x58: {  	_ =	shalt  }
0x59: {  	_ =	shalt  }
0x5a: {  	_ =	shalt  }
0x5b: {  	_ =	shalt  }
0x5c: {  	_ =	shalt  }
0x5d: {  	_ =	shalt  }
0x5e: {  	_ =	shalt  }
0x5f: {  	_ =	shalt  }
0x60: {  	_ =	shalt  }
0x61: {  	_ =	shalt  }
0x62: {  	_ =	shalt  }
0x63: {  	_ =	shalt  }
0x64: {  	_ =	shalt  }
0x65: {  	_ =	shalt  }
0x66: {  	_ =	shalt  }
0x67: {  	_ =	shalt  }
0x68: {  	_ =	shalt  }
0x69: {  	_ =	shalt  }
0x6a: {  	_ =	shalt  }
0x6b: {  	_ =	shalt  }
0x6c: {  	_ =	shalt  }
0x6d: {  	_ =	shalt  }
0x6e: {  	_ =	shalt  }
0x6f: {  	_ =	shalt  }
0x70: {  	_ =	shalt  }
0x71: {  	_ =	shalt  }
0x72: {  	_ =	shalt  }
0x73: {  	_ =	shalt  }
0x74: {  	_ =	shalt  }
0x75: {  	_ =	shalt  }
0x76: {  	_ =	shalt  }
0x77: {  	_ =	shalt  }
0x78: {  	_ =	shalt  }
0x79: {  	_ =	shalt  }
0x7a: {  	_ =	shalt  }
0x7b: {  	_ =	shalt  }
0x7c: {  	_ =	shalt  }
0x7d: {  	_ =	shalt  }
0x7e: {  	_ =	shalt  }
0x7f: {  	_ =	shalt  }
0x80: {  	_ =	shalt  }
0x81: {  	_ =	shalt  }
0x82: {  	_ =	shalt  }
0x83: {  	_ =	shalt  }
0x84: {  	_ =	shalt  }
0x85: {  	_ =	shalt  }
0x86: {  	_ =	shalt  }
0x87: {  	_ =	shalt  }
.Lfunc_end0:
.L_simem_size_0:
called_computation.1_lowered:
.L_overlay_start_0:
0x88: {  	s2 =	sld [smem:$0x3FD9]  }
0x89: {  	s3 =	sld [smem:$0x3FFE];
	_ =	sdelay $0x1  }
0x8a: {  	s1 =	srdreg.scid  }
0x8b: {  	s0 =	sand.u32 $0x1, s1  }
0x8c: {  	s16 =	sshll.u32 s0, $0xA;
	s2 =	sadd.s32 s3, s2  }
0x8d: {  	s2 =	sadd.s32 s2, s16  }
0x8e: {  	[smem:$0x3FC0] =	sst s2  }
0x8f: {  	_ = 	snop  }
0x90: {  	(tm) =	ssettm $0x1  }
0x91: {  	s17 =	sld [smem:$0x3FFB];
	_ =	sdelay $0x3  }
0x92: {  	_ =	strace s17  }
0x93: {  	s2 =	sld [smem:$0x3FFC];
	_ =	sdelay $0x3  }
0x94: {  	_ =	strace s2  }
0x95: {  	s2 =	sld [smem:$0x3FFD];
	_ =	sdelay $0x3  }
0x96: {  	_ =	strace s2  }
0x97: {  	_ =	strace $0x8FFFFFFF  }
0x98: {  	s18 =	sld [smem:$0x3FDB];
	_ =	sdelay $0x1  }
0x99: {  	s19 =	simm.s32 $_scs_section_size  }
0x9a: {  	s4 =	simm.s32 $_size__tile_overlayer_lowered;
	s5 =	simm.s32 $_tile_overlayer_lowered  }
0x9b: {  	s22 =	simm.s32 $0x1BFF;
	s21 =	sshll.u32 s5, $0x1;
	s2 =	sadd.s32 s19, s18  }
0x9c: {  	s6 =	simm.s32 $0x0;
	s20 =	sshll.u32 s4, $0x1;
	s4 =	sadd.s32 s21, s2  }
0x9d: {  	[timem:s6], [sflag:s22] =	dma.local [hbm:s4], s20  }
0x9e: {  	_ =	swait.ge [sflag:s22], s20  }
0x9f: {  	s3 =	ssub.s32 $0x0, s20;
	[sflag:s22] =	ssyncset.done $0x0  }
0xa0: {  	[sflag:s22] =	ssyncadd.s32 s3;
	_ =	sdelay $0x1  }
0xa1: {  	s23 =	simm.s32 $0x1B8B  }
0xa2: {  	_ =	swait.ge [sflag:s23], $0x1  }
0xa3: {  	[sflag:s23] =	ssyncset.done $0x0  }
0xa4: {  	s25 =	simm.s32 $0x1B8E;
	s24 =	sld [smem:$0x3FFE];
	[sflag:s23] =	ssyncadd.s32 $0xFFFFFFFF  }
0xa5: {  	s26 =	simm.s32 $execute0_lowered;
	[smem:$0x3FD2] =	sst s25  }
0xa6: {  	s4 =	sshll.u32 s26, $0x1;
	_ =	strace $0x80000049;
	[dreg:$0x1] =	wrdreg $0xFFFFFFFF  }
0xa7: {  	s28 =	simm.s32 $_size_execute0_lowered;
	s2 =	sadd.s32 s2, s4;
	[dreg:$0x0] =	wrdreg $0x0  }
0xa8: {  	s4 =	sshll.u32 s28, $0x1;
	[dreg:$0x2] =	wrdreg s2  }
0xa9: {  	[dreg:$0x3] =	wrdreg s4  }
0xaa: {  	[dreg:$0x4] =	wrdreg $0xC0  }
0xab: {  	_ =	task [dreg:s6], $0x5FFFF  }
0xac: {  	[dreg:$0x1] =	wrdreg $0xFFFFFFFF  }
0xad: {  	[dreg:$0x0] =	wrdreg $0x60  }
0xae: {  	[dreg:$0x2] =	wrdreg s24  }
0xaf: {  	[dreg:$0x3] =	wrdreg $0xA5000  }
0xb0: {  	[dreg:$0x4] =	wrdreg $0x9  }
0xb1: {  	_ =	task.clear_ibuf [dreg:s6], $0x5FFFF;
	_ =	strace $0x90000049  }
0xb2: {  	s29 =	simm.s32 $0x9;
	_ =	strace $0x8000004B  }
0xb3: {  	_ =	swait.ge [sflag:s29], $0x1  }
0xb4: {  	[sflag:s29] =	ssyncadd.s32 $0xFFFFFFFF  }
0xb5: {  	_ =	strace $0x9000004B  }
0xb6: {  	_ =	sfence  }
0xb7: {  	s30 =	sld [smem:$0x0];
	_ =	sdelay $0x2  }
0xb8: {  	s31 =	sshll.u32 s1, $0xD;
	s1 =	sshrl.u32 s1, $0x2  }
0xb9: {  	s3 =	sand.u32 $0x4000, s31;
	s1 =	sadd.s32 s1, s30  }
0xba: {  	s0 =	sor.u32 s3, s0;
	s1 =	sshll.u32 s1, $0x11  }
0xbb: {  	s0 =	sor.u32 s1, s0  }
0xbc: {  	s0 =	sadd.s32 $0x8F2B, s0  }
0xbd: {  	[sflag:s0] =	ssyncadd.remote.s32 $0x1  }
0xbe: {  	_ =	sfence.sel $0xFFFF  }
0xbf: {  	[dreg:$0x0] =	wrdreg $0xFFFFFFFF;
	(pc) =	sbr.abs _section_cstart, $3  }
0xc0: {  	[dreg:$0x1] =	wrdreg $0xFFFFFFFF  }
0xc1: {  	_ =	task.clear_ibuf [dreg:s6], $0x2FFFF;
	_ =	strace $0x9FFFFFFF  }
0xc2: {  	(tm) =	ssettm $0x7FFFFFFF  }
0xc3: {  	_ =	shalt  }
tec
execute0_lowered:
.L_overlay_start_1:
0x0: {  	(tag) =	ssettag $0x1  }
0x1: {  	s0 =	rddreg [dreg:$0x0]  }
0x2: {  	s1 =	rddreg [dreg:$0x1];
	s2 =	simm.s32 $0x0  }
0x3: {  	s3 =	srdreg.scid;
	s23 =	stileid.u32;
	s21 =	simm.s32 $0x50  }
0x4: {  	s29 =	simm.s32 $0x2;
	s31 =	simm.s32 $0x18;
	[smem:$0x7FF] =	sst s2  }
0x5: {  	s4 =	sadd.s32 $0x63A00, s0;
	s17 =	sadd.s32 $0x1C00, s0;
	s3 =	sand.u32 $0x1, s3  }
0x6: {  	s18 =	sadd.s32 $0xBA00, s0;
	s14 =	smul.u32 $0x13C00, s23;
	s26 =	sadd.s32 $0x8AC00, s0  }
0x7: {  	s0 =	sadd.s32 $0x8D400, s0;
	s28 =	sshll.u32 s23, $0x6;
	s19 =	smul.u32 $0x2710, s23  }
0x8: {  	p0 =	seq.s32 s23, $0xF;
	_ =	strace $0x8000004A;
	s5 =	sshll.u32 s3, $0x4  }
0x9: {  	s6 =	ssub.s32 $0x2, s3;
	[dreg:$0x3] =	wrdreg s26;
	s15 =	smul.u32 $0x138800, s3  }
0xa: {  	s3 =	smul.u32 $0x27100, s3;
	s7 =	sor.u32 s23, s5;
	s8 =	sshrl.u32 s6, $0x1  }
0xb: {  	s26 =	simm.s32 $0x1;
	s9 =	smul.u32 $0x2710, s7;
	s16 =	ssub.s32 s6, s8  }
0xc: {  	s6 =	sadd.s32 s14, s1;
	s7 =	sor.u32 $0x1C19, s28;
	s14 =	sadd.s32 s14, s15  }
0xd: {  	s15 =	sshrl.u32 s15, $0x3;
	s3 =	sadd.s32 s19, s3;
	s19 =	simm.s32 $0x19  }
0xe: {  	s14 =	sshrl.u32 s14, $0x3;
	s3 =	sadd.s32 $0xF0, s3;
	s16 =	smax.u32 s16, $0x1  }
0xf: {  	s12 =	sshrl.u32 s9, $0x3;
	s14 =	sadd.s32 s0, s14;
	s0 =	sadd.s32 s0, s15  }
0x10: {  	s3 =	sshrl.u32 s3, $0x3;
	s30 =	sadd.s32 s17, s12;
	s11 =	sadd.s32 $0xA, s12  }
.Ltmp0:
0x11: {  	s9 =	sadd.s32 s18, s12;
	s13 =	sadd.s32 $0x14, s12;
	(pc) =	sbr.rel .LBB2_1-.Ltmp0, $4  }
0x12: {  	s15 =	sadd.s32 $0x25080, s0;
	s0 =	sadd.s32 $0x128400, s1;
	s22 =	sadd.s32 s3, s18  }
0x13: {  	s20 =	sadd.s32 s3, s17;
	s3 =	simm.s32 $0x0;
	[dreg:$0x4] =	wrdreg s30  }
0x14: {  	s10 =	sadd.s32 s17, s11;
	s11 =	sadd.s32 s18, s11;
	s12 =	sadd.s32 s17, s13  }
0x15: {  	s13 =	sadd.s32 s18, s13;
	s25 =	sshrl.u32 @p0 s0, $0x3;
	s0 =	simm.s32 $0x15  }
.LBB2_7:
0x16: {  	_ =	swait.ge [sflag:s31], $0x2800  }
0x17: {  	[sflag:s31] =	ssyncset.done $0x0  }
0x18: {  	[sflag:s31] =	ssyncadd.s32 $0xFFFFD800  }
0x19: {  	_ =	swait.ge [sflag:s0], $0x2800  }
0x1a: {  	[sflag:s0] =	ssyncset.done $0x0  }
0x1b: {  	[sflag:s0] =	ssyncadd.s32 $0xFFFFD800  }
0x1c: {  	s5 =	simm.s32 @p0 $0x19;
	[bflag:$0x0] =	sbarrier.arrive $0xFFFF  }
0x1d: {  	[hbm:s15], [sflag:s7] =	dma.local @p0 [spmem:s25], $0x2080  }
0x1e: {  	_ =	swait.ge @p0 [sflag:s5], $0x2080  }
0x1f: {  	s3 =	sadd.s32 $0x1, s3;
	[sflag:s5] =	ssyncset.done @p0 $0x0  }
0x20: {  	p1 =	sne.s32 s3, s16;
	[sflag:s5] =	ssyncadd.s32 @p0 $0xFFFFDF80;
	s5 =	sshrl.u32 @!p0 s6, $0x3  }
0x21: {  	[hbm:s14], [sflag:s7] =	dma.local @!p0 [spmem:s5], $0x2780  }
.Ltmp1:
0x22: {  	_ = 	snop;
	(pc) =	sbr.rel @!p1 .LBB2_8-.Ltmp1, $4  }
0x23: {  	s5 =	simm.s32 @!p0 $0x19  }
0x24: {  	_ =	swait.ge @!p0 [sflag:s5], $0x2780  }
0x25: {  	[sflag:s5] =	ssyncset.done @!p0 $0x0  }
0x26: {  	[sflag:s5] =	ssyncadd.s32 @!p0 $0xFFFFD880  }
.LBB2_1:
0x27: {  	s17 =	sshrl.u32 s6, $0x3;
	s5 =	rddreg [dreg:$0x3]  }
0x28: {  	[spmem:s17], [sflag:s7] =	dma.local [hbm:s5], $0x2780  }
0x29: {  	_ =	swait.ge [sflag:s19], $0x2780  }
0x2a: {  	[sflag:s19] =	ssyncset.done $0x0  }
0x2b: {  	s8 =	rddreg [dreg:$0x4];
	[sflag:s19] =	ssyncadd.s32 $0xFFFFD880  }
0x2c: {  	[tilespmem:s2], [sflag:$0x1] =	stream.linear.gather [hbm4b:s8+s2], $0x50, $0x38;
	[tilespmem:$0x1E100] =	vst v63  }
0x2d: {  	s17 =	simm.s32 $0x280  }
0x2e: {  	[tilespmem:s17], [sflag:$0x9] =	stream.linear.gather [hbm4b:s9+s2], $0x50, $0x38;
	[tilespmem:$0x1E100] =	vst v63  }
0x2f: {  	_ = 	snop  }
0x30: {  	[tilespmem:s21], [sflag:$0x2] =	stream.linear.gather [hbm4b:s10+s2], $0x50, $0x38;
	[tilespmem:$0x1E100] =	vst v63  }
0x31: {  	s18 =	simm.s32 $0x2D0  }
0x32: {  	[tilespmem:s18], [sflag:$0xA] =	stream.linear.gather [hbm4b:s11+s2], $0x50, $0x38;
	[tilespmem:$0x1E100] =	vst v63  }
0x33: {  	s23 =	simm.s32 $0xA0  }
0x34: {  	[tilespmem:s23], [sflag:$0x3] =	stream.linear.gather [hbm4b:s12+s2], $0x50, $0x38;
	[tilespmem:$0x1E100] =	vst v63  }
0x35: {  	s24 =	simm.s32 $0x320  }
0x36: {  	[tilespmem:s24], [sflag:$0xB] =	stream.linear.gather [hbm4b:s13+s2], $0x50, $0x38;
	[tilespmem:$0x1E100] =	vst v63  }
0x37: {  	[bflag:$0x0] =	sbarrier.arrive $0xFFFF  }
0x38: {  	_ =	swait.ge [sflag:s26], $0x50  }
0x39: {  	[sflag:s26] =	ssyncset.done $0x0  }
0x3a: {  	s28 =	simm.s32 $0x500;
	[sflag:s26] =	ssyncadd.s32 $0xFFFFFFB0  }
0x3b: {  	[tilespmem:s28], [sflag:$0x11] =	stream.indirect.gather [hbm4b:s4+s21], $0x80, s2, s21, $0xb8;
	[tilespmem:$0x1E100] =	vst v63  }
.Ltmp2:
0x3c: {  	_ = 	snop;
	(pc) =	sbr.rel .LBB2_2-.Ltmp2, $4  }
0x3d: {  	_ =	swait.ge [sflag:s29], $0x50  }
0x3e: {  	s30 =	simm.s32 $0x2D00;
	s17 =	smov.u32 s22;
	[sflag:s29] =	ssyncset.done $0x0  }
0x3f: {  	s18 =	smov.u32 s20;
	s23 =	simm.s32 $0x0;
	[sflag:s29] =	ssyncadd.s32 $0xFFFFFFB0  }
0x40: {  	[tilespmem:s30], [sflag:$0x12] =	stream.indirect.gather [hbm4b:s4+s21], $0x80, s21, s21, $0xb8;
	[tilespmem:$0x1E100] =	vst v63  }
.LBB2_3:
0x41: {  	s28 =	sadd.s32 $0x3, s23  }
0x42: {  	s28 =	sand.u32 $0x7, s28  }
0x43: {  	s30 =	smul.u32 $0x50, s28  }
0x44: {  	s5 =	sadd.s32 $0x1, s28  }
0x45: {  	[tilespmem:s30], [sflag:s5] =	stream.linear.gather [hbm4b:s18+s2], $0x50, $0x38;
	[tilespmem:$0x1E100] =	vst v63  }
0x46: {  	s28 =	sadd.s32 $0x9, s28;
	s30 =	sadd.s32 $0x280, s30  }
0x47: {  	[tilespmem:s30], [sflag:s28] =	stream.linear.gather [hbm4b:s17+s2], $0x50, $0x38;
	[tilespmem:$0x1E100] =	vst v63  }
.LBB2_5:
0x48: {  	s5 =	sadd.s32 $0x2, s23  }
0x49: {  	s28 =	sand.u32 $0x7, s5  }
0x4a: {  	s5 =	sand.u32 $0x3, s5;
	s30 =	smul.u32 $0x140, s28  }
0x4b: {  	s28 =	sadd.s32 $0x1, s28;
	s8 =	smul.u32 $0xA000, s5  }
0x4c: {  	_ =	swait.ge [sflag:s28], $0x50  }
0x4d: {  	s5 =	sadd.s32 $0x11, s5;
	[sflag:s28] =	ssyncset.done $0x0;
	s8 =	sshrl.u32 s8, $0x2  }
0x4e: {  	s30 =	sshrl.u32 s30, $0x2;
	[sflag:s28] =	ssyncadd.s32 $0xFFFFFFB0;
	s8 =	sor.u32 $0x500, s8  }
0x4f: {  	[tilespmem:s8], [sflag:s5] =	stream.indirect.gather [hbm4b:s4+s21], $0x80, s30, s21, $0xb8;
	[tilespmem:$0x1E100] =	vst v63  }
.LBB2_6:
0x50: {  	s5 =	sadd.s32 $0x11, s24;
	s8 =	smul.u32 $0xA000, s24;
	s28 =	sand.u32 $0x7, s23  }
0x51: {  	s23 =	sadd.s32 $0x1, s23;
	_ =	swait.ge [sflag:s5], $0x2800;
	s30 =	sadd.s32 $0x9, s28  }
0x52: {  	s28 =	smul.u32 $0x140, s28;
	p1 =	sne.s32 s23, $0x7D;
	[sflag:s5] =	ssyncset.done $0x0  }
.Ltmp3:
0x53: {  	s17 =	sadd.s32 $0xA, s17;
	[sflag:s5] =	ssyncadd.s32 $0xFFFFD800;
	(pc) =	sbr.rel @!p1 .LBB2_7-.Ltmp3, $4  }
0x54: {  	s18 =	sadd.s32 $0xA, s18;
	s8 =	sshrl.u32 s8, $0x2;
	_ =	swait.ge [sflag:s30], $0x50  }
0x55: {  	s8 =	sor.u32 $0x500, s8;
	s28 =	sshrl.u32 s28, $0x2;
	[sflag:s30] =	ssyncset.done $0x0  }
0x56: {  	s28 =	sadd.s32 $0x280, s28;
	[sflag:s30] =	ssyncadd.s32 $0xFFFFFFB0;
	s30 =	sadd.s32 $0x15, s24  }
0x57: {  	[spmem:s1] =	stream.indirect.scatter.add.f32 [tilespmem:s8], [sflag:s30], $0x80, s28, s21, $0xb8;
	[tilespmem:$0x1E100] =	vst v63  }
.LBB2_2:
0x58: {  	p1 =	slt.u32 s23, $0x2  }
0x59: {  	p2 =	sgt.u32 @!p1 s23, $0x79  }
0x5a: {  	s24 =	sand.u32 $0x3, s23;
	p2 =	por p1, !p2  }
.Ltmp4:
0x5b: {  	s28 =	sxor.u32 @!p1 $0x2, s24;
	(pc) =	sbr.rel @p2 .LBB2_3-.Ltmp4, $4  }
0x5c: {  	s28 =	sadd.s32 @!p1 $0x15, s28  }
0x5d: {  	_ =	swait.ge @!p1 [sflag:s28], $0x2800  }
0x5e: {  	[sflag:s28] =	ssyncset.done @!p1 $0x0  }
0x5f: {  	[sflag:s28] =	ssyncadd.s32 @!p1 $0xFFFFD800  }
0x60: {  	p1 =	sne.s32 s23, $0x7A  }
.Ltmp5:
0x61: {  	_ = 	snop;
	(pc) =	sbr.rel @p1 .LBB2_6-.Ltmp5, $4  }
.Ltmp6:
0x62: {  	_ = 	snop;
	(pc) =	sbr.rel @!p1 .LBB2_5-.Ltmp6, $4  }
0x63: {  	_ = 	snop  }
0x64: {  	_ = 	snop  }
0x65: {  	_ = 	snop  }
0x66: {  	_ = 	snop  }
.LBB2_8:
0x67: {  	_ =	sfence.sel $0x180000  }
0x68: {  	[bflag:$0x0] =	sbarrier.arrive $0xFFFF  }
0x69: {  	_ =	strace $0x9000004A  }
0x6a: {  	s0 =	stileid.u32;
	[bflag:$0x2] =	sbarrier.arrive $0xFFFF  }
0x6b: {  	p0 =	sne.s32 s0, $0x0;
	s0 =	rddreg [dreg:$0x2]  }
0x6c: {  	s0 =	sadd.s32 @!p0 $0x100000, s0  }
0x6d: {  	[sflag:s0] =	ssyncadd.tile.s32 @!p0 $0x1;
	_ =	shalt  }
.Lfunc_end2:
_tile_overlayer_lowered:
.L_overlay_start_2:
0x6e: {  	(tag) =	ssettag $0x2  }
0x6f: {  	s0 =	rddreg [dreg:$0x0];
	s2 =	stileid.u32  }
0x70: {  	s1 =	rddreg [dreg:$0x1];
	p0 =	sne.s32 s2, $0x0  }
0x71: {  	s3 =	rddreg [dreg:$0x2];
	[bflag:$0x3] =	sbarrier.arrive $0xFFFF;
	s2 =	simm.s32 @!p0 $0x1C19  }
0x72: {  	[timem:s3], [sflag:s2] =	dma.local @!p0 [hbm:s0], s1  }
0x73: {  	s0 =	simm.s32 @!p0 $0x19  }
0x74: {  	_ =	swait.ge @!p0 [sflag:s0], s1  }
0x75: {  	s1 =	ssub.s32 @!p0 $0x0, s1;
	[sflag:s0] =	ssyncset.done @!p0 $0x0  }
0x76: {  	[sflag:s0] =	ssyncadd.s32 @!p0 s1  }
0x77: {  	[bflag:$0x3] =	sbarrier.arrive $0xFFFF  }
0x78: {  	_ =	shalt  }

// kernel: kernel.15.cloned.1.call-start
scs
__scs_entry_jumppad:
0x0: {  	(pc) =	sbr.rel $0x88, $3  }
0x1: {  	(tag) =	ssettag $0x0;
	lr =	simm.s32 $0x1  }
0x2: {  	[smem:$0x3F99] =	sst lr;
	_ =	strace $0xD0000000  }
0x3: {  	_ = 	snop  }
0x4: {  	_ = 	snop  }
0x5: {  	_ = 	snop  }
0x6: {  	_ = 	snop  }
0x7: {  	_ = 	snop  }
__scs_overlays_trampoline_lowered:
0x8: {  	[smem:$0x3FA8] =	sst s0  }
0x9: {  	[smem:$0x3FA9] =	sst s1  }
0xa: {  	[smem:$0x3FAA] =	sst s2  }
0xb: {  	[smem:$0x3FAB] =	sst s3  }
0xc: {  	[smem:$0x3FAC] =	sst s4  }
0xd: {  	[smem:$0x3FAD] =	sst s5  }
0xe: {  	[smem:$0x3FAE] =	sst s6  }
0xf: {  	[smem:$0x3FAF] =	sst s7  }
0x10: {  	[smem:$0x3FB0] =	sst s8  }
0x11: {  	[smem:$0x3FB1] =	sst s9;
	s0 =	simm.s32 @!p0 $0x0  }
0x12: {  	s1 =	sld [smem:$0x3F97];
	s0 =	simm.s32 @p0 $0x1  }
0x13: {  	[smem:$0x3FB2] =	sst s0;
	s0 =	simm.s32 @!p1 $0x0  }
0x14: {  	s2 =	sld [smem:$0x3F96];
	s0 =	simm.s32 @p1 $0x1  }
0x15: {  	[smem:$0x3FB3] =	sst s0;
	s0 =	simm.s32 @!p2 $0x0  }
0x16: {  	s3 =	sld [smem:$0x3FDB];
	s0 =	simm.s32 @p2 $0x1  }
0x17: {  	s4 =	simm.s32 $0x1BF5;
	[smem:$0x3FB5] =	sst s0  }
0x18: {  	s0 =	sld [smem:$0x3F98];
	_ =	swait.ge [sflag:s4], $0x0  }
0x19: {  	s7 =	sld [smem:$0x3F99]  }
0x1a: {  	s8 =	sadd.s32 $0xFFFFE003, lr  }
0x1b: {  	s9 =	sadd.s32 $0xFFFFFEF7, lr;
	s5 =	simm.s32 $0xFFFFFFFF;
	p2 =	slt.u32 s8, $0xFFFFF086  }
0x1c: {  	p1 =	slt.u32 s9, $0xF7A;
	s5 =	simm.s32 @!p2 $0x0  }
0x1d: {  	s5 =	simm.s32 @p1 $0x1;
	p0 =	seq.s32 s7, s2  }
0x1e: {  	s7 =	smul.u32 @!p0 $0xF7A, s2;
	p2 =	seq.s32 @!p0 s5, $0x0  }
0x1f: {  	s9 =	smul.u32 $0xF7A, s1;
	s8 =	simm.s32 @!p0 $0x1BF5;
	p2 =	por !p2, p0  }
0x20: {  	[sflag:s8] =	ssyncset.s32 @!p0 $0xFFFFF086;
	s6 =	sadd.s32 @!p0 s3, s7;
	s7 =	simm.s32 @!p0 $0x108  }
0x21: {  	s3 =	sadd.s32 s3, s9;
	s6 =	sadd.s32 @!p0 $0x88, s6;
	s7 =	simm.s32 @p2 $0x1082  }
0x22: {  	[simem:s7], [sflag:s8] =	dma.local @!p0 [hbm:s6], $0xF7A  }
0x23: {  	s9 =	sor.u32 $0xD0000000, s2;
	s6 =	simm.s32 $0x108;
	_ =	swait.ge @!p0 [sflag:s8], $0x0  }
0x24: {  	s3 =	sadd.s32 $0x88, s3;
	s6 =	simm.s32 @!p1 $0x1082;
	[sflag:s4] =	ssyncset.s32 $0xFFFFF086  }
0x25: {  	[simem:s6], [sflag:s4] =	dma.local [hbm:s3], $0xF7A  }
0x26: {  	[smem:$0x3F99] =	sst s1;
	(tag) =	ssettag s2;
	_ =	strace s9  }
0x27: {  	s1 =	sld [smem:$0x3FA9]  }
0x28: {  	s2 =	sld [smem:$0x3FAA]  }
0x29: {  	s4 =	sld [smem:$0x3FAC]  }
0x2a: {  	p0 =	seq.s32 s5, $0x0;
	s5 =	sld [smem:$0x3FAD]  }
0x2b: {  	s6 =	sld [smem:$0x3FAE]  }
0x2c: {  	s7 =	sld [smem:$0x3FAF]  }
0x2d: {  	s3 =	simm.s32 $0x108;
	s8 =	sld [smem:$0x3FB0]  }
0x2e: {  	s3 =	simm.s32 @!p0 $0x1082;
	s9 =	sld [smem:$0x3FB1]  }
0x2f: {  	lr =	sadd.s32 s0, s3;
	s0 =	sld [smem:$0x3FA8]  }
0x30: {  	s3 =	sld [smem:$0x3FAB]  }
0x31: {  	[smem:$0x3FB4] =	sst s10  }
0x32: {  	s10 =	sld [smem:$0x3FB2];
	_ =	sdelay $0x3  }
0x33: {  	p0 =	seq.s32 s10, $0x1;
	s10 =	sld [smem:$0x3FB4];
	_ =	sdelay $0x3  }
0x34: {  	[smem:$0x3FB4] =	sst s10  }
0x35: {  	s10 =	sld [smem:$0x3FB3];
	_ =	sdelay $0x3  }
0x36: {  	p1 =	seq.s32 s10, $0x1;
	s10 =	sld [smem:$0x3FB4];
	_ =	sdelay $0x3  }
0x37: {  	[smem:$0x3FB4] =	sst s10  }
0x38: {  	s10 =	sld [smem:$0x3FB5]  }
0x39: {  	_ = 	snop;
	(pc) =	sbr.ind lr, $3  }
0x3a: {  	_ = 	snop  }
0x3b: {  	_ = 	snop  }
0x3c: {  	p2 =	seq.s32 s10, $0x1;
	s10 =	sld [smem:$0x3FB4]  }
0x3d: {  	_ =	shalt  }
0x3e: {  	_ =	shalt  }
0x3f: {  	_ =	shalt  }
0x40: {  	_ =	shalt  }
0x41: {  	_ =	shalt  }
0x42: {  	_ =	shalt  }
0x43: {  	_ =	shalt  }
0x44: {  	_ =	shalt  }
0x45: {  	_ =	shalt  }
0x46: {  	_ =	shalt  }
0x47: {  	_ =	shalt  }
0x48: {  	_ =	shalt  }
0x49: {  	_ =	shalt  }
0x4a: {  	_ =	shalt  }
0x4b: {  	_ =	shalt  }
0x4c: {  	_ =	shalt  }
0x4d: {  	_ =	shalt  }
0x4e: {  	_ =	shalt  }
0x4f: {  	_ =	shalt  }
0x50: {  	_ =	shalt  }
0x51: {  	_ =	shalt  }
0x52: {  	_ =	shalt  }
0x53: {  	_ =	shalt  }
0x54: {  	_ =	shalt  }
0x55: {  	_ =	shalt  }
0x56: {  	_ =	shalt  }
0x57: {  	_ =	shalt  }
0x58: {  	_ =	shalt  }
0x59: {  	_ =	shalt  }
0x5a: {  	_ =	shalt  }
0x5b: {  	_ =	shalt  }
0x5c: {  	_ =	shalt  }
0x5d: {  	_ =	shalt  }
0x5e: {  	_ =	shalt  }
0x5f: {  	_ =	shalt  }
0x60: {  	_ =	shalt  }
0x61: {  	_ =	shalt  }
0x62: {  	_ =	shalt  }
0x63: {  	_ =	shalt  }
0x64: {  	_ =	shalt  }
0x65: {  	_ =	shalt  }
0x66: {  	_ =	shalt  }
0x67: {  	_ =	shalt  }
0x68: {  	_ =	shalt  }
0x69: {  	_ =	shalt  }
0x6a: {  	_ =	shalt  }
0x6b: {  	_ =	shalt  }
0x6c: {  	_ =	shalt  }
0x6d: {  	_ =	shalt  }
0x6e: {  	_ =	shalt  }
0x6f: {  	_ =	shalt  }
0x70: {  	_ =	shalt  }
0x71: {  	_ =	shalt  }
0x72: {  	_ =	shalt  }
0x73: {  	_ =	shalt  }
0x74: {  	_ =	shalt  }
0x75: {  	_ =	shalt  }
0x76: {  	_ =	shalt  }
0x77: {  	_ =	shalt  }
0x78: {  	_ =	shalt  }
0x79: {  	_ =	shalt  }
0x7a: {  	_ =	shalt  }
0x7b: {  	_ =	shalt  }
0x7c: {  	_ =	shalt  }
0x7d: {  	_ =	shalt  }
0x7e: {  	_ =	shalt  }
0x7f: {  	_ =	shalt  }
0x80: {  	_ =	shalt  }
0x81: {  	_ =	shalt  }
0x82: {  	_ =	shalt  }
0x83: {  	_ =	shalt  }
0x84: {  	_ =	shalt  }
0x85: {  	_ =	shalt  }
0x86: {  	_ =	shalt  }
0x87: {  	_ =	shalt  }
.Lfunc_end0:
.L_simem_size_0:
called_computation.2_lowered:
.L_overlay_start_0:
0x88: {  	s2 =	sld [smem:$0x3FD9]  }
0x89: {  	s3 =	sld [smem:$0x3FFE];
	_ =	sdelay $0x1  }
0x8a: {  	s1 =	srdreg.scid  }
0x8b: {  	s0 =	sand.u32 $0x1, s1  }
0x8c: {  	s16 =	sshll.u32 s0, $0xA;
	s2 =	sadd.s32 s3, s2  }
0x8d: {  	s2 =	sadd.s32 s2, s16  }
0x8e: {  	[smem:$0x3FC0] =	sst s2  }
0x8f: {  	_ = 	snop  }
0x90: {  	(tm) =	ssettm $0x1  }
0x91: {  	s17 =	sld [smem:$0x3FFB];
	_ =	sdelay $0x3  }
0x92: {  	_ =	strace s17  }
0x93: {  	s2 =	sld [smem:$0x3FFC];
	_ =	sdelay $0x3  }
0x94: {  	_ =	strace s2  }
0x95: {  	s2 =	sld [smem:$0x3FFD];
	_ =	sdelay $0x3  }
0x96: {  	_ =	strace s2  }
0x97: {  	_ =	strace $0x8FFFFFFF  }
0x98: {  	s18 =	sld [smem:$0x3FDB];
	_ =	sdelay $0x1  }
0x99: {  	s19 =	simm.s32 $_scs_section_size  }
0x9a: {  	s4 =	simm.s32 $_size__tile_overlayer_lowered;
	s5 =	simm.s32 $_tile_overlayer_lowered  }
0x9b: {  	s22 =	simm.s32 $0x1BFF;
	s21 =	sshll.u32 s5, $0x1;
	s2 =	sadd.s32 s19, s18  }
0x9c: {  	s6 =	simm.s32 $0x0;
	s20 =	sshll.u32 s4, $0x1;
	s4 =	sadd.s32 s21, s2  }
0x9d: {  	[timem:s6], [sflag:s22] =	dma.local [hbm:s4], s20  }
0x9e: {  	_ =	swait.ge [sflag:s22], s20  }
0x9f: {  	s3 =	ssub.s32 $0x0, s20;
	[sflag:s22] =	ssyncset.done $0x0  }
0xa0: {  	[sflag:s22] =	ssyncadd.s32 s3;
	_ =	sdelay $0x1  }
0xa1: {  	s23 =	simm.s32 $0x1B8B  }
0xa2: {  	_ =	swait.ge [sflag:s23], $0x1  }
0xa3: {  	[sflag:s23] =	ssyncset.done $0x0  }
0xa4: {  	s25 =	simm.s32 $0x1B8E;
	s24 =	sld [smem:$0x3FFE];
	[sflag:s23] =	ssyncadd.s32 $0xFFFFFFFF  }
0xa5: {  	s26 =	simm.s32 $execute0_lowered;
	[smem:$0x3FD2] =	sst s25  }
0xa6: {  	s4 =	sshll.u32 s26, $0x1;
	_ =	strace $0x8000004C;
	[dreg:$0x1] =	wrdreg $0xFFFFFFFF  }
0xa7: {  	s28 =	simm.s32 $_size_execute0_lowered;
	s2 =	sadd.s32 s2, s4;
	[dreg:$0x0] =	wrdreg $0x0  }
0xa8: {  	s4 =	sshll.u32 s28, $0x1;
	[dreg:$0x2] =	wrdreg s2  }
0xa9: {  	[dreg:$0x3] =	wrdreg s4  }
0xaa: {  	[dreg:$0x4] =	wrdreg $0xC0  }
0xab: {  	_ =	task [dreg:s6], $0x5FFFF  }
0xac: {  	[dreg:$0x1] =	wrdreg $0xFFFFFFFF  }
0xad: {  	[dreg:$0x0] =	wrdreg $0x60  }
0xae: {  	[dreg:$0x2] =	wrdreg s24  }
0xaf: {  	[dreg:$0x3] =	wrdreg $0x55000  }
0xb0: {  	[dreg:$0x4] =	wrdreg $0x9  }
0xb1: {  	_ =	task.clear_ibuf [dreg:s6], $0x5FFFF;
	_ =	strace $0x9000004C  }
0xb2: {  	s29 =	simm.s32 $0x9;
	_ =	strace $0x8000004E  }
0xb3: {  	_ =	swait.ge [sflag:s29], $0x1  }
0xb4: {  	[sflag:s29] =	ssyncadd.s32 $0xFFFFFFFF  }
0xb5: {  	_ =	strace $0x9000004E  }
0xb6: {  	_ =	sfence  }
0xb7: {  	s30 =	sld [smem:$0x0];
	_ =	sdelay $0x2  }
0xb8: {  	s31 =	sshll.u32 s1, $0xD;
	s1 =	sshrl.u32 s1, $0x2  }
0xb9: {  	s3 =	sand.u32 $0x4000, s31;
	s1 =	sadd.s32 s1, s30  }
0xba: {  	s0 =	sor.u32 s3, s0;
	s1 =	sshll.u32 s1, $0x11  }
0xbb: {  	s0 =	sor.u32 s1, s0  }
0xbc: {  	s0 =	sadd.s32 $0x8F2B, s0  }
0xbd: {  	[sflag:s0] =	ssyncadd.remote.s32 $0x1  }
0xbe: {  	_ =	sfence.sel $0xFFFF  }
0xbf: {  	[dreg:$0x0] =	wrdreg $0xFFFFFFFF;
	(pc) =	sbr.abs _section_cstart, $3  }
0xc0: {  	[dreg:$0x1] =	wrdreg $0xFFFFFFFF  }
0xc1: {  	_ =	task.clear_ibuf [dreg:s6], $0x2FFFF;
	_ =	strace $0x9FFFFFFF  }
0xc2: {  	(tm) =	ssettm $0x7FFFFFFF  }
0xc3: {  	_ =	shalt  }
tec
execute0_lowered:
.L_overlay_start_1:
0x0: {  	(tag) =	ssettag $0x1  }
0x1: {  	s0 =	rddreg [dreg:$0x0]  }
0x2: {  	s1 =	rddreg [dreg:$0x1];
	s2 =	simm.s32 $0x0  }
0x3: {  	s3 =	srdreg.scid;
	s23 =	stileid.u32;
	s21 =	simm.s32 $0x50  }
0x4: {  	s29 =	simm.s32 $0x2;
	s31 =	simm.s32 $0x18;
	[smem:$0x7FF] =	sst s2  }
0x5: {  	s4 =	sadd.s32 $0x63A00, s0;
	s17 =	sadd.s32 $0x1C00, s0;
	s3 =	sand.u32 $0x1, s3  }
0x6: {  	s18 =	sadd.s32 $0xBA00, s0;
	s14 =	smul.u32 $0x9E00, s23;
	s26 =	sadd.s32 $0x77400, s0  }
0x7: {  	s0 =	sadd.s32 $0x78800, s0;
	s28 =	sshll.u32 s23, $0x6;
	s19 =	smul.u32 $0x2710, s23  }
0x8: {  	p0 =	seq.s32 s23, $0xF;
	_ =	strace $0x8000004D;
	s5 =	sshll.u32 s3, $0x4  }
0x9: {  	s6 =	ssub.s32 $0x2, s3;
	[dreg:$0x3] =	wrdreg s26;
	s15 =	smul.u32 $0x9C400, s3  }
0xa: {  	s3 =	smul.u32 $0x27100, s3;
	s7 =	sor.u32 s23, s5;
	s8 =	sshrl.u32 s6, $0x1  }
0xb: {  	s26 =	simm.s32 $0x1;
	s9 =	smul.u32 $0x2710, s7;
	s16 =	ssub.s32 s6, s8  }
0xc: {  	s6 =	sadd.s32 s14, s1;
	s7 =	sor.u32 $0x1C19, s28;
	s14 =	sadd.s32 s14, s15  }
0xd: {  	s15 =	sshrl.u32 s15, $0x3;
	s3 =	sadd.s32 s19, s3;
	s19 =	simm.s32 $0x19  }
0xe: {  	s14 =	sshrl.u32 s14, $0x3;
	s3 =	sadd.s32 $0xF0, s3;
	s16 =	smax.u32 s16, $0x1  }
0xf: {  	s12 =	sshrl.u32 s9, $0x3;
	s14 =	sadd.s32 s0, s14;
	s0 =	sadd.s32 s0, s15  }
0x10: {  	s3 =	sshrl.u32 s3, $0x3;
	s30 =	sadd.s32 s17, s12;
	s11 =	sadd.s32 $0xA, s12  }
.Ltmp0:
0x11: {  	s9 =	sadd.s32 s18, s12;
	s13 =	sadd.s32 $0x14, s12;
	(pc) =	sbr.rel .LBB2_1-.Ltmp0, $4  }
0x12: {  	s15 =	sadd.s32 $0x12840, s0;
	s0 =	sadd.s32 $0x94200, s1;
	s22 =	sadd.s32 s3, s18  }
0x13: {  	s20 =	sadd.s32 s3, s17;
	s3 =	simm.s32 $0x0;
	[dreg:$0x4] =	wrdreg s30  }
0x14: {  	s10 =	sadd.s32 s17, s11;
	s11 =	sadd.s32 s18, s11;
	s12 =	sadd.s32 s17, s13  }
0x15: {  	s13 =	sadd.s32 s18, s13;
	s25 =	sshrl.u32 @p0 s0, $0x3;
	s0 =	simm.s32 $0x15  }
.LBB2_7:
0x16: {  	_ =	swait.ge [sflag:s31], $0x1400  }
0x17: {  	[sflag:s31] =	ssyncset.done $0x0  }
0x18: {  	[sflag:s31] =	ssyncadd.s32 $0xFFFFEC00  }
0x19: {  	_ =	swait.ge [sflag:s0], $0x1400  }
0x1a: {  	[sflag:s0] =	ssyncset.done $0x0  }
0x1b: {  	[sflag:s0] =	ssyncadd.s32 $0xFFFFEC00  }
0x1c: {  	s5 =	simm.s32 @p0 $0x19;
	[bflag:$0x0] =	sbarrier.arrive $0xFFFF  }
0x1d: {  	[hbm:s15], [sflag:s7] =	dma.local @p0 [spmem:s25], $0x1040  }
0x1e: {  	_ =	swait.ge @p0 [sflag:s5], $0x1040  }
0x1f: {  	s3 =	sadd.s32 $0x1, s3;
	[sflag:s5] =	ssyncset.done @p0 $0x0  }
0x20: {  	p1 =	sne.s32 s3, s16;
	[sflag:s5] =	ssyncadd.s32 @p0 $0xFFFFEFC0;
	s5 =	sshrl.u32 @!p0 s6, $0x3  }
0x21: {  	[hbm:s14], [sflag:s7] =	dma.local @!p0 [spmem:s5], $0x13C0  }
.Ltmp1:
0x22: {  	_ = 	snop;
	(pc) =	sbr.rel @!p1 .LBB2_8-.Ltmp1, $4  }
0x23: {  	s5 =	simm.s32 @!p0 $0x19  }
0x24: {  	_ =	swait.ge @!p0 [sflag:s5], $0x13C0  }
0x25: {  	[sflag:s5] =	ssyncset.done @!p0 $0x0  }
0x26: {  	[sflag:s5] =	ssyncadd.s32 @!p0 $0xFFFFEC40  }
.LBB2_1:
0x27: {  	s17 =	sshrl.u32 s6, $0x3;
	s5 =	rddreg [dreg:$0x3]  }
0x28: {  	[spmem:s17], [sflag:s7] =	dma.local [hbm:s5], $0x13C0  }
0x29: {  	_ =	swait.ge [sflag:s19], $0x13C0  }
0x2a: {  	[sflag:s19] =	ssyncset.done $0x0  }
0x2b: {  	s8 =	rddreg [dreg:$0x4];
	[sflag:s19] =	ssyncadd.s32 $0xFFFFEC40  }
0x2c: {  	[tilespmem:s2], [sflag:$0x1] =	stream.linear.gather [hbm4b:s8+s2], $0x50, $0x38;
	[tilespmem:$0xF300] =	vst v63  }
0x2d: {  	s17 =	simm.s32 $0x280  }
0x2e: {  	[tilespmem:s17], [sflag:$0x9] =	stream.linear.gather [hbm4b:s9+s2], $0x50, $0x38;
	[tilespmem:$0xF300] =	vst v63  }
0x2f: {  	_ = 	snop  }
0x30: {  	[tilespmem:s21], [sflag:$0x2] =	stream.linear.gather [hbm4b:s10+s2], $0x50, $0x38;
	[tilespmem:$0xF300] =	vst v63  }
0x31: {  	s18 =	simm.s32 $0x2D0  }
0x32: {  	[tilespmem:s18], [sflag:$0xA] =	stream.linear.gather [hbm4b:s11+s2], $0x50, $0x38;
	[tilespmem:$0xF300] =	vst v63  }
0x33: {  	s23 =	simm.s32 $0xA0  }
0x34: {  	[tilespmem:s23], [sflag:$0x3] =	stream.linear.gather [hbm4b:s12+s2], $0x50, $0x38;
	[tilespmem:$0xF300] =	vst v63  }
0x35: {  	s24 =	simm.s32 $0x320  }
0x36: {  	[tilespmem:s24], [sflag:$0xB] =	stream.linear.gather [hbm4b:s13+s2], $0x50, $0x38;
	[tilespmem:$0xF300] =	vst v63  }
0x37: {  	[bflag:$0x0] =	sbarrier.arrive $0xFFFF  }
0x38: {  	_ =	swait.ge [sflag:s26], $0x50  }
0x39: {  	[sflag:s26] =	ssyncset.done $0x0  }
0x3a: {  	s28 =	simm.s32 $0x500;
	[sflag:s26] =	ssyncadd.s32 $0xFFFFFFB0  }
0x3b: {  	[tilespmem:s28], [sflag:$0x11] =	stream.indirect.gather [hbm4b:s4+s21], $0x40, s2, s21, $0xb8;
	[tilespmem:$0xF300] =	vst v63  }
.Ltmp2:
0x3c: {  	_ = 	snop;
	(pc) =	sbr.rel .LBB2_2-.Ltmp2, $4  }
0x3d: {  	_ =	swait.ge [sflag:s29], $0x50  }
0x3e: {  	s30 =	simm.s32 $0x1900;
	s17 =	smov.u32 s22;
	[sflag:s29] =	ssyncset.done $0x0  }
0x3f: {  	s18 =	smov.u32 s20;
	s23 =	simm.s32 $0x0;
	[sflag:s29] =	ssyncadd.s32 $0xFFFFFFB0  }
0x40: {  	[tilespmem:s30], [sflag:$0x12] =	stream.indirect.gather [hbm4b:s4+s21], $0x40, s21, s21, $0xb8;
	[tilespmem:$0xF300] =	vst v63  }
.LBB2_3:
0x41: {  	s28 =	sadd.s32 $0x3, s23  }
0x42: {  	s28 =	sand.u32 $0x7, s28  }
0x43: {  	s30 =	smul.u32 $0x50, s28  }
0x44: {  	s5 =	sadd.s32 $0x1, s28  }
0x45: {  	[tilespmem:s30], [sflag:s5] =	stream.linear.gather [hbm4b:s18+s2], $0x50, $0x38;
	[tilespmem:$0xF300] =	vst v63  }
0x46: {  	s28 =	sadd.s32 $0x9, s28;
	s30 =	sadd.s32 $0x280, s30  }
0x47: {  	[tilespmem:s30], [sflag:s28] =	stream.linear.gather [hbm4b:s17+s2], $0x50, $0x38;
	[tilespmem:$0xF300] =	vst v63  }
.LBB2_5:
0x48: {  	s5 =	sadd.s32 $0x2, s23  }
0x49: {  	s28 =	sand.u32 $0x7, s5  }
0x4a: {  	s5 =	sand.u32 $0x3, s5;
	s30 =	smul.u32 $0x140, s28  }
0x4b: {  	s28 =	sadd.s32 $0x1, s28;
	s8 =	smul.u32 $0x5000, s5  }
0x4c: {  	_ =	swait.ge [sflag:s28], $0x50  }
0x4d: {  	s5 =	sadd.s32 $0x11, s5;
	[sflag:s28] =	ssyncset.done $0x0;
	s8 =	sshrl.u32 s8, $0x2  }
0x4e: {  	s30 =	sshrl.u32 s30, $0x2;
	[sflag:s28] =	ssyncadd.s32 $0xFFFFFFB0;
	s8 =	sadd.s32 $0x500, s8  }
0x4f: {  	[tilespmem:s8], [sflag:s5] =	stream.indirect.gather [hbm4b:s4+s21], $0x40, s30, s21, $0xb8;
	[tilespmem:$0xF300] =	vst v63  }
.LBB2_6:
0x50: {  	s5 =	sadd.s32 $0x11, s24;
	s8 =	smul.u32 $0x5000, s24;
	s28 =	sand.u32 $0x7, s23  }
0x51: {  	s23 =	sadd.s32 $0x1, s23;
	_ =	swait.ge [sflag:s5], $0x1400;
	s30 =	sadd.s32 $0x9, s28  }
0x52: {  	s28 =	smul.u32 $0x140, s28;
	p1 =	sne.s32 s23, $0x7D;
	[sflag:s5] =	ssyncset.done $0x0  }
.Ltmp3:
0x53: {  	s17 =	sadd.s32 $0xA, s17;
	[sflag:s5] =	ssyncadd.s32 $0xFFFFEC00;
	(pc) =	sbr.rel @!p1 .LBB2_7-.Ltmp3, $4  }
0x54: {  	s18 =	sadd.s32 $0xA, s18;
	s8 =	sshrl.u32 s8, $0x2;
	_ =	swait.ge [sflag:s30], $0x50  }
0x55: {  	s8 =	sadd.s32 $0x500, s8;
	s28 =	sshrl.u32 s28, $0x2;
	[sflag:s30] =	ssyncset.done $0x0  }
0x56: {  	s28 =	sadd.s32 $0x280, s28;
	[sflag:s30] =	ssyncadd.s32 $0xFFFFFFB0;
	s30 =	sadd.s32 $0x15, s24  }
0x57: {  	[spmem:s1] =	stream.indirect.scatter.add.f32 [tilespmem:s8], [sflag:s30], $0x40, s28, s21, $0xb8;
	[tilespmem:$0xF300] =	vst v63  }
.LBB2_2:
0x58: {  	p1 =	slt.u32 s23, $0x2  }
0x59: {  	p2 =	sgt.u32 @!p1 s23, $0x79  }
0x5a: {  	s24 =	sand.u32 $0x3, s23;
	p2 =	por p1, !p2  }
.Ltmp4:
0x5b: {  	s28 =	sxor.u32 @!p1 $0x2, s24;
	(pc) =	sbr.rel @p2 .LBB2_3-.Ltmp4, $4  }
0x5c: {  	s28 =	sadd.s32 @!p1 $0x15, s28  }
0x5d: {  	_ =	swait.ge @!p1 [sflag:s28], $0x1400  }
0x5e: {  	[sflag:s28] =	ssyncset.done @!p1 $0x0  }
0x5f: {  	[sflag:s28] =	ssyncadd.s32 @!p1 $0xFFFFEC00  }
0x60: {  	p1 =	sne.s32 s23, $0x7A  }
.Ltmp5:
0x61: {  	_ = 	snop;
	(pc) =	sbr.rel @p1 .LBB2_6-.Ltmp5, $4  }
.Ltmp6:
0x62: {  	_ = 	snop;
	(pc) =	sbr.rel @!p1 .LBB2_5-.Ltmp6, $4  }
0x63: {  	_ = 	snop  }
0x64: {  	_ = 	snop  }
0x65: {  	_ = 	snop  }
0x66: {  	_ = 	snop  }
.LBB2_8:
0x67: {  	_ =	sfence.sel $0x180000  }
0x68: {  	[bflag:$0x0] =	sbarrier.arrive $0xFFFF  }
0x69: {  	_ =	strace $0x9000004D  }
0x6a: {  	s0 =	stileid.u32;
	[bflag:$0x2] =	sbarrier.arrive $0xFFFF  }
0x6b: {  	p0 =	sne.s32 s0, $0x0;
	s0 =	rddreg [dreg:$0x2]  }
0x6c: {  	s0 =	sadd.s32 @!p0 $0x100000, s0  }
0x6d: {  	[sflag:s0] =	ssyncadd.tile.s32 @!p0 $0x1;
	_ =	shalt  }
.Lfunc_end2:
_tile_overlayer_lowered:
.L_overlay_start_2:
0x6e: {  	(tag) =	ssettag $0x2  }
0x6f: {  	s0 =	rddreg [dreg:$0x0];
	s2 =	stileid.u32  }
0x70: {  	s1 =	rddreg [dreg:$0x1];
	p0 =	sne.s32 s2, $0x0  }
0x71: {  	s3 =	rddreg [dreg:$0x2];
	[bflag:$0x3] =	sbarrier.arrive $0xFFFF;
	s2 =	simm.s32 @!p0 $0x1C19  }
0x72: {  	[timem:s3], [sflag:s2] =	dma.local @!p0 [hbm:s0], s1  }
0x73: {  	s0 =	simm.s32 @!p0 $0x19  }
0x74: {  	_ =	swait.ge @!p0 [sflag:s0], s1  }
0x75: {  	s1 =	ssub.s32 @!p0 $0x0, s1;
	[sflag:s0] =	ssyncset.done @!p0 $0x0  }
0x76: {  	[sflag:s0] =	ssyncadd.s32 @!p0 s1  }
0x77: {  	[bflag:$0x3] =	sbarrier.arrive $0xFFFF  }
0x78: {  	_ =	shalt  }

// kernel: kernel.9.cloned.1.call-start
scs
__scs_entry_jumppad:
0x0: {  	(pc) =	sbr.rel $0x88, $3  }
0x1: {  	(tag) =	ssettag $0x0;
	lr =	simm.s32 $0x1  }
0x2: {  	[smem:$0x3F99] =	sst lr;
	_ =	strace $0xD0000000  }
0x3: {  	_ = 	snop  }
0x4: {  	_ = 	snop  }
0x5: {  	_ = 	snop  }
0x6: {  	_ = 	snop  }
0x7: {  	_ = 	snop  }
__scs_overlays_trampoline_lowered:
0x8: {  	[smem:$0x3FA8] =	sst s0  }
0x9: {  	[smem:$0x3FA9] =	sst s1  }
0xa: {  	[smem:$0x3FAA] =	sst s2  }
0xb: {  	[smem:$0x3FAB] =	sst s3  }
0xc: {  	[smem:$0x3FAC] =	sst s4  }
0xd: {  	[smem:$0x3FAD] =	sst s5  }
0xe: {  	[smem:$0x3FAE] =	sst s6  }
0xf: {  	[smem:$0x3FAF] =	sst s7  }
0x10: {  	[smem:$0x3FB0] =	sst s8  }
0x11: {  	[smem:$0x3FB1] =	sst s9;
	s0 =	simm.s32 @!p0 $0x0  }
0x12: {  	s1 =	sld [smem:$0x3F97];
	s0 =	simm.s32 @p0 $0x1  }
0x13: {  	[smem:$0x3FB2] =	sst s0;
	s0 =	simm.s32 @!p1 $0x0  }
0x14: {  	s2 =	sld [smem:$0x3F96];
	s0 =	simm.s32 @p1 $0x1  }
0x15: {  	[smem:$0x3FB3] =	sst s0;
	s0 =	simm.s32 @!p2 $0x0  }
0x16: {  	s3 =	sld [smem:$0x3FDB];
	s0 =	simm.s32 @p2 $0x1  }
0x17: {  	s4 =	simm.s32 $0x1BF5;
	[smem:$0x3FB5] =	sst s0  }
0x18: {  	s0 =	sld [smem:$0x3F98];
	_ =	swait.ge [sflag:s4], $0x0  }
0x19: {  	s7 =	sld [smem:$0x3F99]  }
0x1a: {  	s8 =	sadd.s32 $0xFFFFE003, lr  }
0x1b: {  	s9 =	sadd.s32 $0xFFFFFEF7, lr;
	s5 =	simm.s32 $0xFFFFFFFF;
	p2 =	slt.u32 s8, $0xFFFFF086  }
0x1c: {  	p1 =	slt.u32 s9, $0xF7A;
	s5 =	simm.s32 @!p2 $0x0  }
0x1d: {  	s5 =	simm.s32 @p1 $0x1;
	p0 =	seq.s32 s7, s2  }
0x1e: {  	s7 =	smul.u32 @!p0 $0xF7A, s2;
	p2 =	seq.s32 @!p0 s5, $0x0  }
0x1f: {  	s9 =	smul.u32 $0xF7A, s1;
	s8 =	simm.s32 @!p0 $0x1BF5;
	p2 =	por !p2, p0  }
0x20: {  	[sflag:s8] =	ssyncset.s32 @!p0 $0xFFFFF086;
	s6 =	sadd.s32 @!p0 s3, s7;
	s7 =	simm.s32 @!p0 $0x108  }
0x21: {  	s3 =	sadd.s32 s3, s9;
	s6 =	sadd.s32 @!p0 $0x88, s6;
	s7 =	simm.s32 @p2 $0x1082  }
0x22: {  	[simem:s7], [sflag:s8] =	dma.local @!p0 [hbm:s6], $0xF7A  }
0x23: {  	s9 =	sor.u32 $0xD0000000, s2;
	s6 =	simm.s32 $0x108;
	_ =	swait.ge @!p0 [sflag:s8], $0x0  }
0x24: {  	s3 =	sadd.s32 $0x88, s3;
	s6 =	simm.s32 @!p1 $0x1082;
	[sflag:s4] =	ssyncset.s32 $0xFFFFF086  }
0x25: {  	[simem:s6], [sflag:s4] =	dma.local [hbm:s3], $0xF7A  }
0x26: {  	[smem:$0x3F99] =	sst s1;
	(tag) =	ssettag s2;
	_ =	strace s9  }
0x27: {  	s1 =	sld [smem:$0x3FA9]  }
0x28: {  	s2 =	sld [smem:$0x3FAA]  }
0x29: {  	s4 =	sld [smem:$0x3FAC]  }
0x2a: {  	p0 =	seq.s32 s5, $0x0;
	s5 =	sld [smem:$0x3FAD]  }
0x2b: {  	s6 =	sld [smem:$0x3FAE]  }
0x2c: {  	s7 =	sld [smem:$0x3FAF]  }
0x2d: {  	s3 =	simm.s32 $0x108;
	s8 =	sld [smem:$0x3FB0]  }
0x2e: {  	s3 =	simm.s32 @!p0 $0x1082;
	s9 =	sld [smem:$0x3FB1]  }
0x2f: {  	lr =	sadd.s32 s0, s3;
	s0 =	sld [smem:$0x3FA8]  }
0x30: {  	s3 =	sld [smem:$0x3FAB]  }
0x31: {  	[smem:$0x3FB4] =	sst s10  }
0x32: {  	s10 =	sld [smem:$0x3FB2];
	_ =	sdelay $0x3  }
0x33: {  	p0 =	seq.s32 s10, $0x1;
	s10 =	sld [smem:$0x3FB4];
	_ =	sdelay $0x3  }
0x34: {  	[smem:$0x3FB4] =	sst s10  }
0x35: {  	s10 =	sld [smem:$0x3FB3];
	_ =	sdelay $0x3  }
0x36: {  	p1 =	seq.s32 s10, $0x1;
	s10 =	sld [smem:$0x3FB4];
	_ =	sdelay $0x3  }
0x37: {  	[smem:$0x3FB4] =	sst s10  }
0x38: {  	s10 =	sld [smem:$0x3FB5]  }
0x39: {  	_ = 	snop;
	(pc) =	sbr.ind lr, $3  }
0x3a: {  	_ = 	snop  }
0x3b: {  	_ = 	snop  }
0x3c: {  	p2 =	seq.s32 s10, $0x1;
	s10 =	sld [smem:$0x3FB4]  }
0x3d: {  	_ =	shalt  }
0x3e: {  	_ =	shalt  }
0x3f: {  	_ =	shalt  }
0x40: {  	_ =	shalt  }
0x41: {  	_ =	shalt  }
0x42: {  	_ =	shalt  }
0x43: {  	_ =	shalt  }
0x44: {  	_ =	shalt  }
0x45: {  	_ =	shalt  }
0x46: {  	_ =	shalt  }
0x47: {  	_ =	shalt  }
0x48: {  	_ =	shalt  }
0x49: {  	_ =	shalt  }
0x4a: {  	_ =	shalt  }
0x4b: {  	_ =	shalt  }
0x4c: {  	_ =	shalt  }
0x4d: {  	_ =	shalt  }
0x4e: {  	_ =	shalt  }
0x4f: {  	_ =	shalt  }
0x50: {  	_ =	shalt  }
0x51: {  	_ =	shalt  }
0x52: {  	_ =	shalt  }
0x53: {  	_ =	shalt  }
0x54: {  	_ =	shalt  }
0x55: {  	_ =	shalt  }
0x56: {  	_ =	shalt  }
0x57: {  	_ =	shalt  }
0x58: {  	_ =	shalt  }
0x59: {  	_ =	shalt  }
0x5a: {  	_ =	shalt  }
0x5b: {  	_ =	shalt  }
0x5c: {  	_ =	shalt  }
0x5d: {  	_ =	shalt  }
0x5e: {  	_ =	shalt  }
0x5f: {  	_ =	shalt  }
0x60: {  	_ =	shalt  }
0x61: {  	_ =	shalt  }
0x62: {  	_ =	shalt  }
0x63: {  	_ =	shalt  }
0x64: {  	_ =	shalt  }
0x65: {  	_ =	shalt  }
0x66: {  	_ =	shalt  }
0x67: {  	_ =	shalt  }
0x68: {  	_ =	shalt  }
0x69: {  	_ =	shalt  }
0x6a: {  	_ =	shalt  }
0x6b: {  	_ =	shalt  }
0x6c: {  	_ =	shalt  }
0x6d: {  	_ =	shalt  }
0x6e: {  	_ =	shalt  }
0x6f: {  	_ =	shalt  }
0x70: {  	_ =	shalt  }
0x71: {  	_ =	shalt  }
0x72: {  	_ =	shalt  }
0x73: {  	_ =	shalt  }
0x74: {  	_ =	shalt  }
0x75: {  	_ =	shalt  }
0x76: {  	_ =	shalt  }
0x77: {  	_ =	shalt  }
0x78: {  	_ =	shalt  }
0x79: {  	_ =	shalt  }
0x7a: {  	_ =	shalt  }
0x7b: {  	_ =	shalt  }
0x7c: {  	_ =	shalt  }
0x7d: {  	_ =	shalt  }
0x7e: {  	_ =	shalt  }
0x7f: {  	_ =	shalt  }
0x80: {  	_ =	shalt  }
0x81: {  	_ =	shalt  }
0x82: {  	_ =	shalt  }
0x83: {  	_ =	shalt  }
0x84: {  	_ =	shalt  }
0x85: {  	_ =	shalt  }
0x86: {  	_ =	shalt  }
0x87: {  	_ =	shalt  }
.Lfunc_end0:
.L_simem_size_0:
called_computation_lowered:
.L_overlay_start_0:
0x88: {  	s2 =	sld [smem:$0x3FD9]  }
0x89: {  	s3 =	sld [smem:$0x3FFE];
	_ =	sdelay $0x1  }
0x8a: {  	s1 =	srdreg.scid  }
0x8b: {  	s0 =	sand.u32 $0x1, s1  }
0x8c: {  	s16 =	sshll.u32 s0, $0xA;
	s2 =	sadd.s32 s3, s2  }
0x8d: {  	s2 =	sadd.s32 s2, s16  }
0x8e: {  	[smem:$0x3FC0] =	sst s2  }
0x8f: {  	_ = 	snop  }
0x90: {  	(tm) =	ssettm $0x1  }
0x91: {  	s17 =	sld [smem:$0x3FFB];
	_ =	sdelay $0x3  }
0x92: {  	_ =	strace s17  }
0x93: {  	s2 =	sld [smem:$0x3FFC];
	_ =	sdelay $0x3  }
0x94: {  	_ =	strace s2  }
0x95: {  	s2 =	sld [smem:$0x3FFD];
	_ =	sdelay $0x3  }
0x96: {  	_ =	strace s2  }
0x97: {  	_ =	strace $0x8FFFFFFF  }
0x98: {  	s18 =	sld [smem:$0x3FDB];
	_ =	sdelay $0x1  }
0x99: {  	s19 =	simm.s32 $_scs_section_size  }
0x9a: {  	s4 =	simm.s32 $_size__tile_overlayer_lowered;
	s5 =	simm.s32 $_tile_overlayer_lowered  }
0x9b: {  	s22 =	simm.s32 $0x1BFF;
	s21 =	sshll.u32 s5, $0x1;
	s2 =	sadd.s32 s19, s18  }
0x9c: {  	s6 =	simm.s32 $0x0;
	s20 =	sshll.u32 s4, $0x1;
	s4 =	sadd.s32 s21, s2  }
0x9d: {  	[timem:s6], [sflag:s22] =	dma.local [hbm:s4], s20  }
0x9e: {  	_ =	swait.ge [sflag:s22], s20  }
0x9f: {  	s3 =	ssub.s32 $0x0, s20;
	[sflag:s22] =	ssyncset.done $0x0  }
0xa0: {  	[sflag:s22] =	ssyncadd.s32 s3;
	_ =	sdelay $0x1  }
0xa1: {  	s23 =	simm.s32 $0x1B8B  }
0xa2: {  	_ =	swait.ge [sflag:s23], $0x1  }
0xa3: {  	[sflag:s23] =	ssyncset.done $0x0  }
0xa4: {  	s25 =	simm.s32 $0x1B8E;
	s24 =	sld [smem:$0x3FFE];
	[sflag:s23] =	ssyncadd.s32 $0xFFFFFFFF  }
0xa5: {  	s26 =	simm.s32 $execute0_lowered;
	[smem:$0x3FD2] =	sst s25  }
0xa6: {  	s4 =	sshll.u32 s26, $0x1;
	_ =	strace $0x80000046;
	[dreg:$0x1] =	wrdreg $0xFFFFFFFF  }
0xa7: {  	s28 =	simm.s32 $_size_execute0_lowered;
	s2 =	sadd.s32 s2, s4;
	[dreg:$0x0] =	wrdreg $0x0  }
0xa8: {  	s4 =	sshll.u32 s28, $0x1;
	[dreg:$0x2] =	wrdreg s2  }
0xa9: {  	[dreg:$0x3] =	wrdreg s4  }
0xaa: {  	[dreg:$0x4] =	wrdreg $0xC0  }
0xab: {  	_ =	task [dreg:s6], $0x5FFFF  }
0xac: {  	[dreg:$0x1] =	wrdreg $0xFFFFFFFF  }
0xad: {  	[dreg:$0x0] =	wrdreg $0x60  }
0xae: {  	[dreg:$0x2] =	wrdreg s24  }
0xaf: {  	[dreg:$0x3] =	wrdreg $0x29900  }
0xb0: {  	[dreg:$0x4] =	wrdreg $0x9  }
0xb1: {  	_ =	task.clear_ibuf [dreg:s6], $0x5FFFF;
	_ =	strace $0x90000046  }
0xb2: {  	s29 =	simm.s32 $0x9;
	_ =	strace $0x80000048  }
0xb3: {  	_ =	swait.ge [sflag:s29], $0x1  }
0xb4: {  	[sflag:s29] =	ssyncadd.s32 $0xFFFFFFFF  }
0xb5: {  	_ =	strace $0x90000048  }
0xb6: {  	_ =	sfence  }
0xb7: {  	s30 =	sld [smem:$0x0];
	_ =	sdelay $0x2  }
0xb8: {  	s31 =	sshll.u32 s1, $0xD;
	s1 =	sshrl.u32 s1, $0x2  }
0xb9: {  	s3 =	sand.u32 $0x4000, s31;
	s1 =	sadd.s32 s1, s30  }
0xba: {  	s0 =	sor.u32 s3, s0;
	s1 =	sshll.u32 s1, $0x11  }
0xbb: {  	s0 =	sor.u32 s1, s0  }
0xbc: {  	s0 =	sadd.s32 $0x8F2B, s0  }
0xbd: {  	[sflag:s0] =	ssyncadd.remote.s32 $0x1  }
0xbe: {  	_ =	sfence.sel $0xFFFF  }
0xbf: {  	[dreg:$0x0] =	wrdreg $0xFFFFFFFF;
	(pc) =	sbr.abs _section_cstart, $3  }
0xc0: {  	[dreg:$0x1] =	wrdreg $0xFFFFFFFF  }
0xc1: {  	_ =	task.clear_ibuf [dreg:s6], $0x2FFFF;
	_ =	strace $0x9FFFFFFF  }
0xc2: {  	(tm) =	ssettm $0x7FFFFFFF  }
0xc3: {  	_ =	shalt  }
tec
execute0_lowered:
.L_overlay_start_1:
0x0: {  	(tag) =	ssettag $0x1  }
0x1: {  	s0 =	srdreg.scid;
	s6 =	rddreg [dreg:$0x0]  }
0x2: {  	s2 =	rddreg [dreg:$0x1];
	s1 =	stileid.u32  }
0x3: {  	s3 =	simm.s32 $0x0;
	s15 =	simm.s32 $0x50;
	s16 =	simm.s32 $0xA0  }
0x4: {  	s17 =	simm.s32 $0xF0;
	s18 =	simm.s32 $0x2;
	s19 =	simm.s32 $0x3  }
0x5: {  	s20 =	simm.s32 $0x4;
	s4 =	sand.u32 $0x1, s0;
	s0 =	rddreg [dreg:$0x2]  }
0x6: {  	s21 =	simm.s32 $0x1;
	s23 =	simm.s32 $0x0;
	[smem:$0x7FF] =	sst s3  }
0x7: {  	s7 =	smul.u32 $0x13C0, s1;
	s12 =	sadd.s32 $0x15E00, s6;
	s22 =	sadd.s32 $0x12840, s2  }
0x8: {  	s13 =	sshll.u32 s1, $0x6;
	p0 =	seq.s32 s1, $0xF;
	s5 =	sshll.u32 s4, $0x4  }
0x9: {  	_ =	strace $0x80000047;
	s9 =	ssub.s32 $0x2, s4;
	s10 =	smul.u32 $0x13880, s4  }
0xa: {  	s4 =	sadd.s32 $0x15C00, s6;
	s13 =	sor.u32 $0x1C05, s13;
	s5 =	sor.u32 s1, s5  }
0xb: {  	s22 =	sshrl.u32 @p0 s22, $0x3;
	s11 =	sshrl.u32 s9, $0x1;
	s5 =	smul.u32 $0x4E2, s5  }
0xc: {  	s11 =	ssub.s32 s9, s11;
	s29 =	sadd.s32 s7, s10;
	s31 =	sshrl.u32 s10, $0x3  }
0xd: {  	s7 =	sadd.s32 s7, s2;
	s30 =	sshrl.u32 s29, $0x3;
	s9 =	sadd.s32 s12, s31  }
0xe: {  	s10 =	smax.u32 s11, $0x1;
	s11 =	simm.s32 $0x5;
	s14 =	sshrl.u32 s7, $0x3  }
0xf: {  	s8 =	sadd.s32 s5, s6;
	s5 =	sadd.s32 $0x15800, s6;
	s9 =	sadd.s32 $0x2508, s9  }
0x10: {  	s6 =	sadd.s32 $0xBA00, s8;
	s8 =	sadd.s32 s12, s30;
	s12 =	simm.s32 $0x2710  }
.LBB2_1:
0x11: {  	[tilespmem:s3], [sflag:$0x5] =	stream.linear.gather [hbm4b:s6+s3], $0x2710, $0x38;
	[tilespmem:$0x3D50] =	vst v63  }
0x12: {  	_ =	swait.ge [sflag:s11], $0x2710  }
0x13: {  	[sflag:s11] =	ssyncset.done $0x0  }
0x14: {  	[sflag:s11] =	ssyncadd.s32 $0xFFFFD8F0  }
0x15: {  	[tilespmem:s12], [sflag:$0x5] =	stream.linear.gather [hbm4b:s4+s3], $0x280, $0x38;
	[tilespmem:$0x3D50] =	vst v63  }
0x16: {  	_ =	swait.ge [sflag:s11], $0x280  }
0x17: {  	[sflag:s11] =	ssyncset.done $0x0  }
0x18: {  	[sflag:s11] =	ssyncadd.s32 $0xFFFFFD80  }
0x19: {  	[spmem:s14], [sflag:s13] =	dma.local [hbm:s5], $0x278  }
0x1a: {  	_ =	swait.ge [sflag:s11], $0x278  }
0x1b: {  	[sflag:s11] =	ssyncset.done $0x0  }
0x1c: {  	[sflag:s11] =	ssyncadd.s32 $0xFFFFFD88  }
0x1d: {  	[bflag:$0x0] =	sbarrier.arrive $0xFFFF  }
0x1e: {  	[spmem:s2] =	stream.indirect.scatter.add.f32 [tilespmem:s12], [sflag:$0x1], $0x8, s3, s15, $0xb8;
	[tilespmem:$0x3D50] =	vst v63  }
0x1f: {  	_ = 	snop  }
0x20: {  	[spmem:s2] =	stream.indirect.scatter.add.f32 [tilespmem:s12], [sflag:$0x2], $0x8, s15, s15, $0xb8;
	[tilespmem:$0x3D50] =	vst v63  }
0x21: {  	s24 =	sand.u32 $0x3, s20  }
0x22: {  	[spmem:s2] =	stream.indirect.scatter.add.f32 [tilespmem:s12], [sflag:$0x3], $0x8, s16, s15, $0xb8;
	[tilespmem:$0x3D50] =	vst v63  }
0x23: {  	s25 =	sadd.s32 $0x1, s24  }
0x24: {  	[spmem:s2] =	stream.indirect.scatter.add.f32 [tilespmem:s12], [sflag:$0x4], $0x8, s17, s15, $0xb8;
	[tilespmem:$0x3D50] =	vst v63  }
0x25: {  	_ =	swait.ge [sflag:s25], $0x280  }
0x26: {  	s26 =	simm.s32 $0x5;
	[sflag:s25] =	ssyncset.done $0x0  }
0x27: {  	s24 =	simm.s32 $0x140;
	s26 =	sand.u32 $0x3, s26;
	[sflag:s25] =	ssyncadd.s32 $0xFFFFFD80  }
0x28: {  	[spmem:s2] =	stream.indirect.scatter.add.f32 [tilespmem:s12], [sflag:s25], $0x8, s24, s15, $0xb8;
	[tilespmem:$0x3D50] =	vst v63  }
0x29: {  	s25 =	sadd.s32 $0x1, s26  }
0x2a: {  	s26 =	simm.s32 $0x6;
	_ =	swait.ge [sflag:s25], $0x280  }
.LBB2_2:
0x2b: {  	s28 =	sand.u32 $0x3, s26  }
0x2c: {  	[sflag:s25] =	ssyncset.done $0x0;
	s24 =	sadd.s32 $0x50, s24;
	p1 =	sne.s32 s26, $0x7C  }
.Ltmp0:
0x2d: {  	s28 =	sadd.s32 $0x1, s28;
	[sflag:s25] =	ssyncadd.s32 $0xFFFFFD80;
	(pc) =	sbr.rel @p1 .LBB2_2-.Ltmp0, $3  }
0x2e: {  	[spmem:s2] =	stream.indirect.scatter.add.f32 [tilespmem:s12], [sflag:s25], $0x8, s24, s15, $0xb8;
	[tilespmem:$0x3D50] =	vst v63  }
0x2f: {  	s25 =	smov.u32 s28;
	_ =	swait.ge [sflag:s28], $0x280;
	_ =	sdelay $0x1  }
0x30: {  	s26 =	sadd.s32 $0x1, s26  }
0x31: {  	[sflag:s25] =	ssyncset.done $0x0  }
0x32: {  	s24 =	sadd.s32 $0x50, s24;
	[sflag:s25] =	ssyncadd.s32 $0xFFFFFD80  }
0x33: {  	[spmem:s2] =	stream.indirect.scatter.add.f32 [tilespmem:s12], [sflag:s25], $0x8, s24, s15, $0xb8;
	[tilespmem:$0x3D50] =	vst v63  }
0x34: {  	_ =	swait.ge [sflag:s18], $0x280  }
0x35: {  	[sflag:s18] =	ssyncset.done $0x0  }
0x36: {  	[sflag:s18] =	ssyncadd.s32 $0xFFFFFD80  }
0x37: {  	_ =	swait.ge [sflag:s19], $0x280  }
0x38: {  	[sflag:s19] =	ssyncset.done $0x0  }
0x39: {  	[sflag:s19] =	ssyncadd.s32 $0xFFFFFD80  }
0x3a: {  	_ =	swait.ge [sflag:s20], $0x280  }
0x3b: {  	[sflag:s20] =	ssyncset.done $0x0  }
0x3c: {  	[sflag:s20] =	ssyncadd.s32 $0xFFFFFD80  }
0x3d: {  	_ =	swait.ge [sflag:s21], $0x280  }
0x3e: {  	[sflag:s21] =	ssyncset.done $0x0  }
0x3f: {  	[sflag:s21] =	ssyncadd.s32 $0xFFFFFD80  }
0x40: {  	s24 =	simm.s32 @p0 $0x5;
	[bflag:$0x0] =	sbarrier.arrive $0xFFFF  }
0x41: {  	[hbm:s9], [sflag:s13] =	dma.local @p0 [spmem:s22], $0x208  }
0x42: {  	_ =	swait.ge @p0 [sflag:s24], $0x208  }
0x43: {  	s23 =	sadd.s32 $0x1, s23;
	[sflag:s24] =	ssyncset.done @p0 $0x0  }
0x44: {  	p1 =	sne.s32 s23, s10;
	[sflag:s24] =	ssyncadd.s32 @p0 $0xFFFFFDF8;
	s24 =	sshrl.u32 @!p0 s7, $0x3  }
0x45: {  	[hbm:s8], [sflag:s13] =	dma.local @!p0 [spmem:s24], $0x278  }
.Ltmp1:
0x46: {  	_ = 	snop;
	(pc) =	sbr.rel @p1 .LBB2_1-.Ltmp1, $4  }
0x47: {  	s24 =	simm.s32 @!p0 $0x5  }
0x48: {  	_ =	swait.ge @!p0 [sflag:s24], $0x278  }
0x49: {  	[sflag:s24] =	ssyncset.done @!p0 $0x0  }
0x4a: {  	[sflag:s24] =	ssyncadd.s32 @!p0 $0xFFFFFD88  }
0x4b: {  	_ =	sfence.sel $0x180000  }
0x4c: {  	[bflag:$0x0] =	sbarrier.arrive $0xFFFF  }
0x4d: {  	p0 =	sne.s32 s1, $0x0;
	_ =	strace $0x90000047  }
0x4e: {  	s0 =	sadd.s32 @!p0 $0x100000, s0;
	[bflag:$0x2] =	sbarrier.arrive $0xFFFF  }
0x4f: {  	[sflag:s0] =	ssyncadd.tile.s32 @!p0 $0x1;
	_ =	shalt  }
.Lfunc_end2:
_tile_overlayer_lowered:
.L_overlay_start_2:
0x50: {  	(tag) =	ssettag $0x2  }
0x51: {  	s0 =	rddreg [dreg:$0x0];
	s2 =	stileid.u32  }
0x52: {  	s1 =	rddreg [dreg:$0x1];
	p0 =	sne.s32 s2, $0x0  }
0x53: {  	s3 =	rddreg [dreg:$0x2];
	[bflag:$0x3] =	sbarrier.arrive $0xFFFF;
	s2 =	simm.s32 @!p0 $0x1C05  }
0x54: {  	[timem:s3], [sflag:s2] =	dma.local @!p0 [hbm:s0], s1  }
0x55: {  	s0 =	simm.s32 @!p0 $0x5  }
0x56: {  	_ =	swait.ge @!p0 [sflag:s0], s1  }
0x57: {  	s1 =	ssub.s32 @!p0 $0x0, s1;
	[sflag:s0] =	ssyncset.done @!p0 $0x0  }
0x58: {  	[sflag:s0] =	ssyncadd.s32 @!p0 s1  }
0x59: {  	[bflag:$0x3] =	sbarrier.arrive $0xFFFF  }
0x5a: {  	_ =	shalt  }

</sc_bundles>
